<compile_context>
chip_gen: v7x
topology: tpu7x:2x2x1
jax: 0.10.2.dev20260603
libtpu: 0.0.44.dev20260713+nightly
codegen_flags: <defaults>
</compile_context>

<pallas_src>
import functools

import jax
import jax.numpy as jnp
import numpy as np
from jax import lax
from jax.experimental import pallas as pl
from jax.experimental.pallas import tpu as pltpu
from jax.experimental.pallas import tpu_sc as plsc

N = 100000
D = 128
MAX_DEG = 128
B = 512
H = 128
C = 50
NS1 = 10
NS2 = 25

NW = 32
SEEDS_T = B // NW
S1_T = SEEDS_T * NS1
S2_T = S1_T * NS2
CH = 8
CHROWS = CH * NS2
CHSPLIT = 96
NCHUNK = S1_T // CH
LANE = 16
IDCHUNK = 80
S2P = 4096


def _sampled_cols():
    cpu = jax.local_devices(backend="cpu")[0]
    with jax.default_device(cpu):
        col0 = jax.random.randint(jax.random.fold_in(jax.random.key(1), 0),
                                  (B, NS1), 0, MAX_DEG, dtype=jnp.int32)
        col1 = jax.random.randint(jax.random.fold_in(jax.random.key(1), 1),
                                  (B * NS1, NS2), 0, MAX_DEG, dtype=jnp.int32)
        return (np.asarray(col0).reshape(-1), np.asarray(col1).reshape(-1))


_COL0, _COL1 = _sampled_cols()


def _expand(v, fanout, p0, lanes):
    node_lo = p0 // fanout
    node_hi = (p0 + LANE - 1) // fanout
    rep = jnp.full((LANE,), v[node_lo % LANE], jnp.int32)
    for k in range(node_lo + 1, node_hi + 1):
        rep = jnp.where(lanes >= k * fanout - p0,
                        jnp.full((LANE,), v[k % LANE], jnp.int32), rep)
    return rep


def _sc_body(inputs_hbm, col0_hbm, col1_hbm, adjf_hbm, feat_hbm,
             h0_out, h1_out, x2m_out,
             seed_v, col0_v, i1_v, col1_v, s1_v, s2i_v, s2_v, fbufA, fbufB,
             acc, sem0, sem1, sem2, semA, semB):
    cid = lax.axis_index("c")
    sid = lax.axis_index("s")
    wid = sid * 2 + cid
    base_s = wid * SEEDS_T
    base_1 = wid * S1_T
    base_2 = wid * S2_T

    pltpu.sync_copy(inputs_hbm.at[pl.ds(base_s, SEEDS_T)], seed_v)
    pltpu.sync_copy(col0_hbm.at[pl.ds(base_1, S1_T)], col0_v)
    pltpu.sync_copy(col1_hbm.at[pl.ds(base_2, S2_T)], col1_v)

    lanes = lax.iota(jnp.int32, LANE)

    sv = seed_v[pl.ds(0, LANE)]
    for g in range(S1_T // LANE):
        p0 = g * LANE
        rep = _expand(sv, NS1, p0, lanes)
        i1_v[pl.ds(p0, LANE)] = rep * MAX_DEG + col0_v[pl.ds(p0, LANE)]

    c0 = pltpu.async_copy(adjf_hbm.at[i1_v.at[pl.ds(0, IDCHUNK)]],
                          s1_v.at[pl.ds(0, IDCHUNK)], sem0)
    c1 = pltpu.async_copy(adjf_hbm.at[i1_v.at[pl.ds(IDCHUNK, IDCHUNK)]],
                          s1_v.at[pl.ds(IDCHUNK, IDCHUNK)], sem0)
    c0.wait()
    c1.wait()

    cp_h0 = pltpu.async_copy(feat_hbm.at[seed_v],
                             fbufA.at[pl.ds(0, SEEDS_T)], sem1)
    cp_h1a = pltpu.async_copy(feat_hbm.at[s1_v.at[pl.ds(0, IDCHUNK)]],
                              acc.at[pl.ds(0, IDCHUNK)], sem2)
    cp_h1b = pltpu.async_copy(feat_hbm.at[s1_v.at[pl.ds(IDCHUNK, IDCHUNK)]],
                              acc.at[pl.ds(IDCHUNK, IDCHUNK)], sem2)

    BLK = LANE * NS2

    def expand_block(sb, carry):
        v = s1_v[pl.ds(sb * LANE, LANE)]
        pbase = sb * BLK
        for j in range(NS2):
            p0 = j * LANE
            rep = _expand(v, NS2, p0, lanes)
            s2i_v[pl.ds(pbase + p0, LANE)] = (
                rep * MAX_DEG + col1_v[pl.ds(pbase + p0, LANE)])
        return carry
    lax.fori_loop(0, S1_T // LANE, expand_block, 0)
    for t in range(S2_T // LANE, S2P // LANE):
        s2i_v[pl.ds(t * LANE, LANE)] = jnp.zeros((LANE,), jnp.int32)

    def fire_id(i, carry):
        pltpu.async_copy(adjf_hbm.at[s2i_v.at[pl.ds(i * 128, 128)]],
                         s2_v.at[pl.ds(i * 128, 128)], sem0)
        return carry
    lax.fori_loop(0, S2P // 128, fire_id, 0)
    pltpu.make_async_copy(adjf_hbm.at[s2i_v], s2_v, sem0).wait()

    cp_h0.wait()
    pltpu.sync_copy(fbufA.at[pl.ds(0, SEEDS_T)],
                    h0_out.at[pl.ds(base_s, SEEDS_T)])
    cp_h1a.wait()
    cp_h1b.wait()
    pltpu.sync_copy(acc, h1_out.at[pl.ds(base_1, S1_T)])

    bufs = [fbufA, fbufB]
    sems = [semA, semB]
    inv = jnp.float32(1.0 / NS2)

    FSPLITS = ((0, 48), (48, 48), (96, 48), (144, 56))

    def fire_feat(g, buf, sem):
        base = g * CHROWS
        for (off, ln) in FSPLITS:
            pltpu.async_copy(
                feat_hbm.at[s2_v.at[pl.ds(base + off, ln)]],
                buf.at[pl.ds(off, ln)], sem)

    def wait_feat(g, buf, sem):
        pltpu.make_async_copy(
            feat_hbm.at[s2_v.at[pl.ds(g * CHROWS, CHROWS)]], buf, sem).wait()

    NCC = D // LANE

    def accum(g, buf):
        def node_body(n, carry):
            rbase = n * NS2

            def add_body(j, accs):
                for t in range(5):
                    accs = tuple(
                        accs[cc] + buf[rbase + j * 5 + t,
                                       pl.ds(cc * LANE, LANE)]
                        for cc in range(NCC))
                return accs
            accs = lax.fori_loop(
                0, NS2 // 5, add_body,
                tuple(jnp.zeros((LANE,), jnp.float32) for _ in range(NCC)))
            for cc in range(NCC):
                acc[g * CH + n, pl.ds(cc * LANE, LANE)] = accs[cc] * inv
            return carry
        lax.fori_loop(0, CH, node_body, 0)

    fire_feat(0, fbufA, semA)

    def pair_body(u, carry):
        g0 = u * 2
        fire_feat(g0 + 1, fbufB, semB)
        wait_feat(g0, fbufA, semA)
        accum(g0, fbufA)

        @pl.when(u < NCHUNK // 2 - 1)
        def _():
            fire_feat(g0 + 2, fbufA, semA)
        wait_feat(g0 + 1, fbufB, semB)
        accum(g0 + 1, fbufB)
        return carry
    lax.fori_loop(0, NCHUNK // 2, pair_body, 0)
    pltpu.sync_copy(acc, x2m_out.at[pl.ds(base_1, S1_T)])


def _sc_gather_aggregate(inputs, col0, col1, adj_flat, features):
    mesh = plsc.VectorSubcoreMesh(core_axis_name="c", subcore_axis_name="s")
    f32, i32 = jnp.float32, jnp.int32
    kern = functools.partial(
        pl.kernel,
        mesh=mesh,
        out_type=(
            jax.ShapeDtypeStruct((B, D), f32),
            jax.ShapeDtypeStruct((B * NS1, D), f32),
            jax.ShapeDtypeStruct((B * NS1, D), f32),
        ),
        scratch_types=[
            pltpu.VMEM((SEEDS_T,), i32),
            pltpu.VMEM((S1_T,), i32),
            pltpu.VMEM((S1_T,), i32),
            pltpu.VMEM((S2_T,), i32),
            pltpu.VMEM((S1_T,), i32),
            pltpu.VMEM((S2P,), i32),
            pltpu.VMEM((S2P,), i32),
            pltpu.VMEM((CHROWS, D), f32),
            pltpu.VMEM((CHROWS, D), f32),
            pltpu.VMEM((S1_T, D), f32),
            pltpu.SemaphoreType.DMA,
            pltpu.SemaphoreType.DMA,
            pltpu.SemaphoreType.DMA,
            pltpu.SemaphoreType.DMA,
            pltpu.SemaphoreType.DMA,
        ],
    )(_sc_body)
    return kern(inputs, col0, col1, adj_flat, features)


def _tc_body(h0, h1, x2m, ws0, wn0, ws1, wn1, wp, bp, out):
    h1v = h1[...]
    l0h1 = jnp.maximum(
        jnp.concatenate([h1v @ ws0[...], x2m[...] @ wn0[...]], axis=1), 0.0)
    m10h1 = jnp.mean(h1v.reshape(B, NS1, D), axis=1)
    l0h0 = jnp.maximum(
        jnp.concatenate([h0[...] @ ws0[...], m10h1 @ wn0[...]], axis=1), 0.0)
    m10 = jnp.mean(l0h1.reshape(B, NS1, 2 * H), axis=1)
    x = jnp.concatenate([l0h0 @ ws1[...], m10 @ wn1[...]], axis=1)
    sq = jnp.sum(x * x, axis=1, keepdims=True)
    x = x * lax.rsqrt(jnp.maximum(sq, 1e-12))
    logits = x @ wp[...] + bp[...]
    out[...] = jax.nn.softmax(logits, axis=-1)


def kernel(inputs, features, adj_info, W_self0, W_neigh0, W_self1, W_neigh1,
           W_pred, b_pred):
    col0 = jnp.asarray(_COL0)
    col1 = jnp.asarray(_COL1)
    adj_flat = adj_info.reshape(-1)
    h0, h1, x2m = _sc_gather_aggregate(inputs, col0, col1, adj_flat, features)
    return pl.pallas_call(
        _tc_body,
        out_shape=jax.ShapeDtypeStruct((B, C), jnp.float32),
    )(h0, h1, x2m, W_self0, W_neigh0, W_self1, W_neigh1, W_pred,
      b_pred.reshape(1, C))

# --- scband reference (transcript-rebuilt; emitter-appended) ---
"""Pipeline reference for scband-supervised-graphsage-32804960207333 (READ-ONLY COPY).

The authoritative reference and input builder live on the scoring server;
editing this copy changes nothing except your own understanding.
"""

import jax, jax.numpy as jnp
import numpy as np

N = 100000      # n_nodes
D = 128         # d_feat
MAX_DEG = 128   # adjacency table width
B = 512         # batch of seed nodes
H = 128         # hidden_dim
C = 50          # num_classes
NUM_SAMPLES = [25, 10]  # layer_infos fan-outs (layer1, layer2)


def setup_inputs(seed: int = 0) -> dict:
    key = jax.random.key(seed)
    ks = jax.random.split(key, 10)
    inputs = jax.random.randint(ks[0], (B,), 0, N, dtype=jnp.int32)
    features = jax.random.normal(ks[1], (N, D), dtype=jnp.float32)
    adj_info = jax.random.randint(ks[2], (N, MAX_DEG), 0, N, dtype=jnp.int32)
    W_self0 = jax.random.normal(ks[3], (D, H), dtype=jnp.float32) * (1.0 / np.sqrt(D))
    W_neigh0 = jax.random.normal(ks[4], (D, H), dtype=jnp.float32) * (1.0 / np.sqrt(D))
    W_self1 = jax.random.normal(ks[5], (2 * H, H), dtype=jnp.float32) * (1.0 / np.sqrt(2 * H))
    W_neigh1 = jax.random.normal(ks[6], (2 * H, H), dtype=jnp.float32) * (1.0 / np.sqrt(2 * H))
    W_pred = jax.random.normal(ks[7], (2 * H, C), dtype=jnp.float32) * (1.0 / np.sqrt(2 * H))
    b_pred = jnp.zeros((C,), dtype=jnp.float32)
    return {"inputs": inputs, "features": features, "adj_info": adj_info,
            "W_self0": W_self0, "W_neigh0": W_neigh0,
            "W_self1": W_self1, "W_neigh1": W_neigh1,
            "W_pred": W_pred, "b_pred": b_pred}


def _sample(nodes, adj_info):
    # GraphSAGE uniform neighbor sampler: samples[k+1] = sampled neighbors of samples[k]
    samples = [nodes]
    n_layers = len(NUM_SAMPLES)
    for k in range(n_layers):
        t = n_layers - k - 1
        ns = NUM_SAMPLES[t]
        cur = samples[k]
        rows = jnp.take(adj_info, cur, axis=0)            # [n_cur, MAX_DEG] gather
        col = jax.random.randint(jax.random.fold_in(jax.random.key(1), k),
                                 (cur.shape[0], ns), 0, MAX_DEG, dtype=jnp.int32)
        picked = jnp.take_along_axis(rows, col, axis=1)   # [n_cur, ns]
        samples.append(picked.reshape(-1))
    return samples


def _forward(inputs, features, adj_info, W_self0, W_neigh0, W_self1, W_neigh1, W_pred, b_pred):
    n_layers = len(NUM_SAMPLES)
    samples = _sample(inputs, adj_info)
    # feature lookup for every sampled node set (memory-bound gathers)
    hidden = [jnp.take(features, s, axis=0) for s in samples]
    support_sizes = [B]
    for k in range(n_layers):
        t = n_layers - k - 1
        support_sizes.append(support_sizes[-1] * NUM_SAMPLES[t])
    dims = [D, 2 * H]  # concat=True doubles dims after each layer
    W_self = [W_self0, W_self1]
    W_neigh = [W_neigh0, W_neigh1]
    for layer in range(n_layers):
        act = jax.nn.relu if layer < n_layers - 1 else (lambda x: x)
        next_hidden = []
        for hop in range(n_layers - layer):
            ns = NUM_SAMPLES[n_layers - hop - 1]
            neigh = hidden[hop + 1].reshape(support_sizes[hop], ns, dims[layer])
            self_vecs = hidden[hop]
            neigh_mean = jnp.mean(neigh, axis=1)
            from_neighs = neigh_mean @ W_neigh[layer]
            from_self = self_vecs @ W_self[layer]
            h = act(jnp.concatenate([from_self, from_neighs], axis=1))
            next_hidden.append(h)
        hidden = next_hidden
    x = hidden[0]                                        # [B, 2H]
    # tf.math.l2_normalize(x, 1)
    sq = jnp.sum(x * x, axis=1, keepdims=True)
    x = x * jax.lax.rsqrt(jnp.maximum(sq, 1e-12))
    x = x @ W_pred + b_pred
    return jax.nn.softmax(x, axis=-1)


def reference(inputs, features, adj_info, W_self0, W_neigh0, W_self1, W_neigh1, W_pred, b_pred):
    return _forward(inputs, features, adj_info, W_self0, W_neigh0,
                    W_self1, W_neigh1, W_pred, b_pred)

if __name__ == "__main__":
    import jax
    _d = setup_inputs()
    print(jax.jit(kernel)(*tuple(_d.values())))

</pallas_src>

<mosaic_0001>
#map = affine_map<(d0, d1) -> (0)>
#map1 = affine_map<(d0, d1) -> (0, 0)>
module attributes {stable_mosaic.version = 14 : i64} {
  func.func @_sc_body(%arg0: i32, %arg1: i32, %arg2: memref<512xi32, #tpu.memory_space<hbm>>, %arg3: memref<5120xi32, #tpu.memory_space<hbm>>, %arg4: memref<128000xi32, #tpu.memory_space<hbm>>, %arg5: memref<12800000xi32, #tpu.memory_space<hbm>>, %arg6: memref<100000x128xf32, #tpu.memory_space<hbm>>, %arg7: memref<512x128xf32, #tpu.memory_space<hbm>>, %arg8: memref<5120x128xf32, #tpu.memory_space<hbm>>, %arg9: memref<5120x128xf32, #tpu.memory_space<hbm>>, %arg10: memref<16xi32, #tpu.memory_space<vmem>>, %arg11: memref<160xi32, #tpu.memory_space<vmem>>, %arg12: memref<160xi32, #tpu.memory_space<vmem>>, %arg13: memref<4000xi32, #tpu.memory_space<vmem>>, %arg14: memref<160xi32, #tpu.memory_space<vmem>>, %arg15: memref<4096xi32, #tpu.memory_space<vmem>>, %arg16: memref<4096xi32, #tpu.memory_space<vmem>>, %arg17: memref<200x128xf32, #tpu.memory_space<vmem>>, %arg18: memref<200x128xf32, #tpu.memory_space<vmem>>, %arg19: memref<160x128xf32, #tpu.memory_space<vmem>>, %arg20: memref<!tpu.dma_semaphore, #tpu.memory_space<semaphore_mem>>, %arg21: memref<!tpu.dma_semaphore, #tpu.memory_space<semaphore_mem>>, %arg22: memref<!tpu.dma_semaphore, #tpu.memory_space<semaphore_mem>>, %arg23: memref<!tpu.dma_semaphore, #tpu.memory_space<semaphore_mem>>, %arg24: memref<!tpu.dma_semaphore, #tpu.memory_space<semaphore_mem>>) attributes {dimension_semantics = [#tpu.dimension_semantics<core_parallel>, #tpu.dimension_semantics<subcore_parallel>], iteration_bounds = array<i64: 2, 16>, scalar_prefetch = 0 : i64, scratch_operands = 15 : i64, tpu.core_type = #tpu.core_type<sc_vector_subcore>, window_params = [{transform_indices = #map}, {transform_indices = #map}, {transform_indices = #map}, {transform_indices = #map}, {transform_indices = #map1}, {transform_indices = #map1}, {transform_indices = #map1}, {transform_indices = #map1}]} {
    %mul3A = arith.constant 2 : i32
    %mul3A_0 = arith.muli %arg1, %mul3A : i32
    %add3A = arith.addi %mul3A_0, %arg0 : i32
    %mul3A_1 = arith.constant 16 : i32
    %mul3A_2 = arith.muli %add3A, %mul3A_1 : i32
    %mul3A_3 = arith.constant 160 : i32
    %mul3A_4 = arith.muli %add3A, %mul3A_3 : i32
    %mul3A_5 = arith.constant 4000 : i32
    %mul3A_6 = arith.muli %add3A, %mul3A_5 : i32
    "tpu.region"() ({
      %run_scoped3A = tpu.sem_alloc : memref<!tpu.dma_semaphore, #tpu.memory_space<semaphore_mem>>
      %dma_start3A_395 = tpu.memref_slice %arg2[%mul3A_2] : memref<512xi32, #tpu.memory_space<hbm>> -> memref<16xi32, #tpu.memory_space<hbm>>
      %dma_start3A_396 = tpu.memref_slice %arg2[%mul3A_2] : memref<512xi32, #tpu.memory_space<hbm>> -> memref<16xi32, #tpu.memory_space<hbm>>
      tpu.enqueue_dma source(%dma_start3A_396 : memref<16xi32, #tpu.memory_space<hbm>>) target(%arg10 : memref<16xi32, #tpu.memory_space<vmem>>) target_semaphore(%run_scoped3A : memref<!tpu.dma_semaphore, #tpu.memory_space<semaphore_mem>>)
      %dma_wait3A_397 = tpu.memref_slice %arg2[%mul3A_2] : memref<512xi32, #tpu.memory_space<hbm>> -> memref<16xi32, #tpu.memory_space<hbm>>
      %dma_wait3A_398 = tpu.memref_slice %arg2[%mul3A_2] : memref<512xi32, #tpu.memory_space<hbm>> -> memref<16xi32, #tpu.memory_space<hbm>>
      tpu.wait_dma2 semaphore(%run_scoped3A : memref<!tpu.dma_semaphore, #tpu.memory_space<semaphore_mem>>) src(%dma_wait3A_398 : memref<16xi32, #tpu.memory_space<hbm>>) dst(%arg10 : memref<16xi32, #tpu.memory_space<vmem>>)
      tpu.yield
    }) : () -> ()
    "tpu.region"() ({
      %run_scoped3A = tpu.sem_alloc : memref<!tpu.dma_semaphore, #tpu.memory_space<semaphore_mem>>
      %dma_start3A_395 = tpu.memref_slice %arg3[%mul3A_4] : memref<5120xi32, #tpu.memory_space<hbm>> -> memref<160xi32, #tpu.memory_space<hbm>>
      %dma_start3A_396 = tpu.memref_slice %arg3[%mul3A_4] : memref<5120xi32, #tpu.memory_space<hbm>> -> memref<160xi32, #tpu.memory_space<hbm>>
      tpu.enqueue_dma source(%dma_start3A_396 : memref<160xi32, #tpu.memory_space<hbm>>) target(%arg11 : memref<160xi32, #tpu.memory_space<vmem>>) target_semaphore(%run_scoped3A : memref<!tpu.dma_semaphore, #tpu.memory_space<semaphore_mem>>)
      %dma_wait3A_397 = tpu.memref_slice %arg3[%mul3A_4] : memref<5120xi32, #tpu.memory_space<hbm>> -> memref<160xi32, #tpu.memory_space<hbm>>
      %dma_wait3A_398 = tpu.memref_slice %arg3[%mul3A_4] : memref<5120xi32, #tpu.memory_space<hbm>> -> memref<160xi32, #tpu.memory_space<hbm>>
      tpu.wait_dma2 semaphore(%run_scoped3A : memref<!tpu.dma_semaphore, #tpu.memory_space<semaphore_mem>>) src(%dma_wait3A_398 : memref<160xi32, #tpu.memory_space<hbm>>) dst(%arg11 : memref<160xi32, #tpu.memory_space<vmem>>)
      tpu.yield
    }) : () -> ()
    "tpu.region"() ({
      %run_scoped3A = tpu.sem_alloc : memref<!tpu.dma_semaphore, #tpu.memory_space<semaphore_mem>>
      %dma_start3A_395 = tpu.memref_slice %arg4[%mul3A_6] : memref<128000xi32, #tpu.memory_space<hbm>> -> memref<4000xi32, #tpu.memory_space<hbm>>
      %dma_start3A_396 = tpu.memref_slice %arg4[%mul3A_6] : memref<128000xi32, #tpu.memory_space<hbm>> -> memref<4000xi32, #tpu.memory_space<hbm>>
      tpu.enqueue_dma source(%dma_start3A_396 : memref<4000xi32, #tpu.memory_space<hbm>>) target(%arg13 : memref<4000xi32, #tpu.memory_space<vmem>>) target_semaphore(%run_scoped3A : memref<!tpu.dma_semaphore, #tpu.memory_space<semaphore_mem>>)
      %dma_wait3A_397 = tpu.memref_slice %arg4[%mul3A_6] : memref<128000xi32, #tpu.memory_space<hbm>> -> memref<4000xi32, #tpu.memory_space<hbm>>
      %dma_wait3A_398 = tpu.memref_slice %arg4[%mul3A_6] : memref<128000xi32, #tpu.memory_space<hbm>> -> memref<4000xi32, #tpu.memory_space<hbm>>
      tpu.wait_dma2 semaphore(%run_scoped3A : memref<!tpu.dma_semaphore, #tpu.memory_space<semaphore_mem>>) src(%dma_wait3A_398 : memref<4000xi32, #tpu.memory_space<hbm>>) dst(%arg13 : memref<4000xi32, #tpu.memory_space<vmem>>)
      tpu.yield
    }) : () -> ()
    %iota3A = tpu.iota {dimensions = array<i32: 0>} : vector<16xi32>
    %get3A = arith.constant 0 : index
    %get3A_7 = tpu.vector_load %arg10[%get3A] {strides = array<i32>} : memref<16xi32, #tpu.memory_space<vmem>>, vector<16xi32>,
    %get3A_8 = vector.shape_cast %get3A_7 : vector<16xi32> to vector<16xi32>
    %slice3A = vector.extract_strided_slice %get3A_8 {offsets = [0], sizes = [1], strides = [1]} : vector<16xi32> to vector<1xi32>
    %squeeze3A = vector.extract %slice3A[0] : i32 from vector<1xi32>
    %broadcast_in_dim3A = vector.broadcast %squeeze3A : i32 to vector<16xi32>
    %ge3A = arith.constant 10 : i32
    %ge3A_9 = vector.broadcast %ge3A : i32 to vector<16xi32>
    %ge3A_10 = arith.cmpi sge, %iota3A, %ge3A_9 : vector<16xi32>
    %slice3A_11 = vector.extract_strided_slice %get3A_8 {offsets = [1], sizes = [1], strides = [1]} : vector<16xi32> to vector<1xi32>
    %squeeze3A_12 = vector.extract %slice3A_11[0] : i32 from vector<1xi32>
    %broadcast_in_dim3A_13 = vector.broadcast %squeeze3A_12 : i32 to vector<16xi32>
    %select_n3A = arith.select %ge3A_10, %broadcast_in_dim3A_13, %broadcast_in_dim3A : vector<16xi1>, vector<16xi32>
    %mul3A_14 = arith.constant 128 : i32
    %mul3A_15 = vector.broadcast %mul3A_14 : i32 to vector<16xi32>
    %mul3A_16 = arith.muli %select_n3A, %mul3A_15 : vector<16xi32>
    %get3A_17 = arith.constant 0 : index
    %get3A_18 = tpu.vector_load %arg11[%get3A_17] {strides = array<i32>} : memref<160xi32, #tpu.memory_space<vmem>>, vector<16xi32>,
    %get3A_19 = vector.shape_cast %get3A_18 : vector<16xi32> to vector<16xi32>
    %add3A_20 = arith.addi %mul3A_16, %get3A_19 : vector<16xi32>
    %swap3A = arith.constant 0 : index
    %swap3A_21 = tpu.vector_load %arg12[%swap3A] {strides = array<i32>} : memref<160xi32, #tpu.memory_space<vmem>>, vector<16xi32>,
    %swap3A_22 = vector.shape_cast %swap3A_21 : vector<16xi32> to vector<16xi32>
    %swap3A_23 = vector.shape_cast %add3A_20 : vector<16xi32> to vector<16xi32>
    tpu.vector_store %arg12[%swap3A], %swap3A_23 {strides = array<i32>} : memref<160xi32, #tpu.memory_space<vmem>>, vector<16xi32>,
    %slice3A_24 = vector.extract_strided_slice %get3A_8 {offsets = [1], sizes = [1], strides = [1]} : vector<16xi32> to vector<1xi32>
    %squeeze3A_25 = vector.extract %slice3A_24[0] : i32 from vector<1xi32>
    %broadcast_in_dim3A_26 = vector.broadcast %squeeze3A_25 : i32 to vector<16xi32>
    %ge3A_27 = arith.constant 4 : i32
    %ge3A_28 = vector.broadcast %ge3A_27 : i32 to vector<16xi32>
    %ge3A_29 = arith.cmpi sge, %iota3A, %ge3A_28 : vector<16xi32>
    %slice3A_30 = vector.extract_strided_slice %get3A_8 {offsets = [2], sizes = [1], strides = [1]} : vector<16xi32> to vector<1xi32>
    %squeeze3A_31 = vector.extract %slice3A_30[0] : i32 from vector<1xi32>
    %broadcast_in_dim3A_32 = vector.broadcast %squeeze3A_31 : i32 to vector<16xi32>
    %select_n3A_33 = arith.select %ge3A_29, %broadcast_in_dim3A_32, %broadcast_in_dim3A_26 : vector<16xi1>, vector<16xi32>
    %ge3A_34 = arith.constant 14 : i32
    %ge3A_35 = vector.broadcast %ge3A_34 : i32 to vector<16xi32>
    %ge3A_36 = arith.cmpi sge, %iota3A, %ge3A_35 : vector<16xi32>
    %slice3A_37 = vector.extract_strided_slice %get3A_8 {offsets = [3], sizes = [1], strides = [1]} : vector<16xi32> to vector<1xi32>
    %squeeze3A_38 = vector.extract %slice3A_37[0] : i32 from vector<1xi32>
    %broadcast_in_dim3A_39 = vector.broadcast %squeeze3A_38 : i32 to vector<16xi32>
    %select_n3A_40 = arith.select %ge3A_36, %broadcast_in_dim3A_39, %select_n3A_33 : vector<16xi1>, vector<16xi32>
    %mul3A_41 = arith.constant 128 : i32
    %mul3A_42 = vector.broadcast %mul3A_41 : i32 to vector<16xi32>
    %mul3A_43 = arith.muli %select_n3A_40, %mul3A_42 : vector<16xi32>
    %get3A_44 = arith.constant 16 : index
    %get3A_45 = tpu.vector_load %arg11[%get3A_44] {strides = array<i32>} : memref<160xi32, #tpu.memory_space<vmem>>, vector<16xi32>,
    %get3A_46 = vector.shape_cast %get3A_45 : vector<16xi32> to vector<16xi32>
    %add3A_47 = arith.addi %mul3A_43, %get3A_46 : vector<16xi32>
    %swap3A_48 = arith.constant 16 : index
    %swap3A_49 = tpu.vector_load %arg12[%swap3A_48] {strides = array<i32>} : memref<160xi32, #tpu.memory_space<vmem>>, vector<16xi32>,
    %swap3A_50 = vector.shape_cast %swap3A_49 : vector<16xi32> to vector<16xi32>
    %swap3A_51 = vector.shape_cast %add3A_47 : vector<16xi32> to vector<16xi32>
    tpu.vector_store %arg12[%swap3A_48], %swap3A_51 {strides = array<i32>} : memref<160xi32, #tpu.memory_space<vmem>>, vector<16xi32>,
    %slice3A_52 = vector.extract_strided_slice %get3A_8 {offsets = [3], sizes = [1], strides = [1]} : vector<16xi32> to vector<1xi32>
    %squeeze3A_53 = vector.extract %slice3A_52[0] : i32 from vector<1xi32>
    %broadcast_in_dim3A_54 = vector.broadcast %squeeze3A_53 : i32 to vector<16xi32>
    %ge3A_55 = arith.constant 8 : i32
    %ge3A_56 = vector.broadcast %ge3A_55 : i32 to vector<16xi32>
    %ge3A_57 = arith.cmpi sge, %iota3A, %ge3A_56 : vector<16xi32>
    %slice3A_58 = vector.extract_strided_slice %get3A_8 {offsets = [4], sizes = [1], strides = [1]} : vector<16xi32> to vector<1xi32>
    %squeeze3A_59 = vector.extract %slice3A_58[0] : i32 from vector<1xi32>
    %broadcast_in_dim3A_60 = vector.broadcast %squeeze3A_59 : i32 to vector<16xi32>
    %select_n3A_61 = arith.select %ge3A_57, %broadcast_in_dim3A_60, %broadcast_in_dim3A_54 : vector<16xi1>, vector<16xi32>
    %mul3A_62 = arith.constant 128 : i32
    %mul3A_63 = vector.broadcast %mul3A_62 : i32 to vector<16xi32>
    %mul3A_64 = arith.muli %select_n3A_61, %mul3A_63 : vector<16xi32>
    %get3A_65 = arith.constant 32 : index
    %get3A_66 = tpu.vector_load %arg11[%get3A_65] {strides = array<i32>} : memref<160xi32, #tpu.memory_space<vmem>>, vector<16xi32>,
    %get3A_67 = vector.shape_cast %get3A_66 : vector<16xi32> to vector<16xi32>
    %add3A_68 = arith.addi %mul3A_64, %get3A_67 : vector<16xi32>
    %swap3A_69 = arith.constant 32 : index
    %swap3A_70 = tpu.vector_load %arg12[%swap3A_69] {strides = array<i32>} : memref<160xi32, #tpu.memory_space<vmem>>, vector<16xi32>,
    %swap3A_71 = vector.shape_cast %swap3A_70 : vector<16xi32> to vector<16xi32>
    %swap3A_72 = vector.shape_cast %add3A_68 : vector<16xi32> to vector<16xi32>
    tpu.vector_store %arg12[%swap3A_69], %swap3A_72 {strides = array<i32>} : memref<160xi32, #tpu.memory_space<vmem>>, vector<16xi32>,
    %slice3A_73 = vector.extract_strided_slice %get3A_8 {offsets = [4], sizes = [1], strides = [1]} : vector<16xi32> to vector<1xi32>
    %squeeze3A_74 = vector.extract %slice3A_73[0] : i32 from vector<1xi32>
    %broadcast_in_dim3A_75 = vector.broadcast %squeeze3A_74 : i32 to vector<16xi32>
    %ge3A_76 = arith.constant 2 : i32
    %ge3A_77 = vector.broadcast %ge3A_76 : i32 to vector<16xi32>
    %ge3A_78 = arith.cmpi sge, %iota3A, %ge3A_77 : vector<16xi32>
    %slice3A_79 = vector.extract_strided_slice %get3A_8 {offsets = [5], sizes = [1], strides = [1]} : vector<16xi32> to vector<1xi32>
    %squeeze3A_80 = vector.extract %slice3A_79[0] : i32 from vector<1xi32>
    %broadcast_in_dim3A_81 = vector.broadcast %squeeze3A_80 : i32 to vector<16xi32>
    %select_n3A_82 = arith.select %ge3A_78, %broadcast_in_dim3A_81, %broadcast_in_dim3A_75 : vector<16xi1>, vector<16xi32>
    %ge3A_83 = arith.constant 12 : i32
    %ge3A_84 = vector.broadcast %ge3A_83 : i32 to vector<16xi32>
    %ge3A_85 = arith.cmpi sge, %iota3A, %ge3A_84 : vector<16xi32>
    %slice3A_86 = vector.extract_strided_slice %get3A_8 {offsets = [6], sizes = [1], strides = [1]} : vector<16xi32> to vector<1xi32>
    %squeeze3A_87 = vector.extract %slice3A_86[0] : i32 from vector<1xi32>
    %broadcast_in_dim3A_88 = vector.broadcast %squeeze3A_87 : i32 to vector<16xi32>
    %select_n3A_89 = arith.select %ge3A_85, %broadcast_in_dim3A_88, %select_n3A_82 : vector<16xi1>, vector<16xi32>
    %mul3A_90 = arith.constant 128 : i32
    %mul3A_91 = vector.broadcast %mul3A_90 : i32 to vector<16xi32>
    %mul3A_92 = arith.muli %select_n3A_89, %mul3A_91 : vector<16xi32>
    %get3A_93 = arith.constant 48 : index
    %get3A_94 = tpu.vector_load %arg11[%get3A_93] {strides = array<i32>} : memref<160xi32, #tpu.memory_space<vmem>>, vector<16xi32>,
    %get3A_95 = vector.shape_cast %get3A_94 : vector<16xi32> to vector<16xi32>
    %add3A_96 = arith.addi %mul3A_92, %get3A_95 : vector<16xi32>
    %swap3A_97 = arith.constant 48 : index
    %swap3A_98 = tpu.vector_load %arg12[%swap3A_97] {strides = array<i32>} : memref<160xi32, #tpu.memory_space<vmem>>, vector<16xi32>,
    %swap3A_99 = vector.shape_cast %swap3A_98 : vector<16xi32> to vector<16xi32>
    %swap3A_100 = vector.shape_cast %add3A_96 : vector<16xi32> to vector<16xi32>
    tpu.vector_store %arg12[%swap3A_97], %swap3A_100 {strides = array<i32>} : memref<160xi32, #tpu.memory_space<vmem>>, vector<16xi32>,
    %slice3A_101 = vector.extract_strided_slice %get3A_8 {offsets = [6], sizes = [1], strides = [1]} : vector<16xi32> to vector<1xi32>
    %squeeze3A_102 = vector.extract %slice3A_101[0] : i32 from vector<1xi32>
    %broadcast_in_dim3A_103 = vector.broadcast %squeeze3A_102 : i32 to vector<16xi32>
    %ge3A_104 = arith.constant 6 : i32
    %ge3A_105 = vector.broadcast %ge3A_104 : i32 to vector<16xi32>
    %ge3A_106 = arith.cmpi sge, %iota3A, %ge3A_105 : vector<16xi32>
    %slice3A_107 = vector.extract_strided_slice %get3A_8 {offsets = [7], sizes = [1], strides = [1]} : vector<16xi32> to vector<1xi32>
    %squeeze3A_108 = vector.extract %slice3A_107[0] : i32 from vector<1xi32>
    %broadcast_in_dim3A_109 = vector.broadcast %squeeze3A_108 : i32 to vector<16xi32>
    %select_n3A_110 = arith.select %ge3A_106, %broadcast_in_dim3A_109, %broadcast_in_dim3A_103 : vector<16xi1>, vector<16xi32>
    %mul3A_111 = arith.constant 128 : i32
    %mul3A_112 = vector.broadcast %mul3A_111 : i32 to vector<16xi32>
    %mul3A_113 = arith.muli %select_n3A_110, %mul3A_112 : vector<16xi32>
    %get3A_114 = arith.constant 64 : index
    %get3A_115 = tpu.vector_load %arg11[%get3A_114] {strides = array<i32>} : memref<160xi32, #tpu.memory_space<vmem>>, vector<16xi32>,
    %get3A_116 = vector.shape_cast %get3A_115 : vector<16xi32> to vector<16xi32>
    %add3A_117 = arith.addi %mul3A_113, %get3A_116 : vector<16xi32>
    %swap3A_118 = arith.constant 64 : index
    %swap3A_119 = tpu.vector_load %arg12[%swap3A_118] {strides = array<i32>} : memref<160xi32, #tpu.memory_space<vmem>>, vector<16xi32>,
    %swap3A_120 = vector.shape_cast %swap3A_119 : vector<16xi32> to vector<16xi32>
    %swap3A_121 = vector.shape_cast %add3A_117 : vector<16xi32> to vector<16xi32>
    tpu.vector_store %arg12[%swap3A_118], %swap3A_121 {strides = array<i32>} : memref<160xi32, #tpu.memory_space<vmem>>, vector<16xi32>,
    %slice3A_122 = vector.extract_strided_slice %get3A_8 {offsets = [8], sizes = [1], strides = [1]} : vector<16xi32> to vector<1xi32>
    %squeeze3A_123 = vector.extract %slice3A_122[0] : i32 from vector<1xi32>
    %broadcast_in_dim3A_124 = vector.broadcast %squeeze3A_123 : i32 to vector<16xi32>
    %ge3A_125 = arith.constant 10 : i32
    %ge3A_126 = vector.broadcast %ge3A_125 : i32 to vector<16xi32>
    %ge3A_127 = arith.cmpi sge, %iota3A, %ge3A_126 : vector<16xi32>
    %slice3A_128 = vector.extract_strided_slice %get3A_8 {offsets = [9], sizes = [1], strides = [1]} : vector<16xi32> to vector<1xi32>
    %squeeze3A_129 = vector.extract %slice3A_128[0] : i32 from vector<1xi32>
    %broadcast_in_dim3A_130 = vector.broadcast %squeeze3A_129 : i32 to vector<16xi32>
    %select_n3A_131 = arith.select %ge3A_127, %broadcast_in_dim3A_130, %broadcast_in_dim3A_124 : vector<16xi1>, vector<16xi32>
    %mul3A_132 = arith.constant 128 : i32
    %mul3A_133 = vector.broadcast %mul3A_132 : i32 to vector<16xi32>
    %mul3A_134 = arith.muli %select_n3A_131, %mul3A_133 : vector<16xi32>
    %get3A_135 = arith.constant 80 : index
    %get3A_136 = tpu.vector_load %arg11[%get3A_135] {strides = array<i32>} : memref<160xi32, #tpu.memory_space<vmem>>, vector<16xi32>,
    %get3A_137 = vector.shape_cast %get3A_136 : vector<16xi32> to vector<16xi32>
    %add3A_138 = arith.addi %mul3A_134, %get3A_137 : vector<16xi32>
    %swap3A_139 = arith.constant 80 : index
    %swap3A_140 = tpu.vector_load %arg12[%swap3A_139] {strides = array<i32>} : memref<160xi32, #tpu.memory_space<vmem>>, vector<16xi32>,
    %swap3A_141 = vector.shape_cast %swap3A_140 : vector<16xi32> to vector<16xi32>
    %swap3A_142 = vector.shape_cast %add3A_138 : vector<16xi32> to vector<16xi32>
    tpu.vector_store %arg12[%swap3A_139], %swap3A_142 {strides = array<i32>} : memref<160xi32, #tpu.memory_space<vmem>>, vector<16xi32>,
    %slice3A_143 = vector.extract_strided_slice %get3A_8 {offsets = [9], sizes = [1], strides = [1]} : vector<16xi32> to vector<1xi32>
    %squeeze3A_144 = vector.extract %slice3A_143[0] : i32 from vector<1xi32>
    %broadcast_in_dim3A_145 = vector.broadcast %squeeze3A_144 : i32 to vector<16xi32>
    %ge3A_146 = arith.constant 4 : i32
    %ge3A_147 = vector.broadcast %ge3A_146 : i32 to vector<16xi32>
    %ge3A_148 = arith.cmpi sge, %iota3A, %ge3A_147 : vector<16xi32>
    %slice3A_149 = vector.extract_strided_slice %get3A_8 {offsets = [10], sizes = [1], strides = [1]} : vector<16xi32> to vector<1xi32>
    %squeeze3A_150 = vector.extract %slice3A_149[0] : i32 from vector<1xi32>
    %broadcast_in_dim3A_151 = vector.broadcast %squeeze3A_150 : i32 to vector<16xi32>
    %select_n3A_152 = arith.select %ge3A_148, %broadcast_in_dim3A_151, %broadcast_in_dim3A_145 : vector<16xi1>, vector<16xi32>
    %ge3A_153 = arith.constant 14 : i32
    %ge3A_154 = vector.broadcast %ge3A_153 : i32 to vector<16xi32>
    %ge3A_155 = arith.cmpi sge, %iota3A, %ge3A_154 : vector<16xi32>
    %slice3A_156 = vector.extract_strided_slice %get3A_8 {offsets = [11], sizes = [1], strides = [1]} : vector<16xi32> to vector<1xi32>
    %squeeze3A_157 = vector.extract %slice3A_156[0] : i32 from vector<1xi32>
    %broadcast_in_dim3A_158 = vector.broadcast %squeeze3A_157 : i32 to vector<16xi32>
    %select_n3A_159 = arith.select %ge3A_155, %broadcast_in_dim3A_158, %select_n3A_152 : vector<16xi1>, vector<16xi32>
    %mul3A_160 = arith.constant 128 : i32
    %mul3A_161 = vector.broadcast %mul3A_160 : i32 to vector<16xi32>
    %mul3A_162 = arith.muli %select_n3A_159, %mul3A_161 : vector<16xi32>
    %get3A_163 = arith.constant 96 : index
    %get3A_164 = tpu.vector_load %arg11[%get3A_163] {strides = array<i32>} : memref<160xi32, #tpu.memory_space<vmem>>, vector<16xi32>,
    %get3A_165 = vector.shape_cast %get3A_164 : vector<16xi32> to vector<16xi32>
    %add3A_166 = arith.addi %mul3A_162, %get3A_165 : vector<16xi32>
    %swap3A_167 = arith.constant 96 : index
    %swap3A_168 = tpu.vector_load %arg12[%swap3A_167] {strides = array<i32>} : memref<160xi32, #tpu.memory_space<vmem>>, vector<16xi32>,
    %swap3A_169 = vector.shape_cast %swap3A_168 : vector<16xi32> to vector<16xi32>
    %swap3A_170 = vector.shape_cast %add3A_166 : vector<16xi32> to vector<16xi32>
    tpu.vector_store %arg12[%swap3A_167], %swap3A_170 {strides = array<i32>} : memref<160xi32, #tpu.memory_space<vmem>>, vector<16xi32>,
    %slice3A_171 = vector.extract_strided_slice %get3A_8 {offsets = [11], sizes = [1], strides = [1]} : vector<16xi32> to vector<1xi32>
    %squeeze3A_172 = vector.extract %slice3A_171[0] : i32 from vector<1xi32>
    %broadcast_in_dim3A_173 = vector.broadcast %squeeze3A_172 : i32 to vector<16xi32>
    %ge3A_174 = arith.constant 8 : i32
    %ge3A_175 = vector.broadcast %ge3A_174 : i32 to vector<16xi32>
    %ge3A_176 = arith.cmpi sge, %iota3A, %ge3A_175 : vector<16xi32>
    %slice3A_177 = vector.extract_strided_slice %get3A_8 {offsets = [12], sizes = [1], strides = [1]} : vector<16xi32> to vector<1xi32>
    %squeeze3A_178 = vector.extract %slice3A_177[0] : i32 from vector<1xi32>
    %broadcast_in_dim3A_179 = vector.broadcast %squeeze3A_178 : i32 to vector<16xi32>
    %select_n3A_180 = arith.select %ge3A_176, %broadcast_in_dim3A_179, %broadcast_in_dim3A_173 : vector<16xi1>, vector<16xi32>
    %mul3A_181 = arith.constant 128 : i32
    %mul3A_182 = vector.broadcast %mul3A_181 : i32 to vector<16xi32>
    %mul3A_183 = arith.muli %select_n3A_180, %mul3A_182 : vector<16xi32>
    %get3A_184 = arith.constant 112 : index
    %get3A_185 = tpu.vector_load %arg11[%get3A_184] {strides = array<i32>} : memref<160xi32, #tpu.memory_space<vmem>>, vector<16xi32>,
    %get3A_186 = vector.shape_cast %get3A_185 : vector<16xi32> to vector<16xi32>
    %add3A_187 = arith.addi %mul3A_183, %get3A_186 : vector<16xi32>
    %swap3A_188 = arith.constant 112 : index
    %swap3A_189 = tpu.vector_load %arg12[%swap3A_188] {strides = array<i32>} : memref<160xi32, #tpu.memory_space<vmem>>, vector<16xi32>,
    %swap3A_190 = vector.shape_cast %swap3A_189 : vector<16xi32> to vector<16xi32>
    %swap3A_191 = vector.shape_cast %add3A_187 : vector<16xi32> to vector<16xi32>
    tpu.vector_store %arg12[%swap3A_188], %swap3A_191 {strides = array<i32>} : memref<160xi32, #tpu.memory_space<vmem>>, vector<16xi32>,
    %slice3A_192 = vector.extract_strided_slice %get3A_8 {offsets = [12], sizes = [1], strides = [1]} : vector<16xi32> to vector<1xi32>
    %squeeze3A_193 = vector.extract %slice3A_192[0] : i32 from vector<1xi32>
    %broadcast_in_dim3A_194 = vector.broadcast %squeeze3A_193 : i32 to vector<16xi32>
    %ge3A_195 = arith.constant 2 : i32
    %ge3A_196 = vector.broadcast %ge3A_195 : i32 to vector<16xi32>
    %ge3A_197 = arith.cmpi sge, %iota3A, %ge3A_196 : vector<16xi32>
    %slice3A_198 = vector.extract_strided_slice %get3A_8 {offsets = [13], sizes = [1], strides = [1]} : vector<16xi32> to vector<1xi32>
    %squeeze3A_199 = vector.extract %slice3A_198[0] : i32 from vector<1xi32>
    %broadcast_in_dim3A_200 = vector.broadcast %squeeze3A_199 : i32 to vector<16xi32>
    %select_n3A_201 = arith.select %ge3A_197, %broadcast_in_dim3A_200, %broadcast_in_dim3A_194 : vector<16xi1>, vector<16xi32>
    %ge3A_202 = arith.constant 12 : i32
    %ge3A_203 = vector.broadcast %ge3A_202 : i32 to vector<16xi32>
    %ge3A_204 = arith.cmpi sge, %iota3A, %ge3A_203 : vector<16xi32>
    %slice3A_205 = vector.extract_strided_slice %get3A_8 {offsets = [14], sizes = [1], strides = [1]} : vector<16xi32> to vector<1xi32>
    %squeeze3A_206 = vector.extract %slice3A_205[0] : i32 from vector<1xi32>
    %broadcast_in_dim3A_207 = vector.broadcast %squeeze3A_206 : i32 to vector<16xi32>
    %select_n3A_208 = arith.select %ge3A_204, %broadcast_in_dim3A_207, %select_n3A_201 : vector<16xi1>, vector<16xi32>
    %mul3A_209 = arith.constant 128 : i32
    %mul3A_210 = vector.broadcast %mul3A_209 : i32 to vector<16xi32>
    %mul3A_211 = arith.muli %select_n3A_208, %mul3A_210 : vector<16xi32>
    %get3A_212 = arith.constant 128 : index
    %get3A_213 = tpu.vector_load %arg11[%get3A_212] {strides = array<i32>} : memref<160xi32, #tpu.memory_space<vmem>>, vector<16xi32>,
    %get3A_214 = vector.shape_cast %get3A_213 : vector<16xi32> to vector<16xi32>
    %add3A_215 = arith.addi %mul3A_211, %get3A_214 : vector<16xi32>
    %swap3A_216 = arith.constant 128 : index
    %swap3A_217 = tpu.vector_load %arg12[%swap3A_216] {strides = array<i32>} : memref<160xi32, #tpu.memory_space<vmem>>, vector<16xi32>,
    %swap3A_218 = vector.shape_cast %swap3A_217 : vector<16xi32> to vector<16xi32>
    %swap3A_219 = vector.shape_cast %add3A_215 : vector<16xi32> to vector<16xi32>
    tpu.vector_store %arg12[%swap3A_216], %swap3A_219 {strides = array<i32>} : memref<160xi32, #tpu.memory_space<vmem>>, vector<16xi32>,
    %slice3A_220 = vector.extract_strided_slice %get3A_8 {offsets = [14], sizes = [1], strides = [1]} : vector<16xi32> to vector<1xi32>
    %squeeze3A_221 = vector.extract %slice3A_220[0] : i32 from vector<1xi32>
    %broadcast_in_dim3A_222 = vector.broadcast %squeeze3A_221 : i32 to vector<16xi32>
    %ge3A_223 = arith.constant 6 : i32
    %ge3A_224 = vector.broadcast %ge3A_223 : i32 to vector<16xi32>
    %ge3A_225 = arith.cmpi sge, %iota3A, %ge3A_224 : vector<16xi32>
    %slice3A_226 = vector.extract_strided_slice %get3A_8 {offsets = [15], sizes = [1], strides = [1]} : vector<16xi32> to vector<1xi32>
    %squeeze3A_227 = vector.extract %slice3A_226[0] : i32 from vector<1xi32>
    %broadcast_in_dim3A_228 = vector.broadcast %squeeze3A_227 : i32 to vector<16xi32>
    %select_n3A_229 = arith.select %ge3A_225, %broadcast_in_dim3A_228, %broadcast_in_dim3A_222 : vector<16xi1>, vector<16xi32>
    %mul3A_230 = arith.constant 128 : i32
    %mul3A_231 = vector.broadcast %mul3A_230 : i32 to vector<16xi32>
    %mul3A_232 = arith.muli %select_n3A_229, %mul3A_231 : vector<16xi32>
    %get3A_233 = arith.constant 144 : index
    %get3A_234 = tpu.vector_load %arg11[%get3A_233] {strides = array<i32>} : memref<160xi32, #tpu.memory_space<vmem>>, vector<16xi32>,
    %get3A_235 = vector.shape_cast %get3A_234 : vector<16xi32> to vector<16xi32>
    %add3A_236 = arith.addi %mul3A_232, %get3A_235 : vector<16xi32>
    %swap3A_237 = arith.constant 144 : index
    %swap3A_238 = tpu.vector_load %arg12[%swap3A_237] {strides = array<i32>} : memref<160xi32, #tpu.memory_space<vmem>>, vector<16xi32>,
    %swap3A_239 = vector.shape_cast %swap3A_238 : vector<16xi32> to vector<16xi32>
    %swap3A_240 = vector.shape_cast %add3A_236 : vector<16xi32> to vector<16xi32>
    tpu.vector_store %arg12[%swap3A_237], %swap3A_240 {strides = array<i32>} : memref<160xi32, #tpu.memory_space<vmem>>, vector<16xi32>,
    %dma_start3A = arith.constant 0 : i32
    %dma_start3A_241 = tpu.memref_slice %arg14[%dma_start3A] : memref<160xi32, #tpu.memory_space<vmem>> -> memref<80xi32, #tpu.memory_space<vmem>>
    %dma_start3A_242 = arith.constant 0 : i32
    %dma_start3A_243 = tpu.memref_slice %arg12[%dma_start3A_242] : memref<160xi32, #tpu.memory_space<vmem>> -> memref<80xi32, #tpu.memory_space<vmem>>
    %dma_start3A_244 = arith.constant 0 : i32
    %dma_start3A_245 = tpu.memref_slice %arg5[%dma_start3A_244] : memref<12800000xi32, #tpu.memory_space<hbm>> -> memref<12800000xi32, #tpu.memory_space<hbm>>
    tpu.enqueue_indirect_dma source(%dma_start3A_245 : memref<12800000xi32, #tpu.memory_space<hbm>>) target(%dma_start3A_241 : memref<80xi32, #tpu.memory_space<vmem>>) offsets(%dma_start3A_243 : memref<80xi32, #tpu.memory_space<vmem>>) semaphore(%arg20 : memref<!tpu.dma_semaphore, #tpu.memory_space<semaphore_mem>>)
    %dma_start3A_246 = arith.constant 80 : i32
    %dma_start3A_247 = tpu.memref_slice %arg14[%dma_start3A_246] : memref<160xi32, #tpu.memory_space<vmem>> -> memref<80xi32, #tpu.memory_space<vmem>>
    %dma_start3A_248 = arith.constant 80 : i32
    %dma_start3A_249 = tpu.memref_slice %arg12[%dma_start3A_248] : memref<160xi32, #tpu.memory_space<vmem>> -> memref<80xi32, #tpu.memory_space<vmem>>
    %dma_start3A_250 = arith.constant 0 : i32
    %dma_start3A_251 = tpu.memref_slice %arg5[%dma_start3A_250] : memref<12800000xi32, #tpu.memory_space<hbm>> -> memref<12800000xi32, #tpu.memory_space<hbm>>
    tpu.enqueue_indirect_dma source(%dma_start3A_251 : memref<12800000xi32, #tpu.memory_space<hbm>>) target(%dma_start3A_247 : memref<80xi32, #tpu.memory_space<vmem>>) offsets(%dma_start3A_249 : memref<80xi32, #tpu.memory_space<vmem>>) semaphore(%arg20 : memref<!tpu.dma_semaphore, #tpu.memory_space<semaphore_mem>>)
    %dma_wait3A = arith.constant 0 : i32
    %dma_wait3A_252 = tpu.memref_slice %arg14[%dma_wait3A] : memref<160xi32, #tpu.memory_space<vmem>> -> memref<80xi32, #tpu.memory_space<vmem>>
    %dma_wait3A_253 = arith.constant 0 : i32
    %dma_wait3A_254 = tpu.memref_slice %arg12[%dma_wait3A_253] : memref<160xi32, #tpu.memory_space<vmem>> -> memref<80xi32, #tpu.memory_space<vmem>>
    %dma_wait3A_255 = arith.constant 0 : i32
    %dma_wait3A_256 = tpu.memref_slice %arg5[%dma_wait3A_255] : memref<12800000xi32, #tpu.memory_space<hbm>> -> memref<12800000xi32, #tpu.memory_space<hbm>>
    tpu.wait_indirect_dma semaphore(%arg20 : memref<!tpu.dma_semaphore, #tpu.memory_space<semaphore_mem>>) src(%dma_wait3A_256 : memref<12800000xi32, #tpu.memory_space<hbm>>) dst(%dma_wait3A_252 : memref<80xi32, #tpu.memory_space<vmem>>)
    %dma_wait3A_257 = arith.constant 80 : i32
    %dma_wait3A_258 = tpu.memref_slice %arg14[%dma_wait3A_257] : memref<160xi32, #tpu.memory_space<vmem>> -> memref<80xi32, #tpu.memory_space<vmem>>
    %dma_wait3A_259 = arith.constant 80 : i32
    %dma_wait3A_260 = tpu.memref_slice %arg12[%dma_wait3A_259] : memref<160xi32, #tpu.memory_space<vmem>> -> memref<80xi32, #tpu.memory_space<vmem>>
    %dma_wait3A_261 = arith.constant 0 : i32
    %dma_wait3A_262 = tpu.memref_slice %arg5[%dma_wait3A_261] : memref<12800000xi32, #tpu.memory_space<hbm>> -> memref<12800000xi32, #tpu.memory_space<hbm>>
    tpu.wait_indirect_dma semaphore(%arg20 : memref<!tpu.dma_semaphore, #tpu.memory_space<semaphore_mem>>) src(%dma_wait3A_262 : memref<12800000xi32, #tpu.memory_space<hbm>>) dst(%dma_wait3A_258 : memref<80xi32, #tpu.memory_space<vmem>>)
    %dma_start3A_263 = arith.constant 0 : i32
    %dma_start3A_264 = arith.constant 0 : i32
    %dma_start3A_265 = tpu.memref_slice %arg17[%dma_start3A_263, %dma_start3A_264] : memref<200x128xf32, #tpu.memory_space<vmem>> -> memref<16x128xf32, #tpu.memory_space<vmem>>
    %dma_start3A_266 = arith.constant 0 : i32
    %dma_start3A_267 = arith.constant 0 : i32
    %dma_start3A_268 = tpu.memref_slice %arg6[%dma_start3A_266, %dma_start3A_267] : memref<100000x128xf32, #tpu.memory_space<hbm>> -> memref<100000x128xf32, #tpu.memory_space<hbm>>
    tpu.enqueue_indirect_dma source(%dma_start3A_268 : memref<100000x128xf32, #tpu.memory_space<hbm>>) target(%dma_start3A_265 : memref<16x128xf32, #tpu.memory_space<vmem>>) offsets(%arg10 : memref<16xi32, #tpu.memory_space<vmem>>) semaphore(%arg21 : memref<!tpu.dma_semaphore, #tpu.memory_space<semaphore_mem>>)
    %dma_start3A_269 = arith.constant 0 : i32
    %dma_start3A_270 = arith.constant 0 : i32
    %dma_start3A_271 = tpu.memref_slice %arg19[%dma_start3A_269, %dma_start3A_270] : memref<160x128xf32, #tpu.memory_space<vmem>> -> memref<80x128xf32, #tpu.memory_space<vmem>>
    %dma_start3A_272 = arith.constant 0 : i32
    %dma_start3A_273 = tpu.memref_slice %arg14[%dma_start3A_272] : memref<160xi32, #tpu.memory_space<vmem>> -> memref<80xi32, #tpu.memory_space<vmem>>
    %dma_start3A_274 = arith.constant 0 : i32
    %dma_start3A_275 = arith.constant 0 : i32
    %dma_start3A_276 = tpu.memref_slice %arg6[%dma_start3A_274, %dma_start3A_275] : memref<100000x128xf32, #tpu.memory_space<hbm>> -> memref<100000x128xf32, #tpu.memory_space<hbm>>
    tpu.enqueue_indirect_dma source(%dma_start3A_276 : memref<100000x128xf32, #tpu.memory_space<hbm>>) target(%dma_start3A_271 : memref<80x128xf32, #tpu.memory_space<vmem>>) offsets(%dma_start3A_273 : memref<80xi32, #tpu.memory_space<vmem>>) semaphore(%arg22 : memref<!tpu.dma_semaphore, #tpu.memory_space<semaphore_mem>>)
    %dma_start3A_277 = arith.constant 80 : i32
    %dma_start3A_278 = arith.constant 0 : i32
    %dma_start3A_279 = tpu.memref_slice %arg19[%dma_start3A_277, %dma_start3A_278] : memref<160x128xf32, #tpu.memory_space<vmem>> -> memref<80x128xf32, #tpu.memory_space<vmem>>
    %dma_start3A_280 = arith.constant 80 : i32
    %dma_start3A_281 = tpu.memref_slice %arg14[%dma_start3A_280] : memref<160xi32, #tpu.memory_space<vmem>> -> memref<80xi32, #tpu.memory_space<vmem>>
    %dma_start3A_282 = arith.constant 0 : i32
    %dma_start3A_283 = arith.constant 0 : i32
    %dma_start3A_284 = tpu.memref_slice %arg6[%dma_start3A_282, %dma_start3A_283] : memref<100000x128xf32, #tpu.memory_space<hbm>> -> memref<100000x128xf32, #tpu.memory_space<hbm>>
    tpu.enqueue_indirect_dma source(%dma_start3A_284 : memref<100000x128xf32, #tpu.memory_space<hbm>>) target(%dma_start3A_279 : memref<80x128xf32, #tpu.memory_space<vmem>>) offsets(%dma_start3A_281 : memref<80xi32, #tpu.memory_space<vmem>>) semaphore(%arg22 : memref<!tpu.dma_semaphore, #tpu.memory_space<semaphore_mem>>)
    %scan3A = arith.constant 0 : i32
    %scan3A_285 = arith.constant 0 : i32
    %scan3A_286 = arith.constant 10 : i32
    %scan3A_287 = arith.addi %scan3A_285, %scan3A_286 : i32
    %scan3A_288 = arith.constant 1 : i32
    scf.for %scan3A_395 = %scan3A_285 to %scan3A_287 step %scan3A_288  : i32 {
      %mul3A_396 = arith.constant 16 : i32
      %mul3A_397 = arith.muli %scan3A_395, %mul3A_396 : i32
      %get3A_398 = arith.index_cast %mul3A_397 : i32 to index
      %get3A_399 = tpu.vector_load %arg14[%get3A_398] {strides = array<i32>} : memref<160xi32, #tpu.memory_space<vmem>>, vector<16xi32>,
      %get3A_400 = vector.shape_cast %get3A_399 : vector<16xi32> to vector<16xi32>
      %mul3A_401 = arith.constant 400 : i32
      %mul3A_402 = arith.muli %scan3A_395, %mul3A_401 : i32
      %slice3A_403 = vector.extract_strided_slice %get3A_400 {offsets = [0], sizes = [1], strides = [1]} : vector<16xi32> to vector<1xi32>
      %squeeze3A_404 = vector.extract %slice3A_403[0] : i32 from vector<1xi32>
      %broadcast_in_dim3A_405 = vector.broadcast %squeeze3A_404 : i32 to vector<16xi32>
      %mul3A_406 = arith.constant 128 : i32
      %mul3A_407 = vector.broadcast %mul3A_406 : i32 to vector<16xi32>
      %mul3A_408 = arith.muli %broadcast_in_dim3A_405, %mul3A_407 : vector<16xi32>
      %add3A_409 = arith.constant 0 : i32
      %add3A_410 = arith.addi %mul3A_402, %add3A_409 : i32
      %get3A_411 = arith.index_cast %add3A_410 : i32 to index
      %get3A_412 = tpu.vector_load %arg13[%get3A_411] {strides = array<i32>} : memref<4000xi32, #tpu.memory_space<vmem>>, vector<16xi32>,
      %get3A_413 = vector.shape_cast %get3A_412 : vector<16xi32> to vector<16xi32>
      %add3A_414 = arith.addi %mul3A_408, %get3A_413 : vector<16xi32>
      %add3A_415 = arith.constant 0 : i32
      %add3A_416 = arith.addi %mul3A_402, %add3A_415 : i32
      %swap3A_417 = arith.index_cast %add3A_416 : i32 to index
      %swap3A_418 = tpu.vector_load %arg15[%swap3A_417] {strides = array<i32>} : memref<4096xi32, #tpu.memory_space<vmem>>, vector<16xi32>,
      %swap3A_419 = vector.shape_cast %swap3A_418 : vector<16xi32> to vector<16xi32>
      %swap3A_420 = vector.shape_cast %add3A_414 : vector<16xi32> to vector<16xi32>
      tpu.vector_store %arg15[%swap3A_417], %swap3A_420 {strides = array<i32>} : memref<4096xi32, #tpu.memory_space<vmem>>, vector<16xi32>,
      %slice3A_421 = vector.extract_strided_slice %get3A_400 {offsets = [0], sizes = [1], strides = [1]} : vector<16xi32> to vector<1xi32>
      %squeeze3A_422 = vector.extract %slice3A_421[0] : i32 from vector<1xi32>
      %broadcast_in_dim3A_423 = vector.broadcast %squeeze3A_422 : i32 to vector<16xi32>
      %ge3A_424 = arith.constant 9 : i32
      %ge3A_425 = vector.broadcast %ge3A_424 : i32 to vector<16xi32>
      %ge3A_426 = arith.cmpi sge, %iota3A, %ge3A_425 : vector<16xi32>
      %slice3A_427 = vector.extract_strided_slice %get3A_400 {offsets = [1], sizes = [1], strides = [1]} : vector<16xi32> to vector<1xi32>
      %squeeze3A_428 = vector.extract %slice3A_427[0] : i32 from vector<1xi32>
      %broadcast_in_dim3A_429 = vector.broadcast %squeeze3A_428 : i32 to vector<16xi32>
      %select_n3A_430 = arith.select %ge3A_426, %broadcast_in_dim3A_429, %broadcast_in_dim3A_423 : vector<16xi1>, vector<16xi32>
      %mul3A_431 = arith.constant 128 : i32
      %mul3A_432 = vector.broadcast %mul3A_431 : i32 to vector<16xi32>
      %mul3A_433 = arith.muli %select_n3A_430, %mul3A_432 : vector<16xi32>
      %add3A_434 = arith.constant 16 : i32
      %add3A_435 = arith.addi %mul3A_402, %add3A_434 : i32
      %get3A_436 = arith.index_cast %add3A_435 : i32 to index
      %get3A_437 = tpu.vector_load %arg13[%get3A_436] {strides = array<i32>} : memref<4000xi32, #tpu.memory_space<vmem>>, vector<16xi32>,
      %get3A_438 = vector.shape_cast %get3A_437 : vector<16xi32> to vector<16xi32>
      %add3A_439 = arith.addi %mul3A_433, %get3A_438 : vector<16xi32>
      %add3A_440 = arith.constant 16 : i32
      %add3A_441 = arith.addi %mul3A_402, %add3A_440 : i32
      %swap3A_442 = arith.index_cast %add3A_441 : i32 to index
      %swap3A_443 = tpu.vector_load %arg15[%swap3A_442] {strides = array<i32>} : memref<4096xi32, #tpu.memory_space<vmem>>, vector<16xi32>,
      %swap3A_444 = vector.shape_cast %swap3A_443 : vector<16xi32> to vector<16xi32>
      %swap3A_445 = vector.shape_cast %add3A_439 : vector<16xi32> to vector<16xi32>
      tpu.vector_store %arg15[%swap3A_442], %swap3A_445 {strides = array<i32>} : memref<4096xi32, #tpu.memory_space<vmem>>, vector<16xi32>,
      %slice3A_446 = vector.extract_strided_slice %get3A_400 {offsets = [1], sizes = [1], strides = [1]} : vector<16xi32> to vector<1xi32>
      %squeeze3A_447 = vector.extract %slice3A_446[0] : i32 from vector<1xi32>
      %broadcast_in_dim3A_448 = vector.broadcast %squeeze3A_447 : i32 to vector<16xi32>
      %mul3A_449 = arith.constant 128 : i32
      %mul3A_450 = vector.broadcast %mul3A_449 : i32 to vector<16xi32>
      %mul3A_451 = arith.muli %broadcast_in_dim3A_448, %mul3A_450 : vector<16xi32>
      %add3A_452 = arith.constant 32 : i32
      %add3A_453 = arith.addi %mul3A_402, %add3A_452 : i32
      %get3A_454 = arith.index_cast %add3A_453 : i32 to index
      %get3A_455 = tpu.vector_load %arg13[%get3A_454] {strides = array<i32>} : memref<4000xi32, #tpu.memory_space<vmem>>, vector<16xi32>,
      %get3A_456 = vector.shape_cast %get3A_455 : vector<16xi32> to vector<16xi32>
      %add3A_457 = arith.addi %mul3A_451, %get3A_456 : vector<16xi32>
      %add3A_458 = arith.constant 32 : i32
      %add3A_459 = arith.addi %mul3A_402, %add3A_458 : i32
      %swap3A_460 = arith.index_cast %add3A_459 : i32 to index
      %swap3A_461 = tpu.vector_load %arg15[%swap3A_460] {strides = array<i32>} : memref<4096xi32, #tpu.memory_space<vmem>>, vector<16xi32>,
      %swap3A_462 = vector.shape_cast %swap3A_461 : vector<16xi32> to vector<16xi32>
      %swap3A_463 = vector.shape_cast %add3A_457 : vector<16xi32> to vector<16xi32>
      tpu.vector_store %arg15[%swap3A_460], %swap3A_463 {strides = array<i32>} : memref<4096xi32, #tpu.memory_space<vmem>>, vector<16xi32>,
      %slice3A_464 = vector.extract_strided_slice %get3A_400 {offsets = [1], sizes = [1], strides = [1]} : vector<16xi32> to vector<1xi32>
      %squeeze3A_465 = vector.extract %slice3A_464[0] : i32 from vector<1xi32>
      %broadcast_in_dim3A_466 = vector.broadcast %squeeze3A_465 : i32 to vector<16xi32>
      %ge3A_467 = arith.constant 2 : i32
      %ge3A_468 = vector.broadcast %ge3A_467 : i32 to vector<16xi32>
      %ge3A_469 = arith.cmpi sge, %iota3A, %ge3A_468 : vector<16xi32>
      %slice3A_470 = vector.extract_strided_slice %get3A_400 {offsets = [2], sizes = [1], strides = [1]} : vector<16xi32> to vector<1xi32>
      %squeeze3A_471 = vector.extract %slice3A_470[0] : i32 from vector<1xi32>
      %broadcast_in_dim3A_472 = vector.broadcast %squeeze3A_471 : i32 to vector<16xi32>
      %select_n3A_473 = arith.select %ge3A_469, %broadcast_in_dim3A_472, %broadcast_in_dim3A_466 : vector<16xi1>, vector<16xi32>
      %mul3A_474 = arith.constant 128 : i32
      %mul3A_475 = vector.broadcast %mul3A_474 : i32 to vector<16xi32>
      %mul3A_476 = arith.muli %select_n3A_473, %mul3A_475 : vector<16xi32>
      %add3A_477 = arith.constant 48 : i32
      %add3A_478 = arith.addi %mul3A_402, %add3A_477 : i32
      %get3A_479 = arith.index_cast %add3A_478 : i32 to index
      %get3A_480 = tpu.vector_load %arg13[%get3A_479] {strides = array<i32>} : memref<4000xi32, #tpu.memory_space<vmem>>, vector<16xi32>,
      %get3A_481 = vector.shape_cast %get3A_480 : vector<16xi32> to vector<16xi32>
      %add3A_482 = arith.addi %mul3A_476, %get3A_481 : vector<16xi32>
      %add3A_483 = arith.constant 48 : i32
      %add3A_484 = arith.addi %mul3A_402, %add3A_483 : i32
      %swap3A_485 = arith.index_cast %add3A_484 : i32 to index
      %swap3A_486 = tpu.vector_load %arg15[%swap3A_485] {strides = array<i32>} : memref<4096xi32, #tpu.memory_space<vmem>>, vector<16xi32>,
      %swap3A_487 = vector.shape_cast %swap3A_486 : vector<16xi32> to vector<16xi32>
      %swap3A_488 = vector.shape_cast %add3A_482 : vector<16xi32> to vector<16xi32>
      tpu.vector_store %arg15[%swap3A_485], %swap3A_488 {strides = array<i32>} : memref<4096xi32, #tpu.memory_space<vmem>>, vector<16xi32>,
      %slice3A_489 = vector.extract_strided_slice %get3A_400 {offsets = [2], sizes = [1], strides = [1]} : vector<16xi32> to vector<1xi32>
      %squeeze3A_490 = vector.extract %slice3A_489[0] : i32 from vector<1xi32>
      %broadcast_in_dim3A_491 = vector.broadcast %squeeze3A_490 : i32 to vector<16xi32>
      %ge3A_492 = arith.constant 11 : i32
      %ge3A_493 = vector.broadcast %ge3A_492 : i32 to vector<16xi32>
      %ge3A_494 = arith.cmpi sge, %iota3A, %ge3A_493 : vector<16xi32>
      %slice3A_495 = vector.extract_strided_slice %get3A_400 {offsets = [3], sizes = [1], strides = [1]} : vector<16xi32> to vector<1xi32>
      %squeeze3A_496 = vector.extract %slice3A_495[0] : i32 from vector<1xi32>
      %broadcast_in_dim3A_497 = vector.broadcast %squeeze3A_496 : i32 to vector<16xi32>
      %select_n3A_498 = arith.select %ge3A_494, %broadcast_in_dim3A_497, %broadcast_in_dim3A_491 : vector<16xi1>, vector<16xi32>
      %mul3A_499 = arith.constant 128 : i32
      %mul3A_500 = vector.broadcast %mul3A_499 : i32 to vector<16xi32>
      %mul3A_501 = arith.muli %select_n3A_498, %mul3A_500 : vector<16xi32>
      %add3A_502 = arith.constant 64 : i32
      %add3A_503 = arith.addi %mul3A_402, %add3A_502 : i32
      %get3A_504 = arith.index_cast %add3A_503 : i32 to index
      %get3A_505 = tpu.vector_load %arg13[%get3A_504] {strides = array<i32>} : memref<4000xi32, #tpu.memory_space<vmem>>, vector<16xi32>,
      %get3A_506 = vector.shape_cast %get3A_505 : vector<16xi32> to vector<16xi32>
      %add3A_507 = arith.addi %mul3A_501, %get3A_506 : vector<16xi32>
      %add3A_508 = arith.constant 64 : i32
      %add3A_509 = arith.addi %mul3A_402, %add3A_508 : i32
      %swap3A_510 = arith.index_cast %add3A_509 : i32 to index
      %swap3A_511 = tpu.vector_load %arg15[%swap3A_510] {strides = array<i32>} : memref<4096xi32, #tpu.memory_space<vmem>>, vector<16xi32>,
      %swap3A_512 = vector.shape_cast %swap3A_511 : vector<16xi32> to vector<16xi32>
      %swap3A_513 = vector.shape_cast %add3A_507 : vector<16xi32> to vector<16xi32>
      tpu.vector_store %arg15[%swap3A_510], %swap3A_513 {strides = array<i32>} : memref<4096xi32, #tpu.memory_space<vmem>>, vector<16xi32>,
      %slice3A_514 = vector.extract_strided_slice %get3A_400 {offsets = [3], sizes = [1], strides = [1]} : vector<16xi32> to vector<1xi32>
      %squeeze3A_515 = vector.extract %slice3A_514[0] : i32 from vector<1xi32>
      %broadcast_in_dim3A_516 = vector.broadcast %squeeze3A_515 : i32 to vector<16xi32>
      %mul3A_517 = arith.constant 128 : i32
      %mul3A_518 = vector.broadcast %mul3A_517 : i32 to vector<16xi32>
      %mul3A_519 = arith.muli %broadcast_in_dim3A_516, %mul3A_518 : vector<16xi32>
      %add3A_520 = arith.constant 80 : i32
      %add3A_521 = arith.addi %mul3A_402, %add3A_520 : i32
      %get3A_522 = arith.index_cast %add3A_521 : i32 to index
      %get3A_523 = tpu.vector_load %arg13[%get3A_522] {strides = array<i32>} : memref<4000xi32, #tpu.memory_space<vmem>>, vector<16xi32>,
      %get3A_524 = vector.shape_cast %get3A_523 : vector<16xi32> to vector<16xi32>
      %add3A_525 = arith.addi %mul3A_519, %get3A_524 : vector<16xi32>
      %add3A_526 = arith.constant 80 : i32
      %add3A_527 = arith.addi %mul3A_402, %add3A_526 : i32
      %swap3A_528 = arith.index_cast %add3A_527 : i32 to index
      %swap3A_529 = tpu.vector_load %arg15[%swap3A_528] {strides = array<i32>} : memref<4096xi32, #tpu.memory_space<vmem>>, vector<16xi32>,
      %swap3A_530 = vector.shape_cast %swap3A_529 : vector<16xi32> to vector<16xi32>
      %swap3A_531 = vector.shape_cast %add3A_525 : vector<16xi32> to vector<16xi32>
      tpu.vector_store %arg15[%swap3A_528], %swap3A_531 {strides = array<i32>} : memref<4096xi32, #tpu.memory_space<vmem>>, vector<16xi32>,
      %slice3A_532 = vector.extract_strided_slice %get3A_400 {offsets = [3], sizes = [1], strides = [1]} : vector<16xi32> to vector<1xi32>
      %squeeze3A_533 = vector.extract %slice3A_532[0] : i32 from vector<1xi32>
      %broadcast_in_dim3A_534 = vector.broadcast %squeeze3A_533 : i32 to vector<16xi32>
      %ge3A_535 = arith.constant 4 : i32
      %ge3A_536 = vector.broadcast %ge3A_535 : i32 to vector<16xi32>
      %ge3A_537 = arith.cmpi sge, %iota3A, %ge3A_536 : vector<16xi32>
      %slice3A_538 = vector.extract_strided_slice %get3A_400 {offsets = [4], sizes = [1], strides = [1]} : vector<16xi32> to vector<1xi32>
      %squeeze3A_539 = vector.extract %slice3A_538[0] : i32 from vector<1xi32>
      %broadcast_in_dim3A_540 = vector.broadcast %squeeze3A_539 : i32 to vector<16xi32>
      %select_n3A_541 = arith.select %ge3A_537, %broadcast_in_dim3A_540, %broadcast_in_dim3A_534 : vector<16xi1>, vector<16xi32>
      %mul3A_542 = arith.constant 128 : i32
      %mul3A_543 = vector.broadcast %mul3A_542 : i32 to vector<16xi32>
      %mul3A_544 = arith.muli %select_n3A_541, %mul3A_543 : vector<16xi32>
      %add3A_545 = arith.constant 96 : i32
      %add3A_546 = arith.addi %mul3A_402, %add3A_545 : i32
      %get3A_547 = arith.index_cast %add3A_546 : i32 to index
      %get3A_548 = tpu.vector_load %arg13[%get3A_547] {strides = array<i32>} : memref<4000xi32, #tpu.memory_space<vmem>>, vector<16xi32>,
      %get3A_549 = vector.shape_cast %get3A_548 : vector<16xi32> to vector<16xi32>
      %add3A_550 = arith.addi %mul3A_544, %get3A_549 : vector<16xi32>
      %add3A_551 = arith.constant 96 : i32
      %add3A_552 = arith.addi %mul3A_402, %add3A_551 : i32
      %swap3A_553 = arith.index_cast %add3A_552 : i32 to index
      %swap3A_554 = tpu.vector_load %arg15[%swap3A_553] {strides = array<i32>} : memref<4096xi32, #tpu.memory_space<vmem>>, vector<16xi32>,
      %swap3A_555 = vector.shape_cast %swap3A_554 : vector<16xi32> to vector<16xi32>
      %swap3A_556 = vector.shape_cast %add3A_550 : vector<16xi32> to vector<16xi32>
      tpu.vector_store %arg15[%swap3A_553], %swap3A_556 {strides = array<i32>} : memref<4096xi32, #tpu.memory_space<vmem>>, vector<16xi32>,
      %slice3A_557 = vector.extract_strided_slice %get3A_400 {offsets = [4], sizes = [1], strides = [1]} : vector<16xi32> to vector<1xi32>
      %squeeze3A_558 = vector.extract %slice3A_557[0] : i32 from vector<1xi32>
      %broadcast_in_dim3A_559 = vector.broadcast %squeeze3A_558 : i32 to vector<16xi32>
      %ge3A_560 = arith.constant 13 : i32
      %ge3A_561 = vector.broadcast %ge3A_560 : i32 to vector<16xi32>
      %ge3A_562 = arith.cmpi sge, %iota3A, %ge3A_561 : vector<16xi32>
      %slice3A_563 = vector.extract_strided_slice %get3A_400 {offsets = [5], sizes = [1], strides = [1]} : vector<16xi32> to vector<1xi32>
      %squeeze3A_564 = vector.extract %slice3A_563[0] : i32 from vector<1xi32>
      %broadcast_in_dim3A_565 = vector.broadcast %squeeze3A_564 : i32 to vector<16xi32>
      %select_n3A_566 = arith.select %ge3A_562, %broadcast_in_dim3A_565, %broadcast_in_dim3A_559 : vector<16xi1>, vector<16xi32>
      %mul3A_567 = arith.constant 128 : i32
      %mul3A_568 = vector.broadcast %mul3A_567 : i32 to vector<16xi32>
      %mul3A_569 = arith.muli %select_n3A_566, %mul3A_568 : vector<16xi32>
      %add3A_570 = arith.constant 112 : i32
      %add3A_571 = arith.addi %mul3A_402, %add3A_570 : i32
      %get3A_572 = arith.index_cast %add3A_571 : i32 to index
      %get3A_573 = tpu.vector_load %arg13[%get3A_572] {strides = array<i32>} : memref<4000xi32, #tpu.memory_space<vmem>>, vector<16xi32>,
      %get3A_574 = vector.shape_cast %get3A_573 : vector<16xi32> to vector<16xi32>
      %add3A_575 = arith.addi %mul3A_569, %get3A_574 : vector<16xi32>
      %add3A_576 = arith.constant 112 : i32
      %add3A_577 = arith.addi %mul3A_402, %add3A_576 : i32
      %swap3A_578 = arith.index_cast %add3A_577 : i32 to index
      %swap3A_579 = tpu.vector_load %arg15[%swap3A_578] {strides = array<i32>} : memref<4096xi32, #tpu.memory_space<vmem>>, vector<16xi32>,
      %swap3A_580 = vector.shape_cast %swap3A_579 : vector<16xi32> to vector<16xi32>
      %swap3A_581 = vector.shape_cast %add3A_575 : vector<16xi32> to vector<16xi32>
      tpu.vector_store %arg15[%swap3A_578], %swap3A_581 {strides = array<i32>} : memref<4096xi32, #tpu.memory_space<vmem>>, vector<16xi32>,
      %slice3A_582 = vector.extract_strided_slice %get3A_400 {offsets = [5], sizes = [1], strides = [1]} : vector<16xi32> to vector<1xi32>
      %squeeze3A_583 = vector.extract %slice3A_582[0] : i32 from vector<1xi32>
      %broadcast_in_dim3A_584 = vector.broadcast %squeeze3A_583 : i32 to vector<16xi32>
      %mul3A_585 = arith.constant 128 : i32
      %mul3A_586 = vector.broadcast %mul3A_585 : i32 to vector<16xi32>
      %mul3A_587 = arith.muli %broadcast_in_dim3A_584, %mul3A_586 : vector<16xi32>
      %add3A_588 = arith.constant 128 : i32
      %add3A_589 = arith.addi %mul3A_402, %add3A_588 : i32
      %get3A_590 = arith.index_cast %add3A_589 : i32 to index
      %get3A_591 = tpu.vector_load %arg13[%get3A_590] {strides = array<i32>} : memref<4000xi32, #tpu.memory_space<vmem>>, vector<16xi32>,
      %get3A_592 = vector.shape_cast %get3A_591 : vector<16xi32> to vector<16xi32>
      %add3A_593 = arith.addi %mul3A_587, %get3A_592 : vector<16xi32>
      %add3A_594 = arith.constant 128 : i32
      %add3A_595 = arith.addi %mul3A_402, %add3A_594 : i32
      %swap3A_596 = arith.index_cast %add3A_595 : i32 to index
      %swap3A_597 = tpu.vector_load %arg15[%swap3A_596] {strides = array<i32>} : memref<4096xi32, #tpu.memory_space<vmem>>, vector<16xi32>,
      %swap3A_598 = vector.shape_cast %swap3A_597 : vector<16xi32> to vector<16xi32>
      %swap3A_599 = vector.shape_cast %add3A_593 : vector<16xi32> to vector<16xi32>
      tpu.vector_store %arg15[%swap3A_596], %swap3A_599 {strides = array<i32>} : memref<4096xi32, #tpu.memory_space<vmem>>, vector<16xi32>,
      %slice3A_600 = vector.extract_strided_slice %get3A_400 {offsets = [5], sizes = [1], strides = [1]} : vector<16xi32> to vector<1xi32>
      %squeeze3A_601 = vector.extract %slice3A_600[0] : i32 from vector<1xi32>
      %broadcast_in_dim3A_602 = vector.broadcast %squeeze3A_601 : i32 to vector<16xi32>
      %ge3A_603 = arith.constant 6 : i32
      %ge3A_604 = vector.broadcast %ge3A_603 : i32 to vector<16xi32>
      %ge3A_605 = arith.cmpi sge, %iota3A, %ge3A_604 : vector<16xi32>
      %slice3A_606 = vector.extract_strided_slice %get3A_400 {offsets = [6], sizes = [1], strides = [1]} : vector<16xi32> to vector<1xi32>
      %squeeze3A_607 = vector.extract %slice3A_606[0] : i32 from vector<1xi32>
      %broadcast_in_dim3A_608 = vector.broadcast %squeeze3A_607 : i32 to vector<16xi32>
      %select_n3A_609 = arith.select %ge3A_605, %broadcast_in_dim3A_608, %broadcast_in_dim3A_602 : vector<16xi1>, vector<16xi32>
      %mul3A_610 = arith.constant 128 : i32
      %mul3A_611 = vector.broadcast %mul3A_610 : i32 to vector<16xi32>
      %mul3A_612 = arith.muli %select_n3A_609, %mul3A_611 : vector<16xi32>
      %add3A_613 = arith.constant 144 : i32
      %add3A_614 = arith.addi %mul3A_402, %add3A_613 : i32
      %get3A_615 = arith.index_cast %add3A_614 : i32 to index
      %get3A_616 = tpu.vector_load %arg13[%get3A_615] {strides = array<i32>} : memref<4000xi32, #tpu.memory_space<vmem>>, vector<16xi32>,
      %get3A_617 = vector.shape_cast %get3A_616 : vector<16xi32> to vector<16xi32>
      %add3A_618 = arith.addi %mul3A_612, %get3A_617 : vector<16xi32>
      %add3A_619 = arith.constant 144 : i32
      %add3A_620 = arith.addi %mul3A_402, %add3A_619 : i32
      %swap3A_621 = arith.index_cast %add3A_620 : i32 to index
      %swap3A_622 = tpu.vector_load %arg15[%swap3A_621] {strides = array<i32>} : memref<4096xi32, #tpu.memory_space<vmem>>, vector<16xi32>,
      %swap3A_623 = vector.shape_cast %swap3A_622 : vector<16xi32> to vector<16xi32>
      %swap3A_624 = vector.shape_cast %add3A_618 : vector<16xi32> to vector<16xi32>
      tpu.vector_store %arg15[%swap3A_621], %swap3A_624 {strides = array<i32>} : memref<4096xi32, #tpu.memory_space<vmem>>, vector<16xi32>,
      %slice3A_625 = vector.extract_strided_slice %get3A_400 {offsets = [6], sizes = [1], strides = [1]} : vector<16xi32> to vector<1xi32>
      %squeeze3A_626 = vector.extract %slice3A_625[0] : i32 from vector<1xi32>
      %broadcast_in_dim3A_627 = vector.broadcast %squeeze3A_626 : i32 to vector<16xi32>
      %ge3A_628 = arith.constant 15 : i32
      %ge3A_629 = vector.broadcast %ge3A_628 : i32 to vector<16xi32>
      %ge3A_630 = arith.cmpi sge, %iota3A, %ge3A_629 : vector<16xi32>
      %slice3A_631 = vector.extract_strided_slice %get3A_400 {offsets = [7], sizes = [1], strides = [1]} : vector<16xi32> to vector<1xi32>
      %squeeze3A_632 = vector.extract %slice3A_631[0] : i32 from vector<1xi32>
      %broadcast_in_dim3A_633 = vector.broadcast %squeeze3A_632 : i32 to vector<16xi32>
      %select_n3A_634 = arith.select %ge3A_630, %broadcast_in_dim3A_633, %broadcast_in_dim3A_627 : vector<16xi1>, vector<16xi32>
      %mul3A_635 = arith.constant 128 : i32
      %mul3A_636 = vector.broadcast %mul3A_635 : i32 to vector<16xi32>
      %mul3A_637 = arith.muli %select_n3A_634, %mul3A_636 : vector<16xi32>
      %add3A_638 = arith.constant 160 : i32
      %add3A_639 = arith.addi %mul3A_402, %add3A_638 : i32
      %get3A_640 = arith.index_cast %add3A_639 : i32 to index
      %get3A_641 = tpu.vector_load %arg13[%get3A_640] {strides = array<i32>} : memref<4000xi32, #tpu.memory_space<vmem>>, vector<16xi32>,
      %get3A_642 = vector.shape_cast %get3A_641 : vector<16xi32> to vector<16xi32>
      %add3A_643 = arith.addi %mul3A_637, %get3A_642 : vector<16xi32>
      %add3A_644 = arith.constant 160 : i32
      %add3A_645 = arith.addi %mul3A_402, %add3A_644 : i32
      %swap3A_646 = arith.index_cast %add3A_645 : i32 to index
      %swap3A_647 = tpu.vector_load %arg15[%swap3A_646] {strides = array<i32>} : memref<4096xi32, #tpu.memory_space<vmem>>, vector<16xi32>,
      %swap3A_648 = vector.shape_cast %swap3A_647 : vector<16xi32> to vector<16xi32>
      %swap3A_649 = vector.shape_cast %add3A_643 : vector<16xi32> to vector<16xi32>
      tpu.vector_store %arg15[%swap3A_646], %swap3A_649 {strides = array<i32>} : memref<4096xi32, #tpu.memory_space<vmem>>, vector<16xi32>,
      %slice3A_650 = vector.extract_strided_slice %get3A_400 {offsets = [7], sizes = [1], strides = [1]} : vector<16xi32> to vector<1xi32>
      %squeeze3A_651 = vector.extract %slice3A_650[0] : i32 from vector<1xi32>
      %broadcast_in_dim3A_652 = vector.broadcast %squeeze3A_651 : i32 to vector<16xi32>
      %mul3A_653 = arith.constant 128 : i32
      %mul3A_654 = vector.broadcast %mul3A_653 : i32 to vector<16xi32>
      %mul3A_655 = arith.muli %broadcast_in_dim3A_652, %mul3A_654 : vector<16xi32>
      %add3A_656 = arith.constant 176 : i32
      %add3A_657 = arith.addi %mul3A_402, %add3A_656 : i32
      %get3A_658 = arith.index_cast %add3A_657 : i32 to index
      %get3A_659 = tpu.vector_load %arg13[%get3A_658] {strides = array<i32>} : memref<4000xi32, #tpu.memory_space<vmem>>, vector<16xi32>,
      %get3A_660 = vector.shape_cast %get3A_659 : vector<16xi32> to vector<16xi32>
      %add3A_661 = arith.addi %mul3A_655, %get3A_660 : vector<16xi32>
      %add3A_662 = arith.constant 176 : i32
      %add3A_663 = arith.addi %mul3A_402, %add3A_662 : i32
      %swap3A_664 = arith.index_cast %add3A_663 : i32 to index
      %swap3A_665 = tpu.vector_load %arg15[%swap3A_664] {strides = array<i32>} : memref<4096xi32, #tpu.memory_space<vmem>>, vector<16xi32>,
      %swap3A_666 = vector.shape_cast %swap3A_665 : vector<16xi32> to vector<16xi32>
      %swap3A_667 = vector.shape_cast %add3A_661 : vector<16xi32> to vector<16xi32>
      tpu.vector_store %arg15[%swap3A_664], %swap3A_667 {strides = array<i32>} : memref<4096xi32, #tpu.memory_space<vmem>>, vector<16xi32>,
      %slice3A_668 = vector.extract_strided_slice %get3A_400 {offsets = [7], sizes = [1], strides = [1]} : vector<16xi32> to vector<1xi32>
      %squeeze3A_669 = vector.extract %slice3A_668[0] : i32 from vector<1xi32>
      %broadcast_in_dim3A_670 = vector.broadcast %squeeze3A_669 : i32 to vector<16xi32>
      %ge3A_671 = arith.constant 8 : i32
      %ge3A_672 = vector.broadcast %ge3A_671 : i32 to vector<16xi32>
      %ge3A_673 = arith.cmpi sge, %iota3A, %ge3A_672 : vector<16xi32>
      %slice3A_674 = vector.extract_strided_slice %get3A_400 {offsets = [8], sizes = [1], strides = [1]} : vector<16xi32> to vector<1xi32>
      %squeeze3A_675 = vector.extract %slice3A_674[0] : i32 from vector<1xi32>
      %broadcast_in_dim3A_676 = vector.broadcast %squeeze3A_675 : i32 to vector<16xi32>
      %select_n3A_677 = arith.select %ge3A_673, %broadcast_in_dim3A_676, %broadcast_in_dim3A_670 : vector<16xi1>, vector<16xi32>
      %mul3A_678 = arith.constant 128 : i32
      %mul3A_679 = vector.broadcast %mul3A_678 : i32 to vector<16xi32>
      %mul3A_680 = arith.muli %select_n3A_677, %mul3A_679 : vector<16xi32>
      %add3A_681 = arith.constant 192 : i32
      %add3A_682 = arith.addi %mul3A_402, %add3A_681 : i32
      %get3A_683 = arith.index_cast %add3A_682 : i32 to index
      %get3A_684 = tpu.vector_load %arg13[%get3A_683] {strides = array<i32>} : memref<4000xi32, #tpu.memory_space<vmem>>, vector<16xi32>,
      %get3A_685 = vector.shape_cast %get3A_684 : vector<16xi32> to vector<16xi32>
      %add3A_686 = arith.addi %mul3A_680, %get3A_685 : vector<16xi32>
      %add3A_687 = arith.constant 192 : i32
      %add3A_688 = arith.addi %mul3A_402, %add3A_687 : i32
      %swap3A_689 = arith.index_cast %add3A_688 : i32 to index
      %swap3A_690 = tpu.vector_load %arg15[%swap3A_689] {strides = array<i32>} : memref<4096xi32, #tpu.memory_space<vmem>>, vector<16xi32>,
      %swap3A_691 = vector.shape_cast %swap3A_690 : vector<16xi32> to vector<16xi32>
      %swap3A_692 = vector.shape_cast %add3A_686 : vector<16xi32> to vector<16xi32>
      tpu.vector_store %arg15[%swap3A_689], %swap3A_692 {strides = array<i32>} : memref<4096xi32, #tpu.memory_space<vmem>>, vector<16xi32>,
      %slice3A_693 = vector.extract_strided_slice %get3A_400 {offsets = [8], sizes = [1], strides = [1]} : vector<16xi32> to vector<1xi32>
      %squeeze3A_694 = vector.extract %slice3A_693[0] : i32 from vector<1xi32>
      %broadcast_in_dim3A_695 = vector.broadcast %squeeze3A_694 : i32 to vector<16xi32>
      %mul3A_696 = arith.constant 128 : i32
      %mul3A_697 = vector.broadcast %mul3A_696 : i32 to vector<16xi32>
      %mul3A_698 = arith.muli %broadcast_in_dim3A_695, %mul3A_697 : vector<16xi32>
      %add3A_699 = arith.constant 208 : i32
      %add3A_700 = arith.addi %mul3A_402, %add3A_699 : i32
      %get3A_701 = arith.index_cast %add3A_700 : i32 to index
      %get3A_702 = tpu.vector_load %arg13[%get3A_701] {strides = array<i32>} : memref<4000xi32, #tpu.memory_space<vmem>>, vector<16xi32>,
      %get3A_703 = vector.shape_cast %get3A_702 : vector<16xi32> to vector<16xi32>
      %add3A_704 = arith.addi %mul3A_698, %get3A_703 : vector<16xi32>
      %add3A_705 = arith.constant 208 : i32
      %add3A_706 = arith.addi %mul3A_402, %add3A_705 : i32
      %swap3A_707 = arith.index_cast %add3A_706 : i32 to index
      %swap3A_708 = tpu.vector_load %arg15[%swap3A_707] {strides = array<i32>} : memref<4096xi32, #tpu.memory_space<vmem>>, vector<16xi32>,
      %swap3A_709 = vector.shape_cast %swap3A_708 : vector<16xi32> to vector<16xi32>
      %swap3A_710 = vector.shape_cast %add3A_704 : vector<16xi32> to vector<16xi32>
      tpu.vector_store %arg15[%swap3A_707], %swap3A_710 {strides = array<i32>} : memref<4096xi32, #tpu.memory_space<vmem>>, vector<16xi32>,
      %slice3A_711 = vector.extract_strided_slice %get3A_400 {offsets = [8], sizes = [1], strides = [1]} : vector<16xi32> to vector<1xi32>
      %squeeze3A_712 = vector.extract %slice3A_711[0] : i32 from vector<1xi32>
      %broadcast_in_dim3A_713 = vector.broadcast %squeeze3A_712 : i32 to vector<16xi32>
      %ge3A_714 = arith.constant 1 : i32
      %ge3A_715 = vector.broadcast %ge3A_714 : i32 to vector<16xi32>
      %ge3A_716 = arith.cmpi sge, %iota3A, %ge3A_715 : vector<16xi32>
      %slice3A_717 = vector.extract_strided_slice %get3A_400 {offsets = [9], sizes = [1], strides = [1]} : vector<16xi32> to vector<1xi32>
      %squeeze3A_718 = vector.extract %slice3A_717[0] : i32 from vector<1xi32>
      %broadcast_in_dim3A_719 = vector.broadcast %squeeze3A_718 : i32 to vector<16xi32>
      %select_n3A_720 = arith.select %ge3A_716, %broadcast_in_dim3A_719, %broadcast_in_dim3A_713 : vector<16xi1>, vector<16xi32>
      %mul3A_721 = arith.constant 128 : i32
      %mul3A_722 = vector.broadcast %mul3A_721 : i32 to vector<16xi32>
      %mul3A_723 = arith.muli %select_n3A_720, %mul3A_722 : vector<16xi32>
      %add3A_724 = arith.constant 224 : i32
      %add3A_725 = arith.addi %mul3A_402, %add3A_724 : i32
      %get3A_726 = arith.index_cast %add3A_725 : i32 to index
      %get3A_727 = tpu.vector_load %arg13[%get3A_726] {strides = array<i32>} : memref<4000xi32, #tpu.memory_space<vmem>>, vector<16xi32>,
      %get3A_728 = vector.shape_cast %get3A_727 : vector<16xi32> to vector<16xi32>
      %add3A_729 = arith.addi %mul3A_723, %get3A_728 : vector<16xi32>
      %add3A_730 = arith.constant 224 : i32
      %add3A_731 = arith.addi %mul3A_402, %add3A_730 : i32
      %swap3A_732 = arith.index_cast %add3A_731 : i32 to index
      %swap3A_733 = tpu.vector_load %arg15[%swap3A_732] {strides = array<i32>} : memref<4096xi32, #tpu.memory_space<vmem>>, vector<16xi32>,
      %swap3A_734 = vector.shape_cast %swap3A_733 : vector<16xi32> to vector<16xi32>
      %swap3A_735 = vector.shape_cast %add3A_729 : vector<16xi32> to vector<16xi32>
      tpu.vector_store %arg15[%swap3A_732], %swap3A_735 {strides = array<i32>} : memref<4096xi32, #tpu.memory_space<vmem>>, vector<16xi32>,
      %slice3A_736 = vector.extract_strided_slice %get3A_400 {offsets = [9], sizes = [1], strides = [1]} : vector<16xi32> to vector<1xi32>
      %squeeze3A_737 = vector.extract %slice3A_736[0] : i32 from vector<1xi32>
      %broadcast_in_dim3A_738 = vector.broadcast %squeeze3A_737 : i32 to vector<16xi32>
      %ge3A_739 = arith.constant 10 : i32
      %ge3A_740 = vector.broadcast %ge3A_739 : i32 to vector<16xi32>
      %ge3A_741 = arith.cmpi sge, %iota3A, %ge3A_740 : vector<16xi32>
      %slice3A_742 = vector.extract_strided_slice %get3A_400 {offsets = [10], sizes = [1], strides = [1]} : vector<16xi32> to vector<1xi32>
      %squeeze3A_743 = vector.extract %slice3A_742[0] : i32 from vector<1xi32>
      %broadcast_in_dim3A_744 = vector.broadcast %squeeze3A_743 : i32 to vector<16xi32>
      %select_n3A_745 = arith.select %ge3A_741, %broadcast_in_dim3A_744, %broadcast_in_dim3A_738 : vector<16xi1>, vector<16xi32>
      %mul3A_746 = arith.constant 128 : i32
      %mul3A_747 = vector.broadcast %mul3A_746 : i32 to vector<16xi32>
      %mul3A_748 = arith.muli %select_n3A_745, %mul3A_747 : vector<16xi32>
      %add3A_749 = arith.constant 240 : i32
      %add3A_750 = arith.addi %mul3A_402, %add3A_749 : i32
      %get3A_751 = arith.index_cast %add3A_750 : i32 to index
      %get3A_752 = tpu.vector_load %arg13[%get3A_751] {strides = array<i32>} : memref<4000xi32, #tpu.memory_space<vmem>>, vector<16xi32>,
      %get3A_753 = vector.shape_cast %get3A_752 : vector<16xi32> to vector<16xi32>
      %add3A_754 = arith.addi %mul3A_748, %get3A_753 : vector<16xi32>
      %add3A_755 = arith.constant 240 : i32
      %add3A_756 = arith.addi %mul3A_402, %add3A_755 : i32
      %swap3A_757 = arith.index_cast %add3A_756 : i32 to index
      %swap3A_758 = tpu.vector_load %arg15[%swap3A_757] {strides = array<i32>} : memref<4096xi32, #tpu.memory_space<vmem>>, vector<16xi32>,
      %swap3A_759 = vector.shape_cast %swap3A_758 : vector<16xi32> to vector<16xi32>
      %swap3A_760 = vector.shape_cast %add3A_754 : vector<16xi32> to vector<16xi32>
      tpu.vector_store %arg15[%swap3A_757], %swap3A_760 {strides = array<i32>} : memref<4096xi32, #tpu.memory_space<vmem>>, vector<16xi32>,
      %slice3A_761 = vector.extract_strided_slice %get3A_400 {offsets = [10], sizes = [1], strides = [1]} : vector<16xi32> to vector<1xi32>
      %squeeze3A_762 = vector.extract %slice3A_761[0] : i32 from vector<1xi32>
      %broadcast_in_dim3A_763 = vector.broadcast %squeeze3A_762 : i32 to vector<16xi32>
      %mul3A_764 = arith.constant 128 : i32
      %mul3A_765 = vector.broadcast %mul3A_764 : i32 to vector<16xi32>
      %mul3A_766 = arith.muli %broadcast_in_dim3A_763, %mul3A_765 : vector<16xi32>
      %add3A_767 = arith.constant 256 : i32
      %add3A_768 = arith.addi %mul3A_402, %add3A_767 : i32
      %get3A_769 = arith.index_cast %add3A_768 : i32 to index
      %get3A_770 = tpu.vector_load %arg13[%get3A_769] {strides = array<i32>} : memref<4000xi32, #tpu.memory_space<vmem>>, vector<16xi32>,
      %get3A_771 = vector.shape_cast %get3A_770 : vector<16xi32> to vector<16xi32>
      %add3A_772 = arith.addi %mul3A_766, %get3A_771 : vector<16xi32>
      %add3A_773 = arith.constant 256 : i32
      %add3A_774 = arith.addi %mul3A_402, %add3A_773 : i32
      %swap3A_775 = arith.index_cast %add3A_774 : i32 to index
      %swap3A_776 = tpu.vector_load %arg15[%swap3A_775] {strides = array<i32>} : memref<4096xi32, #tpu.memory_space<vmem>>, vector<16xi32>,
      %swap3A_777 = vector.shape_cast %swap3A_776 : vector<16xi32> to vector<16xi32>
      %swap3A_778 = vector.shape_cast %add3A_772 : vector<16xi32> to vector<16xi32>
      tpu.vector_store %arg15[%swap3A_775], %swap3A_778 {strides = array<i32>} : memref<4096xi32, #tpu.memory_space<vmem>>, vector<16xi32>,
      %slice3A_779 = vector.extract_strided_slice %get3A_400 {offsets = [10], sizes = [1], strides = [1]} : vector<16xi32> to vector<1xi32>
      %squeeze3A_780 = vector.extract %slice3A_779[0] : i32 from vector<1xi32>
      %broadcast_in_dim3A_781 = vector.broadcast %squeeze3A_780 : i32 to vector<16xi32>
      %ge3A_782 = arith.constant 3 : i32
      %ge3A_783 = vector.broadcast %ge3A_782 : i32 to vector<16xi32>
      %ge3A_784 = arith.cmpi sge, %iota3A, %ge3A_783 : vector<16xi32>
      %slice3A_785 = vector.extract_strided_slice %get3A_400 {offsets = [11], sizes = [1], strides = [1]} : vector<16xi32> to vector<1xi32>
      %squeeze3A_786 = vector.extract %slice3A_785[0] : i32 from vector<1xi32>
      %broadcast_in_dim3A_787 = vector.broadcast %squeeze3A_786 : i32 to vector<16xi32>
      %select_n3A_788 = arith.select %ge3A_784, %broadcast_in_dim3A_787, %broadcast_in_dim3A_781 : vector<16xi1>, vector<16xi32>
      %mul3A_789 = arith.constant 128 : i32
      %mul3A_790 = vector.broadcast %mul3A_789 : i32 to vector<16xi32>
      %mul3A_791 = arith.muli %select_n3A_788, %mul3A_790 : vector<16xi32>
      %add3A_792 = arith.constant 272 : i32
      %add3A_793 = arith.addi %mul3A_402, %add3A_792 : i32
      %get3A_794 = arith.index_cast %add3A_793 : i32 to index
      %get3A_795 = tpu.vector_load %arg13[%get3A_794] {strides = array<i32>} : memref<4000xi32, #tpu.memory_space<vmem>>, vector<16xi32>,
      %get3A_796 = vector.shape_cast %get3A_795 : vector<16xi32> to vector<16xi32>
      %add3A_797 = arith.addi %mul3A_791, %get3A_796 : vector<16xi32>
      %add3A_798 = arith.constant 272 : i32
      %add3A_799 = arith.addi %mul3A_402, %add3A_798 : i32
      %swap3A_800 = arith.index_cast %add3A_799 : i32 to index
      %swap3A_801 = tpu.vector_load %arg15[%swap3A_800] {strides = array<i32>} : memref<4096xi32, #tpu.memory_space<vmem>>, vector<16xi32>,
      %swap3A_802 = vector.shape_cast %swap3A_801 : vector<16xi32> to vector<16xi32>
      %swap3A_803 = vector.shape_cast %add3A_797 : vector<16xi32> to vector<16xi32>
      tpu.vector_store %arg15[%swap3A_800], %swap3A_803 {strides = array<i32>} : memref<4096xi32, #tpu.memory_space<vmem>>, vector<16xi32>,
      %slice3A_804 = vector.extract_strided_slice %get3A_400 {offsets = [11], sizes = [1], strides = [1]} : vector<16xi32> to vector<1xi32>
      %squeeze3A_805 = vector.extract %slice3A_804[0] : i32 from vector<1xi32>
      %broadcast_in_dim3A_806 = vector.broadcast %squeeze3A_805 : i32 to vector<16xi32>
      %ge3A_807 = arith.constant 12 : i32
      %ge3A_808 = vector.broadcast %ge3A_807 : i32 to vector<16xi32>
      %ge3A_809 = arith.cmpi sge, %iota3A, %ge3A_808 : vector<16xi32>
      %slice3A_810 = vector.extract_strided_slice %get3A_400 {offsets = [12], sizes = [1], strides = [1]} : vector<16xi32> to vector<1xi32>
      %squeeze3A_811 = vector.extract %slice3A_810[0] : i32 from vector<1xi32>
      %broadcast_in_dim3A_812 = vector.broadcast %squeeze3A_811 : i32 to vector<16xi32>
      %select_n3A_813 = arith.select %ge3A_809, %broadcast_in_dim3A_812, %broadcast_in_dim3A_806 : vector<16xi1>, vector<16xi32>
      %mul3A_814 = arith.constant 128 : i32
      %mul3A_815 = vector.broadcast %mul3A_814 : i32 to vector<16xi32>
      %mul3A_816 = arith.muli %select_n3A_813, %mul3A_815 : vector<16xi32>
      %add3A_817 = arith.constant 288 : i32
      %add3A_818 = arith.addi %mul3A_402, %add3A_817 : i32
      %get3A_819 = arith.index_cast %add3A_818 : i32 to index
      %get3A_820 = tpu.vector_load %arg13[%get3A_819] {strides = array<i32>} : memref<4000xi32, #tpu.memory_space<vmem>>, vector<16xi32>,
      %get3A_821 = vector.shape_cast %get3A_820 : vector<16xi32> to vector<16xi32>
      %add3A_822 = arith.addi %mul3A_816, %get3A_821 : vector<16xi32>
      %add3A_823 = arith.constant 288 : i32
      %add3A_824 = arith.addi %mul3A_402, %add3A_823 : i32
      %swap3A_825 = arith.index_cast %add3A_824 : i32 to index
      %swap3A_826 = tpu.vector_load %arg15[%swap3A_825] {strides = array<i32>} : memref<4096xi32, #tpu.memory_space<vmem>>, vector<16xi32>,
      %swap3A_827 = vector.shape_cast %swap3A_826 : vector<16xi32> to vector<16xi32>
      %swap3A_828 = vector.shape_cast %add3A_822 : vector<16xi32> to vector<16xi32>
      tpu.vector_store %arg15[%swap3A_825], %swap3A_828 {strides = array<i32>} : memref<4096xi32, #tpu.memory_space<vmem>>, vector<16xi32>,
      %slice3A_829 = vector.extract_strided_slice %get3A_400 {offsets = [12], sizes = [1], strides = [1]} : vector<16xi32> to vector<1xi32>
      %squeeze3A_830 = vector.extract %slice3A_829[0] : i32 from vector<1xi32>
      %broadcast_in_dim3A_831 = vector.broadcast %squeeze3A_830 : i32 to vector<16xi32>
      %mul3A_832 = arith.constant 128 : i32
      %mul3A_833 = vector.broadcast %mul3A_832 : i32 to vector<16xi32>
      %mul3A_834 = arith.muli %broadcast_in_dim3A_831, %mul3A_833 : vector<16xi32>
      %add3A_835 = arith.constant 304 : i32
      %add3A_836 = arith.addi %mul3A_402, %add3A_835 : i32
      %get3A_837 = arith.index_cast %add3A_836 : i32 to index
      %get3A_838 = tpu.vector_load %arg13[%get3A_837] {strides = array<i32>} : memref<4000xi32, #tpu.memory_space<vmem>>, vector<16xi32>,
      %get3A_839 = vector.shape_cast %get3A_838 : vector<16xi32> to vector<16xi32>
      %add3A_840 = arith.addi %mul3A_834, %get3A_839 : vector<16xi32>
      %add3A_841 = arith.constant 304 : i32
      %add3A_842 = arith.addi %mul3A_402, %add3A_841 : i32
      %swap3A_843 = arith.index_cast %add3A_842 : i32 to index
      %swap3A_844 = tpu.vector_load %arg15[%swap3A_843] {strides = array<i32>} : memref<4096xi32, #tpu.memory_space<vmem>>, vector<16xi32>,
      %swap3A_845 = vector.shape_cast %swap3A_844 : vector<16xi32> to vector<16xi32>
      %swap3A_846 = vector.shape_cast %add3A_840 : vector<16xi32> to vector<16xi32>
      tpu.vector_store %arg15[%swap3A_843], %swap3A_846 {strides = array<i32>} : memref<4096xi32, #tpu.memory_space<vmem>>, vector<16xi32>,
      %slice3A_847 = vector.extract_strided_slice %get3A_400 {offsets = [12], sizes = [1], strides = [1]} : vector<16xi32> to vector<1xi32>
      %squeeze3A_848 = vector.extract %slice3A_847[0] : i32 from vector<1xi32>
      %broadcast_in_dim3A_849 = vector.broadcast %squeeze3A_848 : i32 to vector<16xi32>
      %ge3A_850 = arith.constant 5 : i32
      %ge3A_851 = vector.broadcast %ge3A_850 : i32 to vector<16xi32>
      %ge3A_852 = arith.cmpi sge, %iota3A, %ge3A_851 : vector<16xi32>
      %slice3A_853 = vector.extract_strided_slice %get3A_400 {offsets = [13], sizes = [1], strides = [1]} : vector<16xi32> to vector<1xi32>
      %squeeze3A_854 = vector.extract %slice3A_853[0] : i32 from vector<1xi32>
      %broadcast_in_dim3A_855 = vector.broadcast %squeeze3A_854 : i32 to vector<16xi32>
      %select_n3A_856 = arith.select %ge3A_852, %broadcast_in_dim3A_855, %broadcast_in_dim3A_849 : vector<16xi1>, vector<16xi32>
      %mul3A_857 = arith.constant 128 : i32
      %mul3A_858 = vector.broadcast %mul3A_857 : i32 to vector<16xi32>
      %mul3A_859 = arith.muli %select_n3A_856, %mul3A_858 : vector<16xi32>
      %add3A_860 = arith.constant 320 : i32
      %add3A_861 = arith.addi %mul3A_402, %add3A_860 : i32
      %get3A_862 = arith.index_cast %add3A_861 : i32 to index
      %get3A_863 = tpu.vector_load %arg13[%get3A_862] {strides = array<i32>} : memref<4000xi32, #tpu.memory_space<vmem>>, vector<16xi32>,
      %get3A_864 = vector.shape_cast %get3A_863 : vector<16xi32> to vector<16xi32>
      %add3A_865 = arith.addi %mul3A_859, %get3A_864 : vector<16xi32>
      %add3A_866 = arith.constant 320 : i32
      %add3A_867 = arith.addi %mul3A_402, %add3A_866 : i32
      %swap3A_868 = arith.index_cast %add3A_867 : i32 to index
      %swap3A_869 = tpu.vector_load %arg15[%swap3A_868] {strides = array<i32>} : memref<4096xi32, #tpu.memory_space<vmem>>, vector<16xi32>,
      %swap3A_870 = vector.shape_cast %swap3A_869 : vector<16xi32> to vector<16xi32>
      %swap3A_871 = vector.shape_cast %add3A_865 : vector<16xi32> to vector<16xi32>
      tpu.vector_store %arg15[%swap3A_868], %swap3A_871 {strides = array<i32>} : memref<4096xi32, #tpu.memory_space<vmem>>, vector<16xi32>,
      %slice3A_872 = vector.extract_strided_slice %get3A_400 {offsets = [13], sizes = [1], strides = [1]} : vector<16xi32> to vector<1xi32>
      %squeeze3A_873 = vector.extract %slice3A_872[0] : i32 from vector<1xi32>
      %broadcast_in_dim3A_874 = vector.broadcast %squeeze3A_873 : i32 to vector<16xi32>
      %ge3A_875 = arith.constant 14 : i32
      %ge3A_876 = vector.broadcast %ge3A_875 : i32 to vector<16xi32>
      %ge3A_877 = arith.cmpi sge, %iota3A, %ge3A_876 : vector<16xi32>
      %slice3A_878 = vector.extract_strided_slice %get3A_400 {offsets = [14], sizes = [1], strides = [1]} : vector<16xi32> to vector<1xi32>
      %squeeze3A_879 = vector.extract %slice3A_878[0] : i32 from vector<1xi32>
      %broadcast_in_dim3A_880 = vector.broadcast %squeeze3A_879 : i32 to vector<16xi32>
      %select_n3A_881 = arith.select %ge3A_877, %broadcast_in_dim3A_880, %broadcast_in_dim3A_874 : vector<16xi1>, vector<16xi32>
      %mul3A_882 = arith.constant 128 : i32
      %mul3A_883 = vector.broadcast %mul3A_882 : i32 to vector<16xi32>
      %mul3A_884 = arith.muli %select_n3A_881, %mul3A_883 : vector<16xi32>
      %add3A_885 = arith.constant 336 : i32
      %add3A_886 = arith.addi %mul3A_402, %add3A_885 : i32
      %get3A_887 = arith.index_cast %add3A_886 : i32 to index
      %get3A_888 = tpu.vector_load %arg13[%get3A_887] {strides = array<i32>} : memref<4000xi32, #tpu.memory_space<vmem>>, vector<16xi32>,
      %get3A_889 = vector.shape_cast %get3A_888 : vector<16xi32> to vector<16xi32>
      %add3A_890 = arith.addi %mul3A_884, %get3A_889 : vector<16xi32>
      %add3A_891 = arith.constant 336 : i32
      %add3A_892 = arith.addi %mul3A_402, %add3A_891 : i32
      %swap3A_893 = arith.index_cast %add3A_892 : i32 to index
      %swap3A_894 = tpu.vector_load %arg15[%swap3A_893] {strides = array<i32>} : memref<4096xi32, #tpu.memory_space<vmem>>, vector<16xi32>,
      %swap3A_895 = vector.shape_cast %swap3A_894 : vector<16xi32> to vector<16xi32>
      %swap3A_896 = vector.shape_cast %add3A_890 : vector<16xi32> to vector<16xi32>
      tpu.vector_store %arg15[%swap3A_893], %swap3A_896 {strides = array<i32>} : memref<4096xi32, #tpu.memory_space<vmem>>, vector<16xi32>,
      %slice3A_897 = vector.extract_strided_slice %get3A_400 {offsets = [14], sizes = [1], strides = [1]} : vector<16xi32> to vector<1xi32>
      %squeeze3A_898 = vector.extract %slice3A_897[0] : i32 from vector<1xi32>
      %broadcast_in_dim3A_899 = vector.broadcast %squeeze3A_898 : i32 to vector<16xi32>
      %mul3A_900 = arith.constant 128 : i32
      %mul3A_901 = vector.broadcast %mul3A_900 : i32 to vector<16xi32>
      %mul3A_902 = arith.muli %broadcast_in_dim3A_899, %mul3A_901 : vector<16xi32>
      %add3A_903 = arith.constant 352 : i32
      %add3A_904 = arith.addi %mul3A_402, %add3A_903 : i32
      %get3A_905 = arith.index_cast %add3A_904 : i32 to index
      %get3A_906 = tpu.vector_load %arg13[%get3A_905] {strides = array<i32>} : memref<4000xi32, #tpu.memory_space<vmem>>, vector<16xi32>,
      %get3A_907 = vector.shape_cast %get3A_906 : vector<16xi32> to vector<16xi32>
      %add3A_908 = arith.addi %mul3A_902, %get3A_907 : vector<16xi32>
      %add3A_909 = arith.constant 352 : i32
      %add3A_910 = arith.addi %mul3A_402, %add3A_909 : i32
      %swap3A_911 = arith.index_cast %add3A_910 : i32 to index
      %swap3A_912 = tpu.vector_load %arg15[%swap3A_911] {strides = array<i32>} : memref<4096xi32, #tpu.memory_space<vmem>>, vector<16xi32>,
      %swap3A_913 = vector.shape_cast %swap3A_912 : vector<16xi32> to vector<16xi32>
      %swap3A_914 = vector.shape_cast %add3A_908 : vector<16xi32> to vector<16xi32>
      tpu.vector_store %arg15[%swap3A_911], %swap3A_914 {strides = array<i32>} : memref<4096xi32, #tpu.memory_space<vmem>>, vector<16xi32>,
      %slice3A_915 = vector.extract_strided_slice %get3A_400 {offsets = [14], sizes = [1], strides = [1]} : vector<16xi32> to vector<1xi32>
      %squeeze3A_916 = vector.extract %slice3A_915[0] : i32 from vector<1xi32>
      %broadcast_in_dim3A_917 = vector.broadcast %squeeze3A_916 : i32 to vector<16xi32>
      %ge3A_918 = arith.constant 7 : i32
      %ge3A_919 = vector.broadcast %ge3A_918 : i32 to vector<16xi32>
      %ge3A_920 = arith.cmpi sge, %iota3A, %ge3A_919 : vector<16xi32>
      %slice3A_921 = vector.extract_strided_slice %get3A_400 {offsets = [15], sizes = [1], strides = [1]} : vector<16xi32> to vector<1xi32>
      %squeeze3A_922 = vector.extract %slice3A_921[0] : i32 from vector<1xi32>
      %broadcast_in_dim3A_923 = vector.broadcast %squeeze3A_922 : i32 to vector<16xi32>
      %select_n3A_924 = arith.select %ge3A_920, %broadcast_in_dim3A_923, %broadcast_in_dim3A_917 : vector<16xi1>, vector<16xi32>
      %mul3A_925 = arith.constant 128 : i32
      %mul3A_926 = vector.broadcast %mul3A_925 : i32 to vector<16xi32>
      %mul3A_927 = arith.muli %select_n3A_924, %mul3A_926 : vector<16xi32>
      %add3A_928 = arith.constant 368 : i32
      %add3A_929 = arith.addi %mul3A_402, %add3A_928 : i32
      %get3A_930 = arith.index_cast %add3A_929 : i32 to index
      %get3A_931 = tpu.vector_load %arg13[%get3A_930] {strides = array<i32>} : memref<4000xi32, #tpu.memory_space<vmem>>, vector<16xi32>,
      %get3A_932 = vector.shape_cast %get3A_931 : vector<16xi32> to vector<16xi32>
      %add3A_933 = arith.addi %mul3A_927, %get3A_932 : vector<16xi32>
      %add3A_934 = arith.constant 368 : i32
      %add3A_935 = arith.addi %mul3A_402, %add3A_934 : i32
      %swap3A_936 = arith.index_cast %add3A_935 : i32 to index
      %swap3A_937 = tpu.vector_load %arg15[%swap3A_936] {strides = array<i32>} : memref<4096xi32, #tpu.memory_space<vmem>>, vector<16xi32>,
      %swap3A_938 = vector.shape_cast %swap3A_937 : vector<16xi32> to vector<16xi32>
      %swap3A_939 = vector.shape_cast %add3A_933 : vector<16xi32> to vector<16xi32>
      tpu.vector_store %arg15[%swap3A_936], %swap3A_939 {strides = array<i32>} : memref<4096xi32, #tpu.memory_space<vmem>>, vector<16xi32>,
      %slice3A_940 = vector.extract_strided_slice %get3A_400 {offsets = [15], sizes = [1], strides = [1]} : vector<16xi32> to vector<1xi32>
      %squeeze3A_941 = vector.extract %slice3A_940[0] : i32 from vector<1xi32>
      %broadcast_in_dim3A_942 = vector.broadcast %squeeze3A_941 : i32 to vector<16xi32>
      %mul3A_943 = arith.constant 128 : i32
      %mul3A_944 = vector.broadcast %mul3A_943 : i32 to vector<16xi32>
      %mul3A_945 = arith.muli %broadcast_in_dim3A_942, %mul3A_944 : vector<16xi32>
      %add3A_946 = arith.constant 384 : i32
      %add3A_947 = arith.addi %mul3A_402, %add3A_946 : i32
      %get3A_948 = arith.index_cast %add3A_947 : i32 to index
      %get3A_949 = tpu.vector_load %arg13[%get3A_948] {strides = array<i32>} : memref<4000xi32, #tpu.memory_space<vmem>>, vector<16xi32>,
      %get3A_950 = vector.shape_cast %get3A_949 : vector<16xi32> to vector<16xi32>
      %add3A_951 = arith.addi %mul3A_945, %get3A_950 : vector<16xi32>
      %add3A_952 = arith.constant 384 : i32
      %add3A_953 = arith.addi %mul3A_402, %add3A_952 : i32
      %swap3A_954 = arith.index_cast %add3A_953 : i32 to index
      %swap3A_955 = tpu.vector_load %arg15[%swap3A_954] {strides = array<i32>} : memref<4096xi32, #tpu.memory_space<vmem>>, vector<16xi32>,
      %swap3A_956 = vector.shape_cast %swap3A_955 : vector<16xi32> to vector<16xi32>
      %swap3A_957 = vector.shape_cast %add3A_951 : vector<16xi32> to vector<16xi32>
      tpu.vector_store %arg15[%swap3A_954], %swap3A_957 {strides = array<i32>} : memref<4096xi32, #tpu.memory_space<vmem>>, vector<16xi32>,
    }
    %scan3A_289 = arith.constant 10 : i32
    %broadcast_in_dim3A_290 = arith.constant 0 : i32
    %broadcast_in_dim3A_291 = vector.broadcast %broadcast_in_dim3A_290 : i32 to vector<16xi32>
    %swap3A_292 = arith.constant 4000 : index
    %swap3A_293 = tpu.vector_load %arg15[%swap3A_292] {strides = array<i32>} : memref<4096xi32, #tpu.memory_space<vmem>>, vector<16xi32>,
    %swap3A_294 = vector.shape_cast %swap3A_293 : vector<16xi32> to vector<16xi32>
    %swap3A_295 = vector.shape_cast %broadcast_in_dim3A_291 : vector<16xi32> to vector<16xi32>
    tpu.vector_store %arg15[%swap3A_292], %swap3A_295 {strides = array<i32>} : memref<4096xi32, #tpu.memory_space<vmem>>, vector<16xi32>,
    %broadcast_in_dim3A_296 = arith.constant 0 : i32
    %broadcast_in_dim3A_297 = vector.broadcast %broadcast_in_dim3A_296 : i32 to vector<16xi32>
    %swap3A_298 = arith.constant 4016 : index
    %swap3A_299 = tpu.vector_load %arg15[%swap3A_298] {strides = array<i32>} : memref<4096xi32, #tpu.memory_space<vmem>>, vector<16xi32>,
    %swap3A_300 = vector.shape_cast %swap3A_299 : vector<16xi32> to vector<16xi32>
    %swap3A_301 = vector.shape_cast %broadcast_in_dim3A_297 : vector<16xi32> to vector<16xi32>
    tpu.vector_store %arg15[%swap3A_298], %swap3A_301 {strides = array<i32>} : memref<4096xi32, #tpu.memory_space<vmem>>, vector<16xi32>,
    %broadcast_in_dim3A_302 = arith.constant 0 : i32
    %broadcast_in_dim3A_303 = vector.broadcast %broadcast_in_dim3A_302 : i32 to vector<16xi32>
    %swap3A_304 = arith.constant 4032 : index
    %swap3A_305 = tpu.vector_load %arg15[%swap3A_304] {strides = array<i32>} : memref<4096xi32, #tpu.memory_space<vmem>>, vector<16xi32>,
    %swap3A_306 = vector.shape_cast %swap3A_305 : vector<16xi32> to vector<16xi32>
    %swap3A_307 = vector.shape_cast %broadcast_in_dim3A_303 : vector<16xi32> to vector<16xi32>
    tpu.vector_store %arg15[%swap3A_304], %swap3A_307 {strides = array<i32>} : memref<4096xi32, #tpu.memory_space<vmem>>, vector<16xi32>,
    %broadcast_in_dim3A_308 = arith.constant 0 : i32
    %broadcast_in_dim3A_309 = vector.broadcast %broadcast_in_dim3A_308 : i32 to vector<16xi32>
    %swap3A_310 = arith.constant 4048 : index
    %swap3A_311 = tpu.vector_load %arg15[%swap3A_310] {strides = array<i32>} : memref<4096xi32, #tpu.memory_space<vmem>>, vector<16xi32>,
    %swap3A_312 = vector.shape_cast %swap3A_311 : vector<16xi32> to vector<16xi32>
    %swap3A_313 = vector.shape_cast %broadcast_in_dim3A_309 : vector<16xi32> to vector<16xi32>
    tpu.vector_store %arg15[%swap3A_310], %swap3A_313 {strides = array<i32>} : memref<4096xi32, #tpu.memory_space<vmem>>, vector<16xi32>,
    %broadcast_in_dim3A_314 = arith.constant 0 : i32
    %broadcast_in_dim3A_315 = vector.broadcast %broadcast_in_dim3A_314 : i32 to vector<16xi32>
    %swap3A_316 = arith.constant 4064 : index
    %swap3A_317 = tpu.vector_load %arg15[%swap3A_316] {strides = array<i32>} : memref<4096xi32, #tpu.memory_space<vmem>>, vector<16xi32>,
    %swap3A_318 = vector.shape_cast %swap3A_317 : vector<16xi32> to vector<16xi32>
    %swap3A_319 = vector.shape_cast %broadcast_in_dim3A_315 : vector<16xi32> to vector<16xi32>
    tpu.vector_store %arg15[%swap3A_316], %swap3A_319 {strides = array<i32>} : memref<4096xi32, #tpu.memory_space<vmem>>, vector<16xi32>,
    %broadcast_in_dim3A_320 = arith.constant 0 : i32
    %broadcast_in_dim3A_321 = vector.broadcast %broadcast_in_dim3A_320 : i32 to vector<16xi32>
    %swap3A_322 = arith.constant 4080 : index
    %swap3A_323 = tpu.vector_load %arg15[%swap3A_322] {strides = array<i32>} : memref<4096xi32, #tpu.memory_space<vmem>>, vector<16xi32>,
    %swap3A_324 = vector.shape_cast %swap3A_323 : vector<16xi32> to vector<16xi32>
    %swap3A_325 = vector.shape_cast %broadcast_in_dim3A_321 : vector<16xi32> to vector<16xi32>
    tpu.vector_store %arg15[%swap3A_322], %swap3A_325 {strides = array<i32>} : memref<4096xi32, #tpu.memory_space<vmem>>, vector<16xi32>,
    %scan3A_326 = arith.constant 0 : i32
    %scan3A_327 = arith.constant 0 : i32
    %scan3A_328 = arith.constant 32 : i32
    %scan3A_329 = arith.addi %scan3A_327, %scan3A_328 : i32
    %scan3A_330 = arith.constant 1 : i32
    scf.for %scan3A_395 = %scan3A_327 to %scan3A_329 step %scan3A_330  : i32 {
      %mul3A_396 = arith.constant 128 : i32
      %mul3A_397 = arith.muli %scan3A_395, %mul3A_396 : i32
      %mul3A_398 = arith.constant 128 : i32
      %mul3A_399 = arith.muli %scan3A_395, %mul3A_398 : i32
      %dma_start3A_400 = tpu.memref_slice %arg16[%mul3A_399] : memref<4096xi32, #tpu.memory_space<vmem>> -> memref<128xi32, #tpu.memory_space<vmem>>
      %dma_start3A_401 = tpu.memref_slice %arg15[%mul3A_397] : memref<4096xi32, #tpu.memory_space<vmem>> -> memref<128xi32, #tpu.memory_space<vmem>>
      %dma_start3A_402 = arith.constant 0 : i32
      %dma_start3A_403 = tpu.memref_slice %arg5[%dma_start3A_402] : memref<12800000xi32, #tpu.memory_space<hbm>> -> memref<12800000xi32, #tpu.memory_space<hbm>>
      tpu.enqueue_indirect_dma source(%dma_start3A_403 : memref<12800000xi32, #tpu.memory_space<hbm>>) target(%dma_start3A_400 : memref<128xi32, #tpu.memory_space<vmem>>) offsets(%dma_start3A_401 : memref<128xi32, #tpu.memory_space<vmem>>) semaphore(%arg20 : memref<!tpu.dma_semaphore, #tpu.memory_space<semaphore_mem>>)
    }
    %scan3A_331 = arith.constant 32 : i32
    %dma_wait3A_332 = arith.constant 0 : i32
    %dma_wait3A_333 = tpu.memref_slice %arg5[%dma_wait3A_332] : memref<12800000xi32, #tpu.memory_space<hbm>> -> memref<12800000xi32, #tpu.memory_space<hbm>>
    tpu.wait_indirect_dma semaphore(%arg20 : memref<!tpu.dma_semaphore, #tpu.memory_space<semaphore_mem>>) src(%dma_wait3A_333 : memref<12800000xi32, #tpu.memory_space<hbm>>) dst(%arg16 : memref<4096xi32, #tpu.memory_space<vmem>>)
    %dma_wait3A_334 = arith.constant 0 : i32
    %dma_wait3A_335 = arith.constant 0 : i32
    %dma_wait3A_336 = tpu.memref_slice %arg17[%dma_wait3A_334, %dma_wait3A_335] : memref<200x128xf32, #tpu.memory_space<vmem>> -> memref<16x128xf32, #tpu.memory_space<vmem>>
    %dma_wait3A_337 = arith.constant 0 : i32
    %dma_wait3A_338 = arith.constant 0 : i32
    %dma_wait3A_339 = tpu.memref_slice %arg6[%dma_wait3A_337, %dma_wait3A_338] : memref<100000x128xf32, #tpu.memory_space<hbm>> -> memref<100000x128xf32, #tpu.memory_space<hbm>>
    tpu.wait_indirect_dma semaphore(%arg21 : memref<!tpu.dma_semaphore, #tpu.memory_space<semaphore_mem>>) src(%dma_wait3A_339 : memref<100000x128xf32, #tpu.memory_space<hbm>>) dst(%dma_wait3A_336 : memref<16x128xf32, #tpu.memory_space<vmem>>)
    "tpu.region"() ({
      %run_scoped3A = tpu.sem_alloc : memref<!tpu.dma_semaphore, #tpu.memory_space<semaphore_mem>>
      %dma_start3A_395 = arith.constant 0 : i32
      %dma_start3A_396 = arith.constant 0 : i32
      %dma_start3A_397 = tpu.memref_slice %arg17[%dma_start3A_395, %dma_start3A_396] : memref<200x128xf32, #tpu.memory_space<vmem>> -> memref<16x128xf32, #tpu.memory_space<vmem>>
      %dma_start3A_398 = arith.constant 0 : i32
      %dma_start3A_399 = tpu.memref_slice %arg7[%mul3A_2, %dma_start3A_398] : memref<512x128xf32, #tpu.memory_space<hbm>> -> memref<16x128xf32, #tpu.memory_space<hbm>>
      %dma_start3A_400 = arith.constant 0 : i32
      %dma_start3A_401 = tpu.memref_slice %arg7[%mul3A_2, %dma_start3A_400] : memref<512x128xf32, #tpu.memory_space<hbm>> -> memref<16x128xf32, #tpu.memory_space<hbm>>
      %dma_start3A_402 = arith.constant 0 : i32
      %dma_start3A_403 = arith.constant 0 : i32
      %dma_start3A_404 = tpu.memref_slice %arg17[%dma_start3A_402, %dma_start3A_403] : memref<200x128xf32, #tpu.memory_space<vmem>> -> memref<16x128xf32, #tpu.memory_space<vmem>>
      tpu.enqueue_dma source(%dma_start3A_404 : memref<16x128xf32, #tpu.memory_space<vmem>>) target(%dma_start3A_401 : memref<16x128xf32, #tpu.memory_space<hbm>>) target_semaphore(%run_scoped3A : memref<!tpu.dma_semaphore, #tpu.memory_space<semaphore_mem>>)
      %dma_wait3A_405 = arith.constant 0 : i32
      %dma_wait3A_406 = arith.constant 0 : i32
      %dma_wait3A_407 = tpu.memref_slice %arg17[%dma_wait3A_405, %dma_wait3A_406] : memref<200x128xf32, #tpu.memory_space<vmem>> -> memref<16x128xf32, #tpu.memory_space<vmem>>
      %dma_wait3A_408 = arith.constant 0 : i32
      %dma_wait3A_409 = tpu.memref_slice %arg7[%mul3A_2, %dma_wait3A_408] : memref<512x128xf32, #tpu.memory_space<hbm>> -> memref<16x128xf32, #tpu.memory_space<hbm>>
      %dma_wait3A_410 = arith.constant 0 : i32
      %dma_wait3A_411 = tpu.memref_slice %arg7[%mul3A_2, %dma_wait3A_410] : memref<512x128xf32, #tpu.memory_space<hbm>> -> memref<16x128xf32, #tpu.memory_space<hbm>>
      %dma_wait3A_412 = arith.constant 0 : i32
      %dma_wait3A_413 = arith.constant 0 : i32
      %dma_wait3A_414 = tpu.memref_slice %arg17[%dma_wait3A_412, %dma_wait3A_413] : memref<200x128xf32, #tpu.memory_space<vmem>> -> memref<16x128xf32, #tpu.memory_space<vmem>>
      tpu.wait_dma2 semaphore(%run_scoped3A : memref<!tpu.dma_semaphore, #tpu.memory_space<semaphore_mem>>) src(%dma_wait3A_414 : memref<16x128xf32, #tpu.memory_space<vmem>>) dst(%dma_wait3A_411 : memref<16x128xf32, #tpu.memory_space<hbm>>)
      tpu.yield
    }) : () -> ()
    %dma_wait3A_340 = arith.constant 0 : i32
    %dma_wait3A_341 = arith.constant 0 : i32
    %dma_wait3A_342 = tpu.memref_slice %arg19[%dma_wait3A_340, %dma_wait3A_341] : memref<160x128xf32, #tpu.memory_space<vmem>> -> memref<80x128xf32, #tpu.memory_space<vmem>>
    %dma_wait3A_343 = arith.constant 0 : i32
    %dma_wait3A_344 = tpu.memref_slice %arg14[%dma_wait3A_343] : memref<160xi32, #tpu.memory_space<vmem>> -> memref<80xi32, #tpu.memory_space<vmem>>
    %dma_wait3A_345 = arith.constant 0 : i32
    %dma_wait3A_346 = arith.constant 0 : i32
    %dma_wait3A_347 = tpu.memref_slice %arg6[%dma_wait3A_345, %dma_wait3A_346] : memref<100000x128xf32, #tpu.memory_space<hbm>> -> memref<100000x128xf32, #tpu.memory_space<hbm>>
    tpu.wait_indirect_dma semaphore(%arg22 : memref<!tpu.dma_semaphore, #tpu.memory_space<semaphore_mem>>) src(%dma_wait3A_347 : memref<100000x128xf32, #tpu.memory_space<hbm>>) dst(%dma_wait3A_342 : memref<80x128xf32, #tpu.memory_space<vmem>>)
    %dma_wait3A_348 = arith.constant 80 : i32
    %dma_wait3A_349 = arith.constant 0 : i32
    %dma_wait3A_350 = tpu.memref_slice %arg19[%dma_wait3A_348, %dma_wait3A_349] : memref<160x128xf32, #tpu.memory_space<vmem>> -> memref<80x128xf32, #tpu.memory_space<vmem>>
    %dma_wait3A_351 = arith.constant 80 : i32
    %dma_wait3A_352 = tpu.memref_slice %arg14[%dma_wait3A_351] : memref<160xi32, #tpu.memory_space<vmem>> -> memref<80xi32, #tpu.memory_space<vmem>>
    %dma_wait3A_353 = arith.constant 0 : i32
    %dma_wait3A_354 = arith.constant 0 : i32
    %dma_wait3A_355 = tpu.memref_slice %arg6[%dma_wait3A_353, %dma_wait3A_354] : memref<100000x128xf32, #tpu.memory_space<hbm>> -> memref<100000x128xf32, #tpu.memory_space<hbm>>
    tpu.wait_indirect_dma semaphore(%arg22 : memref<!tpu.dma_semaphore, #tpu.memory_space<semaphore_mem>>) src(%dma_wait3A_355 : memref<100000x128xf32, #tpu.memory_space<hbm>>) dst(%dma_wait3A_350 : memref<80x128xf32, #tpu.memory_space<vmem>>)
    "tpu.region"() ({
      %run_scoped3A = tpu.sem_alloc : memref<!tpu.dma_semaphore, #tpu.memory_space<semaphore_mem>>
      %dma_start3A_395 = arith.constant 0 : i32
      %dma_start3A_396 = tpu.memref_slice %arg8[%mul3A_4, %dma_start3A_395] : memref<5120x128xf32, #tpu.memory_space<hbm>> -> memref<160x128xf32, #tpu.memory_space<hbm>>
      %dma_start3A_397 = arith.constant 0 : i32
      %dma_start3A_398 = tpu.memref_slice %arg8[%mul3A_4, %dma_start3A_397] : memref<5120x128xf32, #tpu.memory_space<hbm>> -> memref<160x128xf32, #tpu.memory_space<hbm>>
      tpu.enqueue_dma source(%arg19 : memref<160x128xf32, #tpu.memory_space<vmem>>) target(%dma_start3A_398 : memref<160x128xf32, #tpu.memory_space<hbm>>) target_semaphore(%run_scoped3A : memref<!tpu.dma_semaphore, #tpu.memory_space<semaphore_mem>>)
      %dma_wait3A_399 = arith.constant 0 : i32
      %dma_wait3A_400 = tpu.memref_slice %arg8[%mul3A_4, %dma_wait3A_399] : memref<5120x128xf32, #tpu.memory_space<hbm>> -> memref<160x128xf32, #tpu.memory_space<hbm>>
      %dma_wait3A_401 = arith.constant 0 : i32
      %dma_wait3A_402 = tpu.memref_slice %arg8[%mul3A_4, %dma_wait3A_401] : memref<5120x128xf32, #tpu.memory_space<hbm>> -> memref<160x128xf32, #tpu.memory_space<hbm>>
      tpu.wait_dma2 semaphore(%run_scoped3A : memref<!tpu.dma_semaphore, #tpu.memory_space<semaphore_mem>>) src(%arg19 : memref<160x128xf32, #tpu.memory_space<vmem>>) dst(%dma_wait3A_402 : memref<160x128xf32, #tpu.memory_space<hbm>>)
      tpu.yield
    }) : () -> ()
    %dma_start3A_356 = arith.constant 0 : i32
    %dma_start3A_357 = arith.constant 0 : i32
    %dma_start3A_358 = tpu.memref_slice %arg17[%dma_start3A_356, %dma_start3A_357] : memref<200x128xf32, #tpu.memory_space<vmem>> -> memref<48x128xf32, #tpu.memory_space<vmem>>
    %dma_start3A_359 = arith.constant 0 : i32
    %dma_start3A_360 = tpu.memref_slice %arg16[%dma_start3A_359] : memref<4096xi32, #tpu.memory_space<vmem>> -> memref<48xi32, #tpu.memory_space<vmem>>
    %dma_start3A_361 = arith.constant 0 : i32
    %dma_start3A_362 = arith.constant 0 : i32
    %dma_start3A_363 = tpu.memref_slice %arg6[%dma_start3A_361, %dma_start3A_362] : memref<100000x128xf32, #tpu.memory_space<hbm>> -> memref<100000x128xf32, #tpu.memory_space<hbm>>
    tpu.enqueue_indirect_dma source(%dma_start3A_363 : memref<100000x128xf32, #tpu.memory_space<hbm>>) target(%dma_start3A_358 : memref<48x128xf32, #tpu.memory_space<vmem>>) offsets(%dma_start3A_360 : memref<48xi32, #tpu.memory_space<vmem>>) semaphore(%arg23 : memref<!tpu.dma_semaphore, #tpu.memory_space<semaphore_mem>>)
    %dma_start3A_364 = arith.constant 48 : i32
    %dma_start3A_365 = arith.constant 0 : i32
    %dma_start3A_366 = tpu.memref_slice %arg17[%dma_start3A_364, %dma_start3A_365] : memref<200x128xf32, #tpu.memory_space<vmem>> -> memref<48x128xf32, #tpu.memory_space<vmem>>
    %dma_start3A_367 = arith.constant 48 : i32
    %dma_start3A_368 = tpu.memref_slice %arg16[%dma_start3A_367] : memref<4096xi32, #tpu.memory_space<vmem>> -> memref<48xi32, #tpu.memory_space<vmem>>
    %dma_start3A_369 = arith.constant 0 : i32
    %dma_start3A_370 = arith.constant 0 : i32
    %dma_start3A_371 = tpu.memref_slice %arg6[%dma_start3A_369, %dma_start3A_370] : memref<100000x128xf32, #tpu.memory_space<hbm>> -> memref<100000x128xf32, #tpu.memory_space<hbm>>
    tpu.enqueue_indirect_dma source(%dma_start3A_371 : memref<100000x128xf32, #tpu.memory_space<hbm>>) target(%dma_start3A_366 : memref<48x128xf32, #tpu.memory_space<vmem>>) offsets(%dma_start3A_368 : memref<48xi32, #tpu.memory_space<vmem>>) semaphore(%arg23 : memref<!tpu.dma_semaphore, #tpu.memory_space<semaphore_mem>>)
    %dma_start3A_372 = arith.constant 96 : i32
    %dma_start3A_373 = arith.constant 0 : i32
    %dma_start3A_374 = tpu.memref_slice %arg17[%dma_start3A_372, %dma_start3A_373] : memref<200x128xf32, #tpu.memory_space<vmem>> -> memref<48x128xf32, #tpu.memory_space<vmem>>
    %dma_start3A_375 = arith.constant 96 : i32
    %dma_start3A_376 = tpu.memref_slice %arg16[%dma_start3A_375] : memref<4096xi32, #tpu.memory_space<vmem>> -> memref<48xi32, #tpu.memory_space<vmem>>
    %dma_start3A_377 = arith.constant 0 : i32
    %dma_start3A_378 = arith.constant 0 : i32
    %dma_start3A_379 = tpu.memref_slice %arg6[%dma_start3A_377, %dma_start3A_378] : memref<100000x128xf32, #tpu.memory_space<hbm>> -> memref<100000x128xf32, #tpu.memory_space<hbm>>
    tpu.enqueue_indirect_dma source(%dma_start3A_379 : memref<100000x128xf32, #tpu.memory_space<hbm>>) target(%dma_start3A_374 : memref<48x128xf32, #tpu.memory_space<vmem>>) offsets(%dma_start3A_376 : memref<48xi32, #tpu.memory_space<vmem>>) semaphore(%arg23 : memref<!tpu.dma_semaphore, #tpu.memory_space<semaphore_mem>>)
    %dma_start3A_380 = arith.constant 144 : i32
    %dma_start3A_381 = arith.constant 0 : i32
    %dma_start3A_382 = tpu.memref_slice %arg17[%dma_start3A_380, %dma_start3A_381] : memref<200x128xf32, #tpu.memory_space<vmem>> -> memref<56x128xf32, #tpu.memory_space<vmem>>
    %dma_start3A_383 = arith.constant 144 : i32
    %dma_start3A_384 = tpu.memref_slice %arg16[%dma_start3A_383] : memref<4096xi32, #tpu.memory_space<vmem>> -> memref<56xi32, #tpu.memory_space<vmem>>
    %dma_start3A_385 = arith.constant 0 : i32
    %dma_start3A_386 = arith.constant 0 : i32
    %dma_start3A_387 = tpu.memref_slice %arg6[%dma_start3A_385, %dma_start3A_386] : memref<100000x128xf32, #tpu.memory_space<hbm>> -> memref<100000x128xf32, #tpu.memory_space<hbm>>
    tpu.enqueue_indirect_dma source(%dma_start3A_387 : memref<100000x128xf32, #tpu.memory_space<hbm>>) target(%dma_start3A_382 : memref<56x128xf32, #tpu.memory_space<vmem>>) offsets(%dma_start3A_384 : memref<56xi32, #tpu.memory_space<vmem>>) semaphore(%arg23 : memref<!tpu.dma_semaphore, #tpu.memory_space<semaphore_mem>>)
    %scan3A_388 = arith.constant 0 : i32
    %scan3A_389 = arith.constant 4.000000e-02 : f32
    %scan3A_390 = arith.constant 0 : i32
    %scan3A_391 = arith.constant 10 : i32
    %scan3A_392 = arith.addi %scan3A_390, %scan3A_391 : i32
    %scan3A_393 = arith.constant 1 : i32
    scf.for %scan3A_395 = %scan3A_390 to %scan3A_392 step %scan3A_393  : i32 {
      %mul3A_396 = arith.constant 2 : i32
      %mul3A_397 = arith.muli %scan3A_395, %mul3A_396 : i32
      %add3A_398 = arith.constant 1 : i32
      %add3A_399 = arith.addi %mul3A_397, %add3A_398 : i32
      %mul3A_400 = arith.constant 200 : i32
      %mul3A_401 = arith.muli %add3A_399, %mul3A_400 : i32
      %add3A_402 = arith.constant 0 : i32
      %add3A_403 = arith.addi %mul3A_401, %add3A_402 : i32
      %dma_start3A_404 = arith.constant 0 : i32
      %dma_start3A_405 = arith.constant 0 : i32
      %dma_start3A_406 = tpu.memref_slice %arg18[%dma_start3A_404, %dma_start3A_405] : memref<200x128xf32, #tpu.memory_space<vmem>> -> memref<48x128xf32, #tpu.memory_space<vmem>>
      %dma_start3A_407 = tpu.memref_slice %arg16[%add3A_403] : memref<4096xi32, #tpu.memory_space<vmem>> -> memref<48xi32, #tpu.memory_space<vmem>>
      %dma_start3A_408 = arith.constant 0 : i32
      %dma_start3A_409 = arith.constant 0 : i32
      %dma_start3A_410 = tpu.memref_slice %arg6[%dma_start3A_408, %dma_start3A_409] : memref<100000x128xf32, #tpu.memory_space<hbm>> -> memref<100000x128xf32, #tpu.memory_space<hbm>>
      tpu.enqueue_indirect_dma source(%dma_start3A_410 : memref<100000x128xf32, #tpu.memory_space<hbm>>) target(%dma_start3A_406 : memref<48x128xf32, #tpu.memory_space<vmem>>) offsets(%dma_start3A_407 : memref<48xi32, #tpu.memory_space<vmem>>) semaphore(%arg24 : memref<!tpu.dma_semaphore, #tpu.memory_space<semaphore_mem>>)
      %add3A_411 = arith.constant 48 : i32
      %add3A_412 = arith.addi %mul3A_401, %add3A_411 : i32
      %dma_start3A_413 = arith.constant 48 : i32
      %dma_start3A_414 = arith.constant 0 : i32
      %dma_start3A_415 = tpu.memref_slice %arg18[%dma_start3A_413, %dma_start3A_414] : memref<200x128xf32, #tpu.memory_space<vmem>> -> memref<48x128xf32, #tpu.memory_space<vmem>>
      %dma_start3A_416 = tpu.memref_slice %arg16[%add3A_412] : memref<4096xi32, #tpu.memory_space<vmem>> -> memref<48xi32, #tpu.memory_space<vmem>>
      %dma_start3A_417 = arith.constant 0 : i32
      %dma_start3A_418 = arith.constant 0 : i32
      %dma_start3A_419 = tpu.memref_slice %arg6[%dma_start3A_417, %dma_start3A_418] : memref<100000x128xf32, #tpu.memory_space<hbm>> -> memref<100000x128xf32, #tpu.memory_space<hbm>>
      tpu.enqueue_indirect_dma source(%dma_start3A_419 : memref<100000x128xf32, #tpu.memory_space<hbm>>) target(%dma_start3A_415 : memref<48x128xf32, #tpu.memory_space<vmem>>) offsets(%dma_start3A_416 : memref<48xi32, #tpu.memory_space<vmem>>) semaphore(%arg24 : memref<!tpu.dma_semaphore, #tpu.memory_space<semaphore_mem>>)
      %add3A_420 = arith.constant 96 : i32
      %add3A_421 = arith.addi %mul3A_401, %add3A_420 : i32
      %dma_start3A_422 = arith.constant 96 : i32
      %dma_start3A_423 = arith.constant 0 : i32
      %dma_start3A_424 = tpu.memref_slice %arg18[%dma_start3A_422, %dma_start3A_423] : memref<200x128xf32, #tpu.memory_space<vmem>> -> memref<48x128xf32, #tpu.memory_space<vmem>>
      %dma_start3A_425 = tpu.memref_slice %arg16[%add3A_421] : memref<4096xi32, #tpu.memory_space<vmem>> -> memref<48xi32, #tpu.memory_space<vmem>>
      %dma_start3A_426 = arith.constant 0 : i32
      %dma_start3A_427 = arith.constant 0 : i32
      %dma_start3A_428 = tpu.memref_slice %arg6[%dma_start3A_426, %dma_start3A_427] : memref<100000x128xf32, #tpu.memory_space<hbm>> -> memref<100000x128xf32, #tpu.memory_space<hbm>>
      tpu.enqueue_indirect_dma source(%dma_start3A_428 : memref<100000x128xf32, #tpu.memory_space<hbm>>) target(%dma_start3A_424 : memref<48x128xf32, #tpu.memory_space<vmem>>) offsets(%dma_start3A_425 : memref<48xi32, #tpu.memory_space<vmem>>) semaphore(%arg24 : memref<!tpu.dma_semaphore, #tpu.memory_space<semaphore_mem>>)
      %add3A_429 = arith.constant 144 : i32
      %add3A_430 = arith.addi %mul3A_401, %add3A_429 : i32
      %dma_start3A_431 = arith.constant 144 : i32
      %dma_start3A_432 = arith.constant 0 : i32
      %dma_start3A_433 = tpu.memref_slice %arg18[%dma_start3A_431, %dma_start3A_432] : memref<200x128xf32, #tpu.memory_space<vmem>> -> memref<56x128xf32, #tpu.memory_space<vmem>>
      %dma_start3A_434 = tpu.memref_slice %arg16[%add3A_430] : memref<4096xi32, #tpu.memory_space<vmem>> -> memref<56xi32, #tpu.memory_space<vmem>>
      %dma_start3A_435 = arith.constant 0 : i32
      %dma_start3A_436 = arith.constant 0 : i32
      %dma_start3A_437 = tpu.memref_slice %arg6[%dma_start3A_435, %dma_start3A_436] : memref<100000x128xf32, #tpu.memory_space<hbm>> -> memref<100000x128xf32, #tpu.memory_space<hbm>>
      tpu.enqueue_indirect_dma source(%dma_start3A_437 : memref<100000x128xf32, #tpu.memory_space<hbm>>) target(%dma_start3A_433 : memref<56x128xf32, #tpu.memory_space<vmem>>) offsets(%dma_start3A_434 : memref<56xi32, #tpu.memory_space<vmem>>) semaphore(%arg24 : memref<!tpu.dma_semaphore, #tpu.memory_space<semaphore_mem>>)
      %mul3A_438 = arith.constant 200 : i32
      %mul3A_439 = arith.muli %mul3A_397, %mul3A_438 : i32
      %dma_wait3A_440 = tpu.memref_slice %arg16[%mul3A_439] : memref<4096xi32, #tpu.memory_space<vmem>> -> memref<200xi32, #tpu.memory_space<vmem>>
      %dma_wait3A_441 = arith.constant 0 : i32
      %dma_wait3A_442 = arith.constant 0 : i32
      %dma_wait3A_443 = tpu.memref_slice %arg6[%dma_wait3A_441, %dma_wait3A_442] : memref<100000x128xf32, #tpu.memory_space<hbm>> -> memref<100000x128xf32, #tpu.memory_space<hbm>>
      tpu.wait_indirect_dma semaphore(%arg23 : memref<!tpu.dma_semaphore, #tpu.memory_space<semaphore_mem>>) src(%dma_wait3A_443 : memref<100000x128xf32, #tpu.memory_space<hbm>>) dst(%arg17 : memref<200x128xf32, #tpu.memory_space<vmem>>)
      %scan3A_444 = arith.constant 0 : i32
      %scan3A_445 = arith.constant 0 : i32
      %scan3A_446 = arith.constant 8 : i32
      %scan3A_447 = arith.addi %scan3A_445, %scan3A_446 : i32
      %scan3A_448 = arith.constant 1 : i32
      scf.for %scan3A_468 = %scan3A_445 to %scan3A_447 step %scan3A_448  : i32 {
        %mul3A_469 = arith.constant 25 : i32
        %mul3A_470 = arith.muli %scan3A_468, %mul3A_469 : i32
        %broadcast_in_dim3A_471 = arith.constant 0.000000e+00 : f32
        %broadcast_in_dim3A_472 = vector.broadcast %broadcast_in_dim3A_471 : f32 to vector<16xf32>
        %broadcast_in_dim3A_473 = arith.constant 0.000000e+00 : f32
        %broadcast_in_dim3A_474 = vector.broadcast %broadcast_in_dim3A_473 : f32 to vector<16xf32>
        %broadcast_in_dim3A_475 = arith.constant 0.000000e+00 : f32
        %broadcast_in_dim3A_476 = vector.broadcast %broadcast_in_dim3A_475 : f32 to vector<16xf32>
        %broadcast_in_dim3A_477 = arith.constant 0.000000e+00 : f32
        %broadcast_in_dim3A_478 = vector.broadcast %broadcast_in_dim3A_477 : f32 to vector<16xf32>
        %broadcast_in_dim3A_479 = arith.constant 0.000000e+00 : f32
        %broadcast_in_dim3A_480 = vector.broadcast %broadcast_in_dim3A_479 : f32 to vector<16xf32>
        %broadcast_in_dim3A_481 = arith.constant 0.000000e+00 : f32
        %broadcast_in_dim3A_482 = vector.broadcast %broadcast_in_dim3A_481 : f32 to vector<16xf32>
        %broadcast_in_dim3A_483 = arith.constant 0.000000e+00 : f32
        %broadcast_in_dim3A_484 = vector.broadcast %broadcast_in_dim3A_483 : f32 to vector<16xf32>
        %broadcast_in_dim3A_485 = arith.constant 0.000000e+00 : f32
        %broadcast_in_dim3A_486 = vector.broadcast %broadcast_in_dim3A_485 : f32 to vector<16xf32>
        %scan3A_487 = arith.constant 0 : i32
        %scan3A_488 = arith.constant 5 : i32
        %scan3A_489 = arith.addi %scan3A_487, %scan3A_488 : i32
        %scan3A_490 = arith.constant 1 : i32
        %scan3A_491:8 = scf.for %scan3A_573 = %scan3A_487 to %scan3A_489 step %scan3A_490 iter_args(%scan3A_574 = %broadcast_in_dim3A_472, %scan3A_575 = %broadcast_in_dim3A_474, %scan3A_576 = %broadcast_in_dim3A_476, %scan3A_577 = %broadcast_in_dim3A_478, %scan3A_578 = %broadcast_in_dim3A_480, %scan3A_579 = %broadcast_in_dim3A_482, %scan3A_580 = %broadcast_in_dim3A_484, %scan3A_581 = %broadcast_in_dim3A_486) -> (vector<16xf32>, vector<16xf32>, vector<16xf32>, vector<16xf32>, vector<16xf32>, vector<16xf32>, vector<16xf32>, vector<16xf32>)  : i32 {
          %mul3A_582 = arith.constant 5 : i32
          %mul3A_583 = arith.muli %scan3A_573, %mul3A_582 : i32
          %add3A_584 = arith.addi %mul3A_470, %mul3A_583 : i32
          %add3A_585 = arith.constant 0 : i32
          %add3A_586 = arith.addi %add3A_584, %add3A_585 : i32
          %get3A_587 = arith.index_cast %add3A_586 : i32 to index
          %get3A_588 = arith.constant 0 : index
          %get3A_589 = tpu.vector_load %arg17[%get3A_587, %get3A_588] {strides = array<i32>} : memref<200x128xf32, #tpu.memory_space<vmem>>, vector<1x16xf32>,
          %get3A_590 = vector.shape_cast %get3A_589 : vector<1x16xf32> to vector<16xf32>
          %add3A_591 = arith.addf %scan3A_574, %get3A_590 : vector<16xf32>
          %mul3A_592 = arith.constant 5 : i32
          %mul3A_593 = arith.muli %scan3A_573, %mul3A_592 : i32
          %add3A_594 = arith.addi %mul3A_470, %mul3A_593 : i32
          %add3A_595 = arith.constant 0 : i32
          %add3A_596 = arith.addi %add3A_594, %add3A_595 : i32
          %get3A_597 = arith.index_cast %add3A_596 : i32 to index
          %get3A_598 = arith.constant 16 : index
          %get3A_599 = tpu.vector_load %arg17[%get3A_597, %get3A_598] {strides = array<i32>} : memref<200x128xf32, #tpu.memory_space<vmem>>, vector<1x16xf32>,
          %get3A_600 = vector.shape_cast %get3A_599 : vector<1x16xf32> to vector<16xf32>
          %add3A_601 = arith.addf %scan3A_575, %get3A_600 : vector<16xf32>
          %mul3A_602 = arith.constant 5 : i32
          %mul3A_603 = arith.muli %scan3A_573, %mul3A_602 : i32
          %add3A_604 = arith.addi %mul3A_470, %mul3A_603 : i32
          %add3A_605 = arith.constant 0 : i32
          %add3A_606 = arith.addi %add3A_604, %add3A_605 : i32
          %get3A_607 = arith.index_cast %add3A_606 : i32 to index
          %get3A_608 = arith.constant 32 : index
          %get3A_609 = tpu.vector_load %arg17[%get3A_607, %get3A_608] {strides = array<i32>} : memref<200x128xf32, #tpu.memory_space<vmem>>, vector<1x16xf32>,
          %get3A_610 = vector.shape_cast %get3A_609 : vector<1x16xf32> to vector<16xf32>
          %add3A_611 = arith.addf %scan3A_576, %get3A_610 : vector<16xf32>
          %mul3A_612 = arith.constant 5 : i32
          %mul3A_613 = arith.muli %scan3A_573, %mul3A_612 : i32
          %add3A_614 = arith.addi %mul3A_470, %mul3A_613 : i32
          %add3A_615 = arith.constant 0 : i32
          %add3A_616 = arith.addi %add3A_614, %add3A_615 : i32
          %get3A_617 = arith.index_cast %add3A_616 : i32 to index
          %get3A_618 = arith.constant 48 : index
          %get3A_619 = tpu.vector_load %arg17[%get3A_617, %get3A_618] {strides = array<i32>} : memref<200x128xf32, #tpu.memory_space<vmem>>, vector<1x16xf32>,
          %get3A_620 = vector.shape_cast %get3A_619 : vector<1x16xf32> to vector<16xf32>
          %add3A_621 = arith.addf %scan3A_577, %get3A_620 : vector<16xf32>
          %mul3A_622 = arith.constant 5 : i32
          %mul3A_623 = arith.muli %scan3A_573, %mul3A_622 : i32
          %add3A_624 = arith.addi %mul3A_470, %mul3A_623 : i32
          %add3A_625 = arith.constant 0 : i32
          %add3A_626 = arith.addi %add3A_624, %add3A_625 : i32
          %get3A_627 = arith.index_cast %add3A_626 : i32 to index
          %get3A_628 = arith.constant 64 : index
          %get3A_629 = tpu.vector_load %arg17[%get3A_627, %get3A_628] {strides = array<i32>} : memref<200x128xf32, #tpu.memory_space<vmem>>, vector<1x16xf32>,
          %get3A_630 = vector.shape_cast %get3A_629 : vector<1x16xf32> to vector<16xf32>
          %add3A_631 = arith.addf %scan3A_578, %get3A_630 : vector<16xf32>
          %mul3A_632 = arith.constant 5 : i32
          %mul3A_633 = arith.muli %scan3A_573, %mul3A_632 : i32
          %add3A_634 = arith.addi %mul3A_470, %mul3A_633 : i32
          %add3A_635 = arith.constant 0 : i32
          %add3A_636 = arith.addi %add3A_634, %add3A_635 : i32
          %get3A_637 = arith.index_cast %add3A_636 : i32 to index
          %get3A_638 = arith.constant 80 : index
          %get3A_639 = tpu.vector_load %arg17[%get3A_637, %get3A_638] {strides = array<i32>} : memref<200x128xf32, #tpu.memory_space<vmem>>, vector<1x16xf32>,
          %get3A_640 = vector.shape_cast %get3A_639 : vector<1x16xf32> to vector<16xf32>
          %add3A_641 = arith.addf %scan3A_579, %get3A_640 : vector<16xf32>
          %mul3A_642 = arith.constant 5 : i32
          %mul3A_643 = arith.muli %scan3A_573, %mul3A_642 : i32
          %add3A_644 = arith.addi %mul3A_470, %mul3A_643 : i32
          %add3A_645 = arith.constant 0 : i32
          %add3A_646 = arith.addi %add3A_644, %add3A_645 : i32
          %get3A_647 = arith.index_cast %add3A_646 : i32 to index
          %get3A_648 = arith.constant 96 : index
          %get3A_649 = tpu.vector_load %arg17[%get3A_647, %get3A_648] {strides = array<i32>} : memref<200x128xf32, #tpu.memory_space<vmem>>, vector<1x16xf32>,
          %get3A_650 = vector.shape_cast %get3A_649 : vector<1x16xf32> to vector<16xf32>
          %add3A_651 = arith.addf %scan3A_580, %get3A_650 : vector<16xf32>
          %mul3A_652 = arith.constant 5 : i32
          %mul3A_653 = arith.muli %scan3A_573, %mul3A_652 : i32
          %add3A_654 = arith.addi %mul3A_470, %mul3A_653 : i32
          %add3A_655 = arith.constant 0 : i32
          %add3A_656 = arith.addi %add3A_654, %add3A_655 : i32
          %get3A_657 = arith.index_cast %add3A_656 : i32 to index
          %get3A_658 = arith.constant 112 : index
          %get3A_659 = tpu.vector_load %arg17[%get3A_657, %get3A_658] {strides = array<i32>} : memref<200x128xf32, #tpu.memory_space<vmem>>, vector<1x16xf32>,
          %get3A_660 = vector.shape_cast %get3A_659 : vector<1x16xf32> to vector<16xf32>
          %add3A_661 = arith.addf %scan3A_581, %get3A_660 : vector<16xf32>
          %mul3A_662 = arith.constant 5 : i32
          %mul3A_663 = arith.muli %scan3A_573, %mul3A_662 : i32
          %add3A_664 = arith.addi %mul3A_470, %mul3A_663 : i32
          %add3A_665 = arith.constant 1 : i32
          %add3A_666 = arith.addi %add3A_664, %add3A_665 : i32
          %get3A_667 = arith.index_cast %add3A_666 : i32 to index
          %get3A_668 = arith.constant 0 : index
          %get3A_669 = tpu.vector_load %arg17[%get3A_667, %get3A_668] {strides = array<i32>} : memref<200x128xf32, #tpu.memory_space<vmem>>, vector<1x16xf32>,
          %get3A_670 = vector.shape_cast %get3A_669 : vector<1x16xf32> to vector<16xf32>
          %add3A_671 = arith.addf %add3A_591, %get3A_670 : vector<16xf32>
          %mul3A_672 = arith.constant 5 : i32
          %mul3A_673 = arith.muli %scan3A_573, %mul3A_672 : i32
          %add3A_674 = arith.addi %mul3A_470, %mul3A_673 : i32
          %add3A_675 = arith.constant 1 : i32
          %add3A_676 = arith.addi %add3A_674, %add3A_675 : i32
          %get3A_677 = arith.index_cast %add3A_676 : i32 to index
          %get3A_678 = arith.constant 16 : index
          %get3A_679 = tpu.vector_load %arg17[%get3A_677, %get3A_678] {strides = array<i32>} : memref<200x128xf32, #tpu.memory_space<vmem>>, vector<1x16xf32>,
          %get3A_680 = vector.shape_cast %get3A_679 : vector<1x16xf32> to vector<16xf32>
          %add3A_681 = arith.addf %add3A_601, %get3A_680 : vector<16xf32>
          %mul3A_682 = arith.constant 5 : i32
          %mul3A_683 = arith.muli %scan3A_573, %mul3A_682 : i32
          %add3A_684 = arith.addi %mul3A_470, %mul3A_683 : i32
          %add3A_685 = arith.constant 1 : i32
          %add3A_686 = arith.addi %add3A_684, %add3A_685 : i32
          %get3A_687 = arith.index_cast %add3A_686 : i32 to index
          %get3A_688 = arith.constant 32 : index
          %get3A_689 = tpu.vector_load %arg17[%get3A_687, %get3A_688] {strides = array<i32>} : memref<200x128xf32, #tpu.memory_space<vmem>>, vector<1x16xf32>,
          %get3A_690 = vector.shape_cast %get3A_689 : vector<1x16xf32> to vector<16xf32>
          %add3A_691 = arith.addf %add3A_611, %get3A_690 : vector<16xf32>
          %mul3A_692 = arith.constant 5 : i32
          %mul3A_693 = arith.muli %scan3A_573, %mul3A_692 : i32
          %add3A_694 = arith.addi %mul3A_470, %mul3A_693 : i32
          %add3A_695 = arith.constant 1 : i32
          %add3A_696 = arith.addi %add3A_694, %add3A_695 : i32
          %get3A_697 = arith.index_cast %add3A_696 : i32 to index
          %get3A_698 = arith.constant 48 : index
          %get3A_699 = tpu.vector_load %arg17[%get3A_697, %get3A_698] {strides = array<i32>} : memref<200x128xf32, #tpu.memory_space<vmem>>, vector<1x16xf32>,
          %get3A_700 = vector.shape_cast %get3A_699 : vector<1x16xf32> to vector<16xf32>
          %add3A_701 = arith.addf %add3A_621, %get3A_700 : vector<16xf32>
          %mul3A_702 = arith.constant 5 : i32
          %mul3A_703 = arith.muli %scan3A_573, %mul3A_702 : i32
          %add3A_704 = arith.addi %mul3A_470, %mul3A_703 : i32
          %add3A_705 = arith.constant 1 : i32
          %add3A_706 = arith.addi %add3A_704, %add3A_705 : i32
          %get3A_707 = arith.index_cast %add3A_706 : i32 to index
          %get3A_708 = arith.constant 64 : index
          %get3A_709 = tpu.vector_load %arg17[%get3A_707, %get3A_708] {strides = array<i32>} : memref<200x128xf32, #tpu.memory_space<vmem>>, vector<1x16xf32>,
          %get3A_710 = vector.shape_cast %get3A_709 : vector<1x16xf32> to vector<16xf32>
          %add3A_711 = arith.addf %add3A_631, %get3A_710 : vector<16xf32>
          %mul3A_712 = arith.constant 5 : i32
          %mul3A_713 = arith.muli %scan3A_573, %mul3A_712 : i32
          %add3A_714 = arith.addi %mul3A_470, %mul3A_713 : i32
          %add3A_715 = arith.constant 1 : i32
          %add3A_716 = arith.addi %add3A_714, %add3A_715 : i32
          %get3A_717 = arith.index_cast %add3A_716 : i32 to index
          %get3A_718 = arith.constant 80 : index
          %get3A_719 = tpu.vector_load %arg17[%get3A_717, %get3A_718] {strides = array<i32>} : memref<200x128xf32, #tpu.memory_space<vmem>>, vector<1x16xf32>,
          %get3A_720 = vector.shape_cast %get3A_719 : vector<1x16xf32> to vector<16xf32>
          %add3A_721 = arith.addf %add3A_641, %get3A_720 : vector<16xf32>
          %mul3A_722 = arith.constant 5 : i32
          %mul3A_723 = arith.muli %scan3A_573, %mul3A_722 : i32
          %add3A_724 = arith.addi %mul3A_470, %mul3A_723 : i32
          %add3A_725 = arith.constant 1 : i32
          %add3A_726 = arith.addi %add3A_724, %add3A_725 : i32
          %get3A_727 = arith.index_cast %add3A_726 : i32 to index
          %get3A_728 = arith.constant 96 : index
          %get3A_729 = tpu.vector_load %arg17[%get3A_727, %get3A_728] {strides = array<i32>} : memref<200x128xf32, #tpu.memory_space<vmem>>, vector<1x16xf32>,
          %get3A_730 = vector.shape_cast %get3A_729 : vector<1x16xf32> to vector<16xf32>
          %add3A_731 = arith.addf %add3A_651, %get3A_730 : vector<16xf32>
          %mul3A_732 = arith.constant 5 : i32
          %mul3A_733 = arith.muli %scan3A_573, %mul3A_732 : i32
          %add3A_734 = arith.addi %mul3A_470, %mul3A_733 : i32
          %add3A_735 = arith.constant 1 : i32
          %add3A_736 = arith.addi %add3A_734, %add3A_735 : i32
          %get3A_737 = arith.index_cast %add3A_736 : i32 to index
          %get3A_738 = arith.constant 112 : index
          %get3A_739 = tpu.vector_load %arg17[%get3A_737, %get3A_738] {strides = array<i32>} : memref<200x128xf32, #tpu.memory_space<vmem>>, vector<1x16xf32>,
          %get3A_740 = vector.shape_cast %get3A_739 : vector<1x16xf32> to vector<16xf32>
          %add3A_741 = arith.addf %add3A_661, %get3A_740 : vector<16xf32>
          %mul3A_742 = arith.constant 5 : i32
          %mul3A_743 = arith.muli %scan3A_573, %mul3A_742 : i32
          %add3A_744 = arith.addi %mul3A_470, %mul3A_743 : i32
          %add3A_745 = arith.constant 2 : i32
          %add3A_746 = arith.addi %add3A_744, %add3A_745 : i32
          %get3A_747 = arith.index_cast %add3A_746 : i32 to index
          %get3A_748 = arith.constant 0 : index
          %get3A_749 = tpu.vector_load %arg17[%get3A_747, %get3A_748] {strides = array<i32>} : memref<200x128xf32, #tpu.memory_space<vmem>>, vector<1x16xf32>,
          %get3A_750 = vector.shape_cast %get3A_749 : vector<1x16xf32> to vector<16xf32>
          %add3A_751 = arith.addf %add3A_671, %get3A_750 : vector<16xf32>
          %mul3A_752 = arith.constant 5 : i32
          %mul3A_753 = arith.muli %scan3A_573, %mul3A_752 : i32
          %add3A_754 = arith.addi %mul3A_470, %mul3A_753 : i32
          %add3A_755 = arith.constant 2 : i32
          %add3A_756 = arith.addi %add3A_754, %add3A_755 : i32
          %get3A_757 = arith.index_cast %add3A_756 : i32 to index
          %get3A_758 = arith.constant 16 : index
          %get3A_759 = tpu.vector_load %arg17[%get3A_757, %get3A_758] {strides = array<i32>} : memref<200x128xf32, #tpu.memory_space<vmem>>, vector<1x16xf32>,
          %get3A_760 = vector.shape_cast %get3A_759 : vector<1x16xf32> to vector<16xf32>
          %add3A_761 = arith.addf %add3A_681, %get3A_760 : vector<16xf32>
          %mul3A_762 = arith.constant 5 : i32
          %mul3A_763 = arith.muli %scan3A_573, %mul3A_762 : i32
          %add3A_764 = arith.addi %mul3A_470, %mul3A_763 : i32
          %add3A_765 = arith.constant 2 : i32
          %add3A_766 = arith.addi %add3A_764, %add3A_765 : i32
          %get3A_767 = arith.index_cast %add3A_766 : i32 to index
          %get3A_768 = arith.constant 32 : index
          %get3A_769 = tpu.vector_load %arg17[%get3A_767, %get3A_768] {strides = array<i32>} : memref<200x128xf32, #tpu.memory_space<vmem>>, vector<1x16xf32>,
          %get3A_770 = vector.shape_cast %get3A_769 : vector<1x16xf32> to vector<16xf32>
          %add3A_771 = arith.addf %add3A_691, %get3A_770 : vector<16xf32>
          %mul3A_772 = arith.constant 5 : i32
          %mul3A_773 = arith.muli %scan3A_573, %mul3A_772 : i32
          %add3A_774 = arith.addi %mul3A_470, %mul3A_773 : i32
          %add3A_775 = arith.constant 2 : i32
          %add3A_776 = arith.addi %add3A_774, %add3A_775 : i32
          %get3A_777 = arith.index_cast %add3A_776 : i32 to index
          %get3A_778 = arith.constant 48 : index
          %get3A_779 = tpu.vector_load %arg17[%get3A_777, %get3A_778] {strides = array<i32>} : memref<200x128xf32, #tpu.memory_space<vmem>>, vector<1x16xf32>,
          %get3A_780 = vector.shape_cast %get3A_779 : vector<1x16xf32> to vector<16xf32>
          %add3A_781 = arith.addf %add3A_701, %get3A_780 : vector<16xf32>
          %mul3A_782 = arith.constant 5 : i32
          %mul3A_783 = arith.muli %scan3A_573, %mul3A_782 : i32
          %add3A_784 = arith.addi %mul3A_470, %mul3A_783 : i32
          %add3A_785 = arith.constant 2 : i32
          %add3A_786 = arith.addi %add3A_784, %add3A_785 : i32
          %get3A_787 = arith.index_cast %add3A_786 : i32 to index
          %get3A_788 = arith.constant 64 : index
          %get3A_789 = tpu.vector_load %arg17[%get3A_787, %get3A_788] {strides = array<i32>} : memref<200x128xf32, #tpu.memory_space<vmem>>, vector<1x16xf32>,
          %get3A_790 = vector.shape_cast %get3A_789 : vector<1x16xf32> to vector<16xf32>
          %add3A_791 = arith.addf %add3A_711, %get3A_790 : vector<16xf32>
          %mul3A_792 = arith.constant 5 : i32
          %mul3A_793 = arith.muli %scan3A_573, %mul3A_792 : i32
          %add3A_794 = arith.addi %mul3A_470, %mul3A_793 : i32
          %add3A_795 = arith.constant 2 : i32
          %add3A_796 = arith.addi %add3A_794, %add3A_795 : i32
          %get3A_797 = arith.index_cast %add3A_796 : i32 to index
          %get3A_798 = arith.constant 80 : index
          %get3A_799 = tpu.vector_load %arg17[%get3A_797, %get3A_798] {strides = array<i32>} : memref<200x128xf32, #tpu.memory_space<vmem>>, vector<1x16xf32>,
          %get3A_800 = vector.shape_cast %get3A_799 : vector<1x16xf32> to vector<16xf32>
          %add3A_801 = arith.addf %add3A_721, %get3A_800 : vector<16xf32>
          %mul3A_802 = arith.constant 5 : i32
          %mul3A_803 = arith.muli %scan3A_573, %mul3A_802 : i32
          %add3A_804 = arith.addi %mul3A_470, %mul3A_803 : i32
          %add3A_805 = arith.constant 2 : i32
          %add3A_806 = arith.addi %add3A_804, %add3A_805 : i32
          %get3A_807 = arith.index_cast %add3A_806 : i32 to index
          %get3A_808 = arith.constant 96 : index
          %get3A_809 = tpu.vector_load %arg17[%get3A_807, %get3A_808] {strides = array<i32>} : memref<200x128xf32, #tpu.memory_space<vmem>>, vector<1x16xf32>,
          %get3A_810 = vector.shape_cast %get3A_809 : vector<1x16xf32> to vector<16xf32>
          %add3A_811 = arith.addf %add3A_731, %get3A_810 : vector<16xf32>
          %mul3A_812 = arith.constant 5 : i32
          %mul3A_813 = arith.muli %scan3A_573, %mul3A_812 : i32
          %add3A_814 = arith.addi %mul3A_470, %mul3A_813 : i32
          %add3A_815 = arith.constant 2 : i32
          %add3A_816 = arith.addi %add3A_814, %add3A_815 : i32
          %get3A_817 = arith.index_cast %add3A_816 : i32 to index
          %get3A_818 = arith.constant 112 : index
          %get3A_819 = tpu.vector_load %arg17[%get3A_817, %get3A_818] {strides = array<i32>} : memref<200x128xf32, #tpu.memory_space<vmem>>, vector<1x16xf32>,
          %get3A_820 = vector.shape_cast %get3A_819 : vector<1x16xf32> to vector<16xf32>
          %add3A_821 = arith.addf %add3A_741, %get3A_820 : vector<16xf32>
          %mul3A_822 = arith.constant 5 : i32
          %mul3A_823 = arith.muli %scan3A_573, %mul3A_822 : i32
          %add3A_824 = arith.addi %mul3A_470, %mul3A_823 : i32
          %add3A_825 = arith.constant 3 : i32
          %add3A_826 = arith.addi %add3A_824, %add3A_825 : i32
          %get3A_827 = arith.index_cast %add3A_826 : i32 to index
          %get3A_828 = arith.constant 0 : index
          %get3A_829 = tpu.vector_load %arg17[%get3A_827, %get3A_828] {strides = array<i32>} : memref<200x128xf32, #tpu.memory_space<vmem>>, vector<1x16xf32>,
          %get3A_830 = vector.shape_cast %get3A_829 : vector<1x16xf32> to vector<16xf32>
          %add3A_831 = arith.addf %add3A_751, %get3A_830 : vector<16xf32>
          %mul3A_832 = arith.constant 5 : i32
          %mul3A_833 = arith.muli %scan3A_573, %mul3A_832 : i32
          %add3A_834 = arith.addi %mul3A_470, %mul3A_833 : i32
          %add3A_835 = arith.constant 3 : i32
          %add3A_836 = arith.addi %add3A_834, %add3A_835 : i32
          %get3A_837 = arith.index_cast %add3A_836 : i32 to index
          %get3A_838 = arith.constant 16 : index
          %get3A_839 = tpu.vector_load %arg17[%get3A_837, %get3A_838] {strides = array<i32>} : memref<200x128xf32, #tpu.memory_space<vmem>>, vector<1x16xf32>,
          %get3A_840 = vector.shape_cast %get3A_839 : vector<1x16xf32> to vector<16xf32>
          %add3A_841 = arith.addf %add3A_761, %get3A_840 : vector<16xf32>
          %mul3A_842 = arith.constant 5 : i32
          %mul3A_843 = arith.muli %scan3A_573, %mul3A_842 : i32
          %add3A_844 = arith.addi %mul3A_470, %mul3A_843 : i32
          %add3A_845 = arith.constant 3 : i32
          %add3A_846 = arith.addi %add3A_844, %add3A_845 : i32
          %get3A_847 = arith.index_cast %add3A_846 : i32 to index
          %get3A_848 = arith.constant 32 : index
          %get3A_849 = tpu.vector_load %arg17[%get3A_847, %get3A_848] {strides = array<i32>} : memref<200x128xf32, #tpu.memory_space<vmem>>, vector<1x16xf32>,
          %get3A_850 = vector.shape_cast %get3A_849 : vector<1x16xf32> to vector<16xf32>
          %add3A_851 = arith.addf %add3A_771, %get3A_850 : vector<16xf32>
          %mul3A_852 = arith.constant 5 : i32
          %mul3A_853 = arith.muli %scan3A_573, %mul3A_852 : i32
          %add3A_854 = arith.addi %mul3A_470, %mul3A_853 : i32
          %add3A_855 = arith.constant 3 : i32
          %add3A_856 = arith.addi %add3A_854, %add3A_855 : i32
          %get3A_857 = arith.index_cast %add3A_856 : i32 to index
          %get3A_858 = arith.constant 48 : index
          %get3A_859 = tpu.vector_load %arg17[%get3A_857, %get3A_858] {strides = array<i32>} : memref<200x128xf32, #tpu.memory_space<vmem>>, vector<1x16xf32>,
          %get3A_860 = vector.shape_cast %get3A_859 : vector<1x16xf32> to vector<16xf32>
          %add3A_861 = arith.addf %add3A_781, %get3A_860 : vector<16xf32>
          %mul3A_862 = arith.constant 5 : i32
          %mul3A_863 = arith.muli %scan3A_573, %mul3A_862 : i32
          %add3A_864 = arith.addi %mul3A_470, %mul3A_863 : i32
          %add3A_865 = arith.constant 3 : i32
          %add3A_866 = arith.addi %add3A_864, %add3A_865 : i32
          %get3A_867 = arith.index_cast %add3A_866 : i32 to index
          %get3A_868 = arith.constant 64 : index
          %get3A_869 = tpu.vector_load %arg17[%get3A_867, %get3A_868] {strides = array<i32>} : memref<200x128xf32, #tpu.memory_space<vmem>>, vector<1x16xf32>,
          %get3A_870 = vector.shape_cast %get3A_869 : vector<1x16xf32> to vector<16xf32>
          %add3A_871 = arith.addf %add3A_791, %get3A_870 : vector<16xf32>
          %mul3A_872 = arith.constant 5 : i32
          %mul3A_873 = arith.muli %scan3A_573, %mul3A_872 : i32
          %add3A_874 = arith.addi %mul3A_470, %mul3A_873 : i32
          %add3A_875 = arith.constant 3 : i32
          %add3A_876 = arith.addi %add3A_874, %add3A_875 : i32
          %get3A_877 = arith.index_cast %add3A_876 : i32 to index
          %get3A_878 = arith.constant 80 : index
          %get3A_879 = tpu.vector_load %arg17[%get3A_877, %get3A_878] {strides = array<i32>} : memref<200x128xf32, #tpu.memory_space<vmem>>, vector<1x16xf32>,
          %get3A_880 = vector.shape_cast %get3A_879 : vector<1x16xf32> to vector<16xf32>
          %add3A_881 = arith.addf %add3A_801, %get3A_880 : vector<16xf32>
          %mul3A_882 = arith.constant 5 : i32
          %mul3A_883 = arith.muli %scan3A_573, %mul3A_882 : i32
          %add3A_884 = arith.addi %mul3A_470, %mul3A_883 : i32
          %add3A_885 = arith.constant 3 : i32
          %add3A_886 = arith.addi %add3A_884, %add3A_885 : i32
          %get3A_887 = arith.index_cast %add3A_886 : i32 to index
          %get3A_888 = arith.constant 96 : index
          %get3A_889 = tpu.vector_load %arg17[%get3A_887, %get3A_888] {strides = array<i32>} : memref<200x128xf32, #tpu.memory_space<vmem>>, vector<1x16xf32>,
          %get3A_890 = vector.shape_cast %get3A_889 : vector<1x16xf32> to vector<16xf32>
          %add3A_891 = arith.addf %add3A_811, %get3A_890 : vector<16xf32>
          %mul3A_892 = arith.constant 5 : i32
          %mul3A_893 = arith.muli %scan3A_573, %mul3A_892 : i32
          %add3A_894 = arith.addi %mul3A_470, %mul3A_893 : i32
          %add3A_895 = arith.constant 3 : i32
          %add3A_896 = arith.addi %add3A_894, %add3A_895 : i32
          %get3A_897 = arith.index_cast %add3A_896 : i32 to index
          %get3A_898 = arith.constant 112 : index
          %get3A_899 = tpu.vector_load %arg17[%get3A_897, %get3A_898] {strides = array<i32>} : memref<200x128xf32, #tpu.memory_space<vmem>>, vector<1x16xf32>,
          %get3A_900 = vector.shape_cast %get3A_899 : vector<1x16xf32> to vector<16xf32>
          %add3A_901 = arith.addf %add3A_821, %get3A_900 : vector<16xf32>
          %mul3A_902 = arith.constant 5 : i32
          %mul3A_903 = arith.muli %scan3A_573, %mul3A_902 : i32
          %add3A_904 = arith.addi %mul3A_470, %mul3A_903 : i32
          %add3A_905 = arith.constant 4 : i32
          %add3A_906 = arith.addi %add3A_904, %add3A_905 : i32
          %get3A_907 = arith.index_cast %add3A_906 : i32 to index
          %get3A_908 = arith.constant 0 : index
          %get3A_909 = tpu.vector_load %arg17[%get3A_907, %get3A_908] {strides = array<i32>} : memref<200x128xf32, #tpu.memory_space<vmem>>, vector<1x16xf32>,
          %get3A_910 = vector.shape_cast %get3A_909 : vector<1x16xf32> to vector<16xf32>
          %add3A_911 = arith.addf %add3A_831, %get3A_910 : vector<16xf32>
          %mul3A_912 = arith.constant 5 : i32
          %mul3A_913 = arith.muli %scan3A_573, %mul3A_912 : i32
          %add3A_914 = arith.addi %mul3A_470, %mul3A_913 : i32
          %add3A_915 = arith.constant 4 : i32
          %add3A_916 = arith.addi %add3A_914, %add3A_915 : i32
          %get3A_917 = arith.index_cast %add3A_916 : i32 to index
          %get3A_918 = arith.constant 16 : index
          %get3A_919 = tpu.vector_load %arg17[%get3A_917, %get3A_918] {strides = array<i32>} : memref<200x128xf32, #tpu.memory_space<vmem>>, vector<1x16xf32>,
          %get3A_920 = vector.shape_cast %get3A_919 : vector<1x16xf32> to vector<16xf32>
          %add3A_921 = arith.addf %add3A_841, %get3A_920 : vector<16xf32>
          %mul3A_922 = arith.constant 5 : i32
          %mul3A_923 = arith.muli %scan3A_573, %mul3A_922 : i32
          %add3A_924 = arith.addi %mul3A_470, %mul3A_923 : i32
          %add3A_925 = arith.constant 4 : i32
          %add3A_926 = arith.addi %add3A_924, %add3A_925 : i32
          %get3A_927 = arith.index_cast %add3A_926 : i32 to index
          %get3A_928 = arith.constant 32 : index
          %get3A_929 = tpu.vector_load %arg17[%get3A_927, %get3A_928] {strides = array<i32>} : memref<200x128xf32, #tpu.memory_space<vmem>>, vector<1x16xf32>,
          %get3A_930 = vector.shape_cast %get3A_929 : vector<1x16xf32> to vector<16xf32>
          %add3A_931 = arith.addf %add3A_851, %get3A_930 : vector<16xf32>
          %mul3A_932 = arith.constant 5 : i32
          %mul3A_933 = arith.muli %scan3A_573, %mul3A_932 : i32
          %add3A_934 = arith.addi %mul3A_470, %mul3A_933 : i32
          %add3A_935 = arith.constant 4 : i32
          %add3A_936 = arith.addi %add3A_934, %add3A_935 : i32
          %get3A_937 = arith.index_cast %add3A_936 : i32 to index
          %get3A_938 = arith.constant 48 : index
          %get3A_939 = tpu.vector_load %arg17[%get3A_937, %get3A_938] {strides = array<i32>} : memref<200x128xf32, #tpu.memory_space<vmem>>, vector<1x16xf32>,
          %get3A_940 = vector.shape_cast %get3A_939 : vector<1x16xf32> to vector<16xf32>
          %add3A_941 = arith.addf %add3A_861, %get3A_940 : vector<16xf32>
          %mul3A_942 = arith.constant 5 : i32
          %mul3A_943 = arith.muli %scan3A_573, %mul3A_942 : i32
          %add3A_944 = arith.addi %mul3A_470, %mul3A_943 : i32
          %add3A_945 = arith.constant 4 : i32
          %add3A_946 = arith.addi %add3A_944, %add3A_945 : i32
          %get3A_947 = arith.index_cast %add3A_946 : i32 to index
          %get3A_948 = arith.constant 64 : index
          %get3A_949 = tpu.vector_load %arg17[%get3A_947, %get3A_948] {strides = array<i32>} : memref<200x128xf32, #tpu.memory_space<vmem>>, vector<1x16xf32>,
          %get3A_950 = vector.shape_cast %get3A_949 : vector<1x16xf32> to vector<16xf32>
          %add3A_951 = arith.addf %add3A_871, %get3A_950 : vector<16xf32>
          %mul3A_952 = arith.constant 5 : i32
          %mul3A_953 = arith.muli %scan3A_573, %mul3A_952 : i32
          %add3A_954 = arith.addi %mul3A_470, %mul3A_953 : i32
          %add3A_955 = arith.constant 4 : i32
          %add3A_956 = arith.addi %add3A_954, %add3A_955 : i32
          %get3A_957 = arith.index_cast %add3A_956 : i32 to index
          %get3A_958 = arith.constant 80 : index
          %get3A_959 = tpu.vector_load %arg17[%get3A_957, %get3A_958] {strides = array<i32>} : memref<200x128xf32, #tpu.memory_space<vmem>>, vector<1x16xf32>,
          %get3A_960 = vector.shape_cast %get3A_959 : vector<1x16xf32> to vector<16xf32>
          %add3A_961 = arith.addf %add3A_881, %get3A_960 : vector<16xf32>
          %mul3A_962 = arith.constant 5 : i32
          %mul3A_963 = arith.muli %scan3A_573, %mul3A_962 : i32
          %add3A_964 = arith.addi %mul3A_470, %mul3A_963 : i32
          %add3A_965 = arith.constant 4 : i32
          %add3A_966 = arith.addi %add3A_964, %add3A_965 : i32
          %get3A_967 = arith.index_cast %add3A_966 : i32 to index
          %get3A_968 = arith.constant 96 : index
          %get3A_969 = tpu.vector_load %arg17[%get3A_967, %get3A_968] {strides = array<i32>} : memref<200x128xf32, #tpu.memory_space<vmem>>, vector<1x16xf32>,
          %get3A_970 = vector.shape_cast %get3A_969 : vector<1x16xf32> to vector<16xf32>
          %add3A_971 = arith.addf %add3A_891, %get3A_970 : vector<16xf32>
          %mul3A_972 = arith.constant 5 : i32
          %mul3A_973 = arith.muli %scan3A_573, %mul3A_972 : i32
          %add3A_974 = arith.addi %mul3A_470, %mul3A_973 : i32
          %add3A_975 = arith.constant 4 : i32
          %add3A_976 = arith.addi %add3A_974, %add3A_975 : i32
          %get3A_977 = arith.index_cast %add3A_976 : i32 to index
          %get3A_978 = arith.constant 112 : index
          %get3A_979 = tpu.vector_load %arg17[%get3A_977, %get3A_978] {strides = array<i32>} : memref<200x128xf32, #tpu.memory_space<vmem>>, vector<1x16xf32>,
          %get3A_980 = vector.shape_cast %get3A_979 : vector<1x16xf32> to vector<16xf32>
          %add3A_981 = arith.addf %add3A_901, %get3A_980 : vector<16xf32>
          scf.yield %add3A_911, %add3A_921, %add3A_931, %add3A_941, %add3A_951, %add3A_961, %add3A_971, %add3A_981 : vector<16xf32>, vector<16xf32>, vector<16xf32>, vector<16xf32>, vector<16xf32>, vector<16xf32>, vector<16xf32>, vector<16xf32>
        }
        %scan3A_492 = arith.constant 5 : i32
        %mul3A_493 = vector.broadcast %scan3A_389 : f32 to vector<16xf32>
        %mul3A_494 = arith.mulf %scan3A_491#0, %mul3A_493 : vector<16xf32>
        %mul3A_495 = arith.constant 8 : i32
        %mul3A_496 = arith.muli %mul3A_397, %mul3A_495 : i32
        %add3A_497 = arith.addi %mul3A_496, %scan3A_468 : i32
        %swap3A_498 = arith.index_cast %add3A_497 : i32 to index
        %swap3A_499 = arith.constant 0 : index
        %swap3A_500 = tpu.vector_load %arg19[%swap3A_498, %swap3A_499] {strides = array<i32>} : memref<160x128xf32, #tpu.memory_space<vmem>>, vector<1x16xf32>,
        %swap3A_501 = vector.shape_cast %swap3A_500 : vector<1x16xf32> to vector<16xf32>
        %swap3A_502 = vector.shape_cast %mul3A_494 : vector<16xf32> to vector<1x16xf32>
        tpu.vector_store %arg19[%swap3A_498, %swap3A_499], %swap3A_502 {strides = array<i32>} : memref<160x128xf32, #tpu.memory_space<vmem>>, vector<1x16xf32>,
        %mul3A_503 = vector.broadcast %scan3A_389 : f32 to vector<16xf32>
        %mul3A_504 = arith.mulf %scan3A_491#1, %mul3A_503 : vector<16xf32>
        %mul3A_505 = arith.constant 8 : i32
        %mul3A_506 = arith.muli %mul3A_397, %mul3A_505 : i32
        %add3A_507 = arith.addi %mul3A_506, %scan3A_468 : i32
        %swap3A_508 = arith.index_cast %add3A_507 : i32 to index
        %swap3A_509 = arith.constant 16 : index
        %swap3A_510 = tpu.vector_load %arg19[%swap3A_508, %swap3A_509] {strides = array<i32>} : memref<160x128xf32, #tpu.memory_space<vmem>>, vector<1x16xf32>,
        %swap3A_511 = vector.shape_cast %swap3A_510 : vector<1x16xf32> to vector<16xf32>
        %swap3A_512 = vector.shape_cast %mul3A_504 : vector<16xf32> to vector<1x16xf32>
        tpu.vector_store %arg19[%swap3A_508, %swap3A_509], %swap3A_512 {strides = array<i32>} : memref<160x128xf32, #tpu.memory_space<vmem>>, vector<1x16xf32>,
        %mul3A_513 = vector.broadcast %scan3A_389 : f32 to vector<16xf32>
        %mul3A_514 = arith.mulf %scan3A_491#2, %mul3A_513 : vector<16xf32>
        %mul3A_515 = arith.constant 8 : i32
        %mul3A_516 = arith.muli %mul3A_397, %mul3A_515 : i32
        %add3A_517 = arith.addi %mul3A_516, %scan3A_468 : i32
        %swap3A_518 = arith.index_cast %add3A_517 : i32 to index
        %swap3A_519 = arith.constant 32 : index
        %swap3A_520 = tpu.vector_load %arg19[%swap3A_518, %swap3A_519] {strides = array<i32>} : memref<160x128xf32, #tpu.memory_space<vmem>>, vector<1x16xf32>,
        %swap3A_521 = vector.shape_cast %swap3A_520 : vector<1x16xf32> to vector<16xf32>
        %swap3A_522 = vector.shape_cast %mul3A_514 : vector<16xf32> to vector<1x16xf32>
        tpu.vector_store %arg19[%swap3A_518, %swap3A_519], %swap3A_522 {strides = array<i32>} : memref<160x128xf32, #tpu.memory_space<vmem>>, vector<1x16xf32>,
        %mul3A_523 = vector.broadcast %scan3A_389 : f32 to vector<16xf32>
        %mul3A_524 = arith.mulf %scan3A_491#3, %mul3A_523 : vector<16xf32>
        %mul3A_525 = arith.constant 8 : i32
        %mul3A_526 = arith.muli %mul3A_397, %mul3A_525 : i32
        %add3A_527 = arith.addi %mul3A_526, %scan3A_468 : i32
        %swap3A_528 = arith.index_cast %add3A_527 : i32 to index
        %swap3A_529 = arith.constant 48 : index
        %swap3A_530 = tpu.vector_load %arg19[%swap3A_528, %swap3A_529] {strides = array<i32>} : memref<160x128xf32, #tpu.memory_space<vmem>>, vector<1x16xf32>,
        %swap3A_531 = vector.shape_cast %swap3A_530 : vector<1x16xf32> to vector<16xf32>
        %swap3A_532 = vector.shape_cast %mul3A_524 : vector<16xf32> to vector<1x16xf32>
        tpu.vector_store %arg19[%swap3A_528, %swap3A_529], %swap3A_532 {strides = array<i32>} : memref<160x128xf32, #tpu.memory_space<vmem>>, vector<1x16xf32>,
        %mul3A_533 = vector.broadcast %scan3A_389 : f32 to vector<16xf32>
        %mul3A_534 = arith.mulf %scan3A_491#4, %mul3A_533 : vector<16xf32>
        %mul3A_535 = arith.constant 8 : i32
        %mul3A_536 = arith.muli %mul3A_397, %mul3A_535 : i32
        %add3A_537 = arith.addi %mul3A_536, %scan3A_468 : i32
        %swap3A_538 = arith.index_cast %add3A_537 : i32 to index
        %swap3A_539 = arith.constant 64 : index
        %swap3A_540 = tpu.vector_load %arg19[%swap3A_538, %swap3A_539] {strides = array<i32>} : memref<160x128xf32, #tpu.memory_space<vmem>>, vector<1x16xf32>,
        %swap3A_541 = vector.shape_cast %swap3A_540 : vector<1x16xf32> to vector<16xf32>
        %swap3A_542 = vector.shape_cast %mul3A_534 : vector<16xf32> to vector<1x16xf32>
        tpu.vector_store %arg19[%swap3A_538, %swap3A_539], %swap3A_542 {strides = array<i32>} : memref<160x128xf32, #tpu.memory_space<vmem>>, vector<1x16xf32>,
        %mul3A_543 = vector.broadcast %scan3A_389 : f32 to vector<16xf32>
        %mul3A_544 = arith.mulf %scan3A_491#5, %mul3A_543 : vector<16xf32>
        %mul3A_545 = arith.constant 8 : i32
        %mul3A_546 = arith.muli %mul3A_397, %mul3A_545 : i32
        %add3A_547 = arith.addi %mul3A_546, %scan3A_468 : i32
        %swap3A_548 = arith.index_cast %add3A_547 : i32 to index
        %swap3A_549 = arith.constant 80 : index
        %swap3A_550 = tpu.vector_load %arg19[%swap3A_548, %swap3A_549] {strides = array<i32>} : memref<160x128xf32, #tpu.memory_space<vmem>>, vector<1x16xf32>,
        %swap3A_551 = vector.shape_cast %swap3A_550 : vector<1x16xf32> to vector<16xf32>
        %swap3A_552 = vector.shape_cast %mul3A_544 : vector<16xf32> to vector<1x16xf32>
        tpu.vector_store %arg19[%swap3A_548, %swap3A_549], %swap3A_552 {strides = array<i32>} : memref<160x128xf32, #tpu.memory_space<vmem>>, vector<1x16xf32>,
        %mul3A_553 = vector.broadcast %scan3A_389 : f32 to vector<16xf32>
        %mul3A_554 = arith.mulf %scan3A_491#6, %mul3A_553 : vector<16xf32>
        %mul3A_555 = arith.constant 8 : i32
        %mul3A_556 = arith.muli %mul3A_397, %mul3A_555 : i32
        %add3A_557 = arith.addi %mul3A_556, %scan3A_468 : i32
        %swap3A_558 = arith.index_cast %add3A_557 : i32 to index
        %swap3A_559 = arith.constant 96 : index
        %swap3A_560 = tpu.vector_load %arg19[%swap3A_558, %swap3A_559] {strides = array<i32>} : memref<160x128xf32, #tpu.memory_space<vmem>>, vector<1x16xf32>,
        %swap3A_561 = vector.shape_cast %swap3A_560 : vector<1x16xf32> to vector<16xf32>
        %swap3A_562 = vector.shape_cast %mul3A_554 : vector<16xf32> to vector<1x16xf32>
        tpu.vector_store %arg19[%swap3A_558, %swap3A_559], %swap3A_562 {strides = array<i32>} : memref<160x128xf32, #tpu.memory_space<vmem>>, vector<1x16xf32>,
        %mul3A_563 = vector.broadcast %scan3A_389 : f32 to vector<16xf32>
        %mul3A_564 = arith.mulf %scan3A_491#7, %mul3A_563 : vector<16xf32>
        %mul3A_565 = arith.constant 8 : i32
        %mul3A_566 = arith.muli %mul3A_397, %mul3A_565 : i32
        %add3A_567 = arith.addi %mul3A_566, %scan3A_468 : i32
        %swap3A_568 = arith.index_cast %add3A_567 : i32 to index
        %swap3A_569 = arith.constant 112 : index
        %swap3A_570 = tpu.vector_load %arg19[%swap3A_568, %swap3A_569] {strides = array<i32>} : memref<160x128xf32, #tpu.memory_space<vmem>>, vector<1x16xf32>,
        %swap3A_571 = vector.shape_cast %swap3A_570 : vector<1x16xf32> to vector<16xf32>
        %swap3A_572 = vector.shape_cast %mul3A_564 : vector<16xf32> to vector<1x16xf32>
        tpu.vector_store %arg19[%swap3A_568, %swap3A_569], %swap3A_572 {strides = array<i32>} : memref<160x128xf32, #tpu.memory_space<vmem>>, vector<1x16xf32>,
      }
      %scan3A_449 = arith.constant 8 : i32
      %lt3A = arith.constant 9 : i32
      %lt3A_450 = arith.cmpi slt, %scan3A_395, %lt3A : i32
      %convert_element_type3A = arith.extui %lt3A_450 : i1 to i32
      %cond3A = arith.constant 0 : i32
      %cond3A_451 = arith.cmpi ne, %convert_element_type3A, %cond3A : i32
      scf.if %cond3A_451 {
        %add3A_468 = arith.constant 2 : i32
        %add3A_469 = arith.addi %mul3A_397, %add3A_468 : i32
        %mul3A_470 = arith.constant 200 : i32
        %mul3A_471 = arith.muli %add3A_469, %mul3A_470 : i32
        %add3A_472 = arith.constant 0 : i32
        %add3A_473 = arith.addi %mul3A_471, %add3A_472 : i32
        %dma_start3A_474 = arith.constant 0 : i32
        %dma_start3A_475 = arith.constant 0 : i32
        %dma_start3A_476 = tpu.memref_slice %arg17[%dma_start3A_474, %dma_start3A_475] : memref<200x128xf32, #tpu.memory_space<vmem>> -> memref<48x128xf32, #tpu.memory_space<vmem>>
        %dma_start3A_477 = tpu.memref_slice %arg16[%add3A_473] : memref<4096xi32, #tpu.memory_space<vmem>> -> memref<48xi32, #tpu.memory_space<vmem>>
        %dma_start3A_478 = arith.constant 0 : i32
        %dma_start3A_479 = arith.constant 0 : i32
        %dma_start3A_480 = tpu.memref_slice %arg6[%dma_start3A_478, %dma_start3A_479] : memref<100000x128xf32, #tpu.memory_space<hbm>> -> memref<100000x128xf32, #tpu.memory_space<hbm>>
        tpu.enqueue_indirect_dma source(%dma_start3A_480 : memref<100000x128xf32, #tpu.memory_space<hbm>>) target(%dma_start3A_476 : memref<48x128xf32, #tpu.memory_space<vmem>>) offsets(%dma_start3A_477 : memref<48xi32, #tpu.memory_space<vmem>>) semaphore(%arg23 : memref<!tpu.dma_semaphore, #tpu.memory_space<semaphore_mem>>)
        %add3A_481 = arith.constant 48 : i32
        %add3A_482 = arith.addi %mul3A_471, %add3A_481 : i32
        %dma_start3A_483 = arith.constant 48 : i32
        %dma_start3A_484 = arith.constant 0 : i32
        %dma_start3A_485 = tpu.memref_slice %arg17[%dma_start3A_483, %dma_start3A_484] : memref<200x128xf32, #tpu.memory_space<vmem>> -> memref<48x128xf32, #tpu.memory_space<vmem>>
        %dma_start3A_486 = tpu.memref_slice %arg16[%add3A_482] : memref<4096xi32, #tpu.memory_space<vmem>> -> memref<48xi32, #tpu.memory_space<vmem>>
        %dma_start3A_487 = arith.constant 0 : i32
        %dma_start3A_488 = arith.constant 0 : i32
        %dma_start3A_489 = tpu.memref_slice %arg6[%dma_start3A_487, %dma_start3A_488] : memref<100000x128xf32, #tpu.memory_space<hbm>> -> memref<100000x128xf32, #tpu.memory_space<hbm>>
        tpu.enqueue_indirect_dma source(%dma_start3A_489 : memref<100000x128xf32, #tpu.memory_space<hbm>>) target(%dma_start3A_485 : memref<48x128xf32, #tpu.memory_space<vmem>>) offsets(%dma_start3A_486 : memref<48xi32, #tpu.memory_space<vmem>>) semaphore(%arg23 : memref<!tpu.dma_semaphore, #tpu.memory_space<semaphore_mem>>)
        %add3A_490 = arith.constant 96 : i32
        %add3A_491 = arith.addi %mul3A_471, %add3A_490 : i32
        %dma_start3A_492 = arith.constant 96 : i32
        %dma_start3A_493 = arith.constant 0 : i32
        %dma_start3A_494 = tpu.memref_slice %arg17[%dma_start3A_492, %dma_start3A_493] : memref<200x128xf32, #tpu.memory_space<vmem>> -> memref<48x128xf32, #tpu.memory_space<vmem>>
        %dma_start3A_495 = tpu.memref_slice %arg16[%add3A_491] : memref<4096xi32, #tpu.memory_space<vmem>> -> memref<48xi32, #tpu.memory_space<vmem>>
        %dma_start3A_496 = arith.constant 0 : i32
        %dma_start3A_497 = arith.constant 0 : i32
        %dma_start3A_498 = tpu.memref_slice %arg6[%dma_start3A_496, %dma_start3A_497] : memref<100000x128xf32, #tpu.memory_space<hbm>> -> memref<100000x128xf32, #tpu.memory_space<hbm>>
        tpu.enqueue_indirect_dma source(%dma_start3A_498 : memref<100000x128xf32, #tpu.memory_space<hbm>>) target(%dma_start3A_494 : memref<48x128xf32, #tpu.memory_space<vmem>>) offsets(%dma_start3A_495 : memref<48xi32, #tpu.memory_space<vmem>>) semaphore(%arg23 : memref<!tpu.dma_semaphore, #tpu.memory_space<semaphore_mem>>)
        %add3A_499 = arith.constant 144 : i32
        %add3A_500 = arith.addi %mul3A_471, %add3A_499 : i32
        %dma_start3A_501 = arith.constant 144 : i32
        %dma_start3A_502 = arith.constant 0 : i32
        %dma_start3A_503 = tpu.memref_slice %arg17[%dma_start3A_501, %dma_start3A_502] : memref<200x128xf32, #tpu.memory_space<vmem>> -> memref<56x128xf32, #tpu.memory_space<vmem>>
        %dma_start3A_504 = tpu.memref_slice %arg16[%add3A_500] : memref<4096xi32, #tpu.memory_space<vmem>> -> memref<56xi32, #tpu.memory_space<vmem>>
        %dma_start3A_505 = arith.constant 0 : i32
        %dma_start3A_506 = arith.constant 0 : i32
        %dma_start3A_507 = tpu.memref_slice %arg6[%dma_start3A_505, %dma_start3A_506] : memref<100000x128xf32, #tpu.memory_space<hbm>> -> memref<100000x128xf32, #tpu.memory_space<hbm>>
        tpu.enqueue_indirect_dma source(%dma_start3A_507 : memref<100000x128xf32, #tpu.memory_space<hbm>>) target(%dma_start3A_503 : memref<56x128xf32, #tpu.memory_space<vmem>>) offsets(%dma_start3A_504 : memref<56xi32, #tpu.memory_space<vmem>>) semaphore(%arg23 : memref<!tpu.dma_semaphore, #tpu.memory_space<semaphore_mem>>)
      } else {
      }
      %add3A_452 = arith.constant 1 : i32
      %add3A_453 = arith.addi %mul3A_397, %add3A_452 : i32
      %mul3A_454 = arith.constant 200 : i32
      %mul3A_455 = arith.muli %add3A_453, %mul3A_454 : i32
      %dma_wait3A_456 = tpu.memref_slice %arg16[%mul3A_455] : memref<4096xi32, #tpu.memory_space<vmem>> -> memref<200xi32, #tpu.memory_space<vmem>>
      %dma_wait3A_457 = arith.constant 0 : i32
      %dma_wait3A_458 = arith.constant 0 : i32
      %dma_wait3A_459 = tpu.memref_slice %arg6[%dma_wait3A_457, %dma_wait3A_458] : memref<100000x128xf32, #tpu.memory_space<hbm>> -> memref<100000x128xf32, #tpu.memory_space<hbm>>
      tpu.wait_indirect_dma semaphore(%arg24 : memref<!tpu.dma_semaphore, #tpu.memory_space<semaphore_mem>>) src(%dma_wait3A_459 : memref<100000x128xf32, #tpu.memory_space<hbm>>) dst(%arg18 : memref<200x128xf32, #tpu.memory_space<vmem>>)
      %add3A_460 = arith.constant 1 : i32
      %add3A_461 = arith.addi %mul3A_397, %add3A_460 : i32
      %scan3A_462 = arith.constant 0 : i32
      %scan3A_463 = arith.constant 0 : i32
      %scan3A_464 = arith.constant 8 : i32
      %scan3A_465 = arith.addi %scan3A_463, %scan3A_464 : i32
      %scan3A_466 = arith.constant 1 : i32
      scf.for %scan3A_468 = %scan3A_463 to %scan3A_465 step %scan3A_466  : i32 {
        %mul3A_469 = arith.constant 25 : i32
        %mul3A_470 = arith.muli %scan3A_468, %mul3A_469 : i32
        %broadcast_in_dim3A_471 = arith.constant 0.000000e+00 : f32
        %broadcast_in_dim3A_472 = vector.broadcast %broadcast_in_dim3A_471 : f32 to vector<16xf32>
        %broadcast_in_dim3A_473 = arith.constant 0.000000e+00 : f32
        %broadcast_in_dim3A_474 = vector.broadcast %broadcast_in_dim3A_473 : f32 to vector<16xf32>
        %broadcast_in_dim3A_475 = arith.constant 0.000000e+00 : f32
        %broadcast_in_dim3A_476 = vector.broadcast %broadcast_in_dim3A_475 : f32 to vector<16xf32>
        %broadcast_in_dim3A_477 = arith.constant 0.000000e+00 : f32
        %broadcast_in_dim3A_478 = vector.broadcast %broadcast_in_dim3A_477 : f32 to vector<16xf32>
        %broadcast_in_dim3A_479 = arith.constant 0.000000e+00 : f32
        %broadcast_in_dim3A_480 = vector.broadcast %broadcast_in_dim3A_479 : f32 to vector<16xf32>
        %broadcast_in_dim3A_481 = arith.constant 0.000000e+00 : f32
        %broadcast_in_dim3A_482 = vector.broadcast %broadcast_in_dim3A_481 : f32 to vector<16xf32>
        %broadcast_in_dim3A_483 = arith.constant 0.000000e+00 : f32
        %broadcast_in_dim3A_484 = vector.broadcast %broadcast_in_dim3A_483 : f32 to vector<16xf32>
        %broadcast_in_dim3A_485 = arith.constant 0.000000e+00 : f32
        %broadcast_in_dim3A_486 = vector.broadcast %broadcast_in_dim3A_485 : f32 to vector<16xf32>
        %scan3A_487 = arith.constant 0 : i32
        %scan3A_488 = arith.constant 5 : i32
        %scan3A_489 = arith.addi %scan3A_487, %scan3A_488 : i32
        %scan3A_490 = arith.constant 1 : i32
        %scan3A_491:8 = scf.for %scan3A_573 = %scan3A_487 to %scan3A_489 step %scan3A_490 iter_args(%scan3A_574 = %broadcast_in_dim3A_472, %scan3A_575 = %broadcast_in_dim3A_474, %scan3A_576 = %broadcast_in_dim3A_476, %scan3A_577 = %broadcast_in_dim3A_478, %scan3A_578 = %broadcast_in_dim3A_480, %scan3A_579 = %broadcast_in_dim3A_482, %scan3A_580 = %broadcast_in_dim3A_484, %scan3A_581 = %broadcast_in_dim3A_486) -> (vector<16xf32>, vector<16xf32>, vector<16xf32>, vector<16xf32>, vector<16xf32>, vector<16xf32>, vector<16xf32>, vector<16xf32>)  : i32 {
          %mul3A_582 = arith.constant 5 : i32
          %mul3A_583 = arith.muli %scan3A_573, %mul3A_582 : i32
          %add3A_584 = arith.addi %mul3A_470, %mul3A_583 : i32
          %add3A_585 = arith.constant 0 : i32
          %add3A_586 = arith.addi %add3A_584, %add3A_585 : i32
          %get3A_587 = arith.index_cast %add3A_586 : i32 to index
          %get3A_588 = arith.constant 0 : index
          %get3A_589 = tpu.vector_load %arg18[%get3A_587, %get3A_588] {strides = array<i32>} : memref<200x128xf32, #tpu.memory_space<vmem>>, vector<1x16xf32>,
          %get3A_590 = vector.shape_cast %get3A_589 : vector<1x16xf32> to vector<16xf32>
          %add3A_591 = arith.addf %scan3A_574, %get3A_590 : vector<16xf32>
          %mul3A_592 = arith.constant 5 : i32
          %mul3A_593 = arith.muli %scan3A_573, %mul3A_592 : i32
          %add3A_594 = arith.addi %mul3A_470, %mul3A_593 : i32
          %add3A_595 = arith.constant 0 : i32
          %add3A_596 = arith.addi %add3A_594, %add3A_595 : i32
          %get3A_597 = arith.index_cast %add3A_596 : i32 to index
          %get3A_598 = arith.constant 16 : index
          %get3A_599 = tpu.vector_load %arg18[%get3A_597, %get3A_598] {strides = array<i32>} : memref<200x128xf32, #tpu.memory_space<vmem>>, vector<1x16xf32>,
          %get3A_600 = vector.shape_cast %get3A_599 : vector<1x16xf32> to vector<16xf32>
          %add3A_601 = arith.addf %scan3A_575, %get3A_600 : vector<16xf32>
          %mul3A_602 = arith.constant 5 : i32
          %mul3A_603 = arith.muli %scan3A_573, %mul3A_602 : i32
          %add3A_604 = arith.addi %mul3A_470, %mul3A_603 : i32
          %add3A_605 = arith.constant 0 : i32
          %add3A_606 = arith.addi %add3A_604, %add3A_605 : i32
          %get3A_607 = arith.index_cast %add3A_606 : i32 to index
          %get3A_608 = arith.constant 32 : index
          %get3A_609 = tpu.vector_load %arg18[%get3A_607, %get3A_608] {strides = array<i32>} : memref<200x128xf32, #tpu.memory_space<vmem>>, vector<1x16xf32>,
          %get3A_610 = vector.shape_cast %get3A_609 : vector<1x16xf32> to vector<16xf32>
          %add3A_611 = arith.addf %scan3A_576, %get3A_610 : vector<16xf32>
          %mul3A_612 = arith.constant 5 : i32
          %mul3A_613 = arith.muli %scan3A_573, %mul3A_612 : i32
          %add3A_614 = arith.addi %mul3A_470, %mul3A_613 : i32
          %add3A_615 = arith.constant 0 : i32
          %add3A_616 = arith.addi %add3A_614, %add3A_615 : i32
          %get3A_617 = arith.index_cast %add3A_616 : i32 to index
          %get3A_618 = arith.constant 48 : index
          %get3A_619 = tpu.vector_load %arg18[%get3A_617, %get3A_618] {strides = array<i32>} : memref<200x128xf32, #tpu.memory_space<vmem>>, vector<1x16xf32>,
          %get3A_620 = vector.shape_cast %get3A_619 : vector<1x16xf32> to vector<16xf32>
          %add3A_621 = arith.addf %scan3A_577, %get3A_620 : vector<16xf32>
          %mul3A_622 = arith.constant 5 : i32
          %mul3A_623 = arith.muli %scan3A_573, %mul3A_622 : i32
          %add3A_624 = arith.addi %mul3A_470, %mul3A_623 : i32
          %add3A_625 = arith.constant 0 : i32
          %add3A_626 = arith.addi %add3A_624, %add3A_625 : i32
          %get3A_627 = arith.index_cast %add3A_626 : i32 to index
          %get3A_628 = arith.constant 64 : index
          %get3A_629 = tpu.vector_load %arg18[%get3A_627, %get3A_628] {strides = array<i32>} : memref<200x128xf32, #tpu.memory_space<vmem>>, vector<1x16xf32>,
          %get3A_630 = vector.shape_cast %get3A_629 : vector<1x16xf32> to vector<16xf32>
          %add3A_631 = arith.addf %scan3A_578, %get3A_630 : vector<16xf32>
          %mul3A_632 = arith.constant 5 : i32
          %mul3A_633 = arith.muli %scan3A_573, %mul3A_632 : i32
          %add3A_634 = arith.addi %mul3A_470, %mul3A_633 : i32
          %add3A_635 = arith.constant 0 : i32
          %add3A_636 = arith.addi %add3A_634, %add3A_635 : i32
          %get3A_637 = arith.index_cast %add3A_636 : i32 to index
          %get3A_638 = arith.constant 80 : index
          %get3A_639 = tpu.vector_load %arg18[%get3A_637, %get3A_638] {strides = array<i32>} : memref<200x128xf32, #tpu.memory_space<vmem>>, vector<1x16xf32>,
          %get3A_640 = vector.shape_cast %get3A_639 : vector<1x16xf32> to vector<16xf32>
          %add3A_641 = arith.addf %scan3A_579, %get3A_640 : vector<16xf32>
          %mul3A_642 = arith.constant 5 : i32
          %mul3A_643 = arith.muli %scan3A_573, %mul3A_642 : i32
          %add3A_644 = arith.addi %mul3A_470, %mul3A_643 : i32
          %add3A_645 = arith.constant 0 : i32
          %add3A_646 = arith.addi %add3A_644, %add3A_645 : i32
          %get3A_647 = arith.index_cast %add3A_646 : i32 to index
          %get3A_648 = arith.constant 96 : index
          %get3A_649 = tpu.vector_load %arg18[%get3A_647, %get3A_648] {strides = array<i32>} : memref<200x128xf32, #tpu.memory_space<vmem>>, vector<1x16xf32>,
          %get3A_650 = vector.shape_cast %get3A_649 : vector<1x16xf32> to vector<16xf32>
          %add3A_651 = arith.addf %scan3A_580, %get3A_650 : vector<16xf32>
          %mul3A_652 = arith.constant 5 : i32
          %mul3A_653 = arith.muli %scan3A_573, %mul3A_652 : i32
          %add3A_654 = arith.addi %mul3A_470, %mul3A_653 : i32
          %add3A_655 = arith.constant 0 : i32
          %add3A_656 = arith.addi %add3A_654, %add3A_655 : i32
          %get3A_657 = arith.index_cast %add3A_656 : i32 to index
          %get3A_658 = arith.constant 112 : index
          %get3A_659 = tpu.vector_load %arg18[%get3A_657, %get3A_658] {strides = array<i32>} : memref<200x128xf32, #tpu.memory_space<vmem>>, vector<1x16xf32>,
          %get3A_660 = vector.shape_cast %get3A_659 : vector<1x16xf32> to vector<16xf32>
          %add3A_661 = arith.addf %scan3A_581, %get3A_660 : vector<16xf32>
          %mul3A_662 = arith.constant 5 : i32
          %mul3A_663 = arith.muli %scan3A_573, %mul3A_662 : i32
          %add3A_664 = arith.addi %mul3A_470, %mul3A_663 : i32
          %add3A_665 = arith.constant 1 : i32
          %add3A_666 = arith.addi %add3A_664, %add3A_665 : i32
          %get3A_667 = arith.index_cast %add3A_666 : i32 to index
          %get3A_668 = arith.constant 0 : index
          %get3A_669 = tpu.vector_load %arg18[%get3A_667, %get3A_668] {strides = array<i32>} : memref<200x128xf32, #tpu.memory_space<vmem>>, vector<1x16xf32>,
          %get3A_670 = vector.shape_cast %get3A_669 : vector<1x16xf32> to vector<16xf32>
          %add3A_671 = arith.addf %add3A_591, %get3A_670 : vector<16xf32>
          %mul3A_672 = arith.constant 5 : i32
          %mul3A_673 = arith.muli %scan3A_573, %mul3A_672 : i32
          %add3A_674 = arith.addi %mul3A_470, %mul3A_673 : i32
          %add3A_675 = arith.constant 1 : i32
          %add3A_676 = arith.addi %add3A_674, %add3A_675 : i32
          %get3A_677 = arith.index_cast %add3A_676 : i32 to index
          %get3A_678 = arith.constant 16 : index
          %get3A_679 = tpu.vector_load %arg18[%get3A_677, %get3A_678] {strides = array<i32>} : memref<200x128xf32, #tpu.memory_space<vmem>>, vector<1x16xf32>,
          %get3A_680 = vector.shape_cast %get3A_679 : vector<1x16xf32> to vector<16xf32>
          %add3A_681 = arith.addf %add3A_601, %get3A_680 : vector<16xf32>
          %mul3A_682 = arith.constant 5 : i32
          %mul3A_683 = arith.muli %scan3A_573, %mul3A_682 : i32
          %add3A_684 = arith.addi %mul3A_470, %mul3A_683 : i32
          %add3A_685 = arith.constant 1 : i32
          %add3A_686 = arith.addi %add3A_684, %add3A_685 : i32
          %get3A_687 = arith.index_cast %add3A_686 : i32 to index
          %get3A_688 = arith.constant 32 : index
          %get3A_689 = tpu.vector_load %arg18[%get3A_687, %get3A_688] {strides = array<i32>} : memref<200x128xf32, #tpu.memory_space<vmem>>, vector<1x16xf32>,
          %get3A_690 = vector.shape_cast %get3A_689 : vector<1x16xf32> to vector<16xf32>
          %add3A_691 = arith.addf %add3A_611, %get3A_690 : vector<16xf32>
          %mul3A_692 = arith.constant 5 : i32
          %mul3A_693 = arith.muli %scan3A_573, %mul3A_692 : i32
          %add3A_694 = arith.addi %mul3A_470, %mul3A_693 : i32
          %add3A_695 = arith.constant 1 : i32
          %add3A_696 = arith.addi %add3A_694, %add3A_695 : i32
          %get3A_697 = arith.index_cast %add3A_696 : i32 to index
          %get3A_698 = arith.constant 48 : index
          %get3A_699 = tpu.vector_load %arg18[%get3A_697, %get3A_698] {strides = array<i32>} : memref<200x128xf32, #tpu.memory_space<vmem>>, vector<1x16xf32>,
          %get3A_700 = vector.shape_cast %get3A_699 : vector<1x16xf32> to vector<16xf32>
          %add3A_701 = arith.addf %add3A_621, %get3A_700 : vector<16xf32>
          %mul3A_702 = arith.constant 5 : i32
          %mul3A_703 = arith.muli %scan3A_573, %mul3A_702 : i32
          %add3A_704 = arith.addi %mul3A_470, %mul3A_703 : i32
          %add3A_705 = arith.constant 1 : i32
          %add3A_706 = arith.addi %add3A_704, %add3A_705 : i32
          %get3A_707 = arith.index_cast %add3A_706 : i32 to index
          %get3A_708 = arith.constant 64 : index
          %get3A_709 = tpu.vector_load %arg18[%get3A_707, %get3A_708] {strides = array<i32>} : memref<200x128xf32, #tpu.memory_space<vmem>>, vector<1x16xf32>,
          %get3A_710 = vector.shape_cast %get3A_709 : vector<1x16xf32> to vector<16xf32>
          %add3A_711 = arith.addf %add3A_631, %get3A_710 : vector<16xf32>
          %mul3A_712 = arith.constant 5 : i32
          %mul3A_713 = arith.muli %scan3A_573, %mul3A_712 : i32
          %add3A_714 = arith.addi %mul3A_470, %mul3A_713 : i32
          %add3A_715 = arith.constant 1 : i32
          %add3A_716 = arith.addi %add3A_714, %add3A_715 : i32
          %get3A_717 = arith.index_cast %add3A_716 : i32 to index
          %get3A_718 = arith.constant 80 : index
          %get3A_719 = tpu.vector_load %arg18[%get3A_717, %get3A_718] {strides = array<i32>} : memref<200x128xf32, #tpu.memory_space<vmem>>, vector<1x16xf32>,
          %get3A_720 = vector.shape_cast %get3A_719 : vector<1x16xf32> to vector<16xf32>
          %add3A_721 = arith.addf %add3A_641, %get3A_720 : vector<16xf32>
          %mul3A_722 = arith.constant 5 : i32
          %mul3A_723 = arith.muli %scan3A_573, %mul3A_722 : i32
          %add3A_724 = arith.addi %mul3A_470, %mul3A_723 : i32
          %add3A_725 = arith.constant 1 : i32
          %add3A_726 = arith.addi %add3A_724, %add3A_725 : i32
          %get3A_727 = arith.index_cast %add3A_726 : i32 to index
          %get3A_728 = arith.constant 96 : index
          %get3A_729 = tpu.vector_load %arg18[%get3A_727, %get3A_728] {strides = array<i32>} : memref<200x128xf32, #tpu.memory_space<vmem>>, vector<1x16xf32>,
          %get3A_730 = vector.shape_cast %get3A_729 : vector<1x16xf32> to vector<16xf32>
          %add3A_731 = arith.addf %add3A_651, %get3A_730 : vector<16xf32>
          %mul3A_732 = arith.constant 5 : i32
          %mul3A_733 = arith.muli %scan3A_573, %mul3A_732 : i32
          %add3A_734 = arith.addi %mul3A_470, %mul3A_733 : i32
          %add3A_735 = arith.constant 1 : i32
          %add3A_736 = arith.addi %add3A_734, %add3A_735 : i32
          %get3A_737 = arith.index_cast %add3A_736 : i32 to index
          %get3A_738 = arith.constant 112 : index
          %get3A_739 = tpu.vector_load %arg18[%get3A_737, %get3A_738] {strides = array<i32>} : memref<200x128xf32, #tpu.memory_space<vmem>>, vector<1x16xf32>,
          %get3A_740 = vector.shape_cast %get3A_739 : vector<1x16xf32> to vector<16xf32>
          %add3A_741 = arith.addf %add3A_661, %get3A_740 : vector<16xf32>
          %mul3A_742 = arith.constant 5 : i32
          %mul3A_743 = arith.muli %scan3A_573, %mul3A_742 : i32
          %add3A_744 = arith.addi %mul3A_470, %mul3A_743 : i32
          %add3A_745 = arith.constant 2 : i32
          %add3A_746 = arith.addi %add3A_744, %add3A_745 : i32
          %get3A_747 = arith.index_cast %add3A_746 : i32 to index
          %get3A_748 = arith.constant 0 : index
          %get3A_749 = tpu.vector_load %arg18[%get3A_747, %get3A_748] {strides = array<i32>} : memref<200x128xf32, #tpu.memory_space<vmem>>, vector<1x16xf32>,
          %get3A_750 = vector.shape_cast %get3A_749 : vector<1x16xf32> to vector<16xf32>
          %add3A_751 = arith.addf %add3A_671, %get3A_750 : vector<16xf32>
          %mul3A_752 = arith.constant 5 : i32
          %mul3A_753 = arith.muli %scan3A_573, %mul3A_752 : i32
          %add3A_754 = arith.addi %mul3A_470, %mul3A_753 : i32
          %add3A_755 = arith.constant 2 : i32
          %add3A_756 = arith.addi %add3A_754, %add3A_755 : i32
          %get3A_757 = arith.index_cast %add3A_756 : i32 to index
          %get3A_758 = arith.constant 16 : index
          %get3A_759 = tpu.vector_load %arg18[%get3A_757, %get3A_758] {strides = array<i32>} : memref<200x128xf32, #tpu.memory_space<vmem>>, vector<1x16xf32>,
          %get3A_760 = vector.shape_cast %get3A_759 : vector<1x16xf32> to vector<16xf32>
          %add3A_761 = arith.addf %add3A_681, %get3A_760 : vector<16xf32>
          %mul3A_762 = arith.constant 5 : i32
          %mul3A_763 = arith.muli %scan3A_573, %mul3A_762 : i32
          %add3A_764 = arith.addi %mul3A_470, %mul3A_763 : i32
          %add3A_765 = arith.constant 2 : i32
          %add3A_766 = arith.addi %add3A_764, %add3A_765 : i32
          %get3A_767 = arith.index_cast %add3A_766 : i32 to index
          %get3A_768 = arith.constant 32 : index
          %get3A_769 = tpu.vector_load %arg18[%get3A_767, %get3A_768] {strides = array<i32>} : memref<200x128xf32, #tpu.memory_space<vmem>>, vector<1x16xf32>,
          %get3A_770 = vector.shape_cast %get3A_769 : vector<1x16xf32> to vector<16xf32>
          %add3A_771 = arith.addf %add3A_691, %get3A_770 : vector<16xf32>
          %mul3A_772 = arith.constant 5 : i32
          %mul3A_773 = arith.muli %scan3A_573, %mul3A_772 : i32
          %add3A_774 = arith.addi %mul3A_470, %mul3A_773 : i32
          %add3A_775 = arith.constant 2 : i32
          %add3A_776 = arith.addi %add3A_774, %add3A_775 : i32
          %get3A_777 = arith.index_cast %add3A_776 : i32 to index
          %get3A_778 = arith.constant 48 : index
          %get3A_779 = tpu.vector_load %arg18[%get3A_777, %get3A_778] {strides = array<i32>} : memref<200x128xf32, #tpu.memory_space<vmem>>, vector<1x16xf32>,
          %get3A_780 = vector.shape_cast %get3A_779 : vector<1x16xf32> to vector<16xf32>
          %add3A_781 = arith.addf %add3A_701, %get3A_780 : vector<16xf32>
          %mul3A_782 = arith.constant 5 : i32
          %mul3A_783 = arith.muli %scan3A_573, %mul3A_782 : i32
          %add3A_784 = arith.addi %mul3A_470, %mul3A_783 : i32
          %add3A_785 = arith.constant 2 : i32
          %add3A_786 = arith.addi %add3A_784, %add3A_785 : i32
          %get3A_787 = arith.index_cast %add3A_786 : i32 to index
          %get3A_788 = arith.constant 64 : index
          %get3A_789 = tpu.vector_load %arg18[%get3A_787, %get3A_788] {strides = array<i32>} : memref<200x128xf32, #tpu.memory_space<vmem>>, vector<1x16xf32>,
          %get3A_790 = vector.shape_cast %get3A_789 : vector<1x16xf32> to vector<16xf32>
          %add3A_791 = arith.addf %add3A_711, %get3A_790 : vector<16xf32>
          %mul3A_792 = arith.constant 5 : i32
          %mul3A_793 = arith.muli %scan3A_573, %mul3A_792 : i32
          %add3A_794 = arith.addi %mul3A_470, %mul3A_793 : i32
          %add3A_795 = arith.constant 2 : i32
          %add3A_796 = arith.addi %add3A_794, %add3A_795 : i32
          %get3A_797 = arith.index_cast %add3A_796 : i32 to index
          %get3A_798 = arith.constant 80 : index
          %get3A_799 = tpu.vector_load %arg18[%get3A_797, %get3A_798] {strides = array<i32>} : memref<200x128xf32, #tpu.memory_space<vmem>>, vector<1x16xf32>,
          %get3A_800 = vector.shape_cast %get3A_799 : vector<1x16xf32> to vector<16xf32>
          %add3A_801 = arith.addf %add3A_721, %get3A_800 : vector<16xf32>
          %mul3A_802 = arith.constant 5 : i32
          %mul3A_803 = arith.muli %scan3A_573, %mul3A_802 : i32
          %add3A_804 = arith.addi %mul3A_470, %mul3A_803 : i32
          %add3A_805 = arith.constant 2 : i32
          %add3A_806 = arith.addi %add3A_804, %add3A_805 : i32
          %get3A_807 = arith.index_cast %add3A_806 : i32 to index
          %get3A_808 = arith.constant 96 : index
          %get3A_809 = tpu.vector_load %arg18[%get3A_807, %get3A_808] {strides = array<i32>} : memref<200x128xf32, #tpu.memory_space<vmem>>, vector<1x16xf32>,
          %get3A_810 = vector.shape_cast %get3A_809 : vector<1x16xf32> to vector<16xf32>
          %add3A_811 = arith.addf %add3A_731, %get3A_810 : vector<16xf32>
          %mul3A_812 = arith.constant 5 : i32
          %mul3A_813 = arith.muli %scan3A_573, %mul3A_812 : i32
          %add3A_814 = arith.addi %mul3A_470, %mul3A_813 : i32
          %add3A_815 = arith.constant 2 : i32
          %add3A_816 = arith.addi %add3A_814, %add3A_815 : i32
          %get3A_817 = arith.index_cast %add3A_816 : i32 to index
          %get3A_818 = arith.constant 112 : index
          %get3A_819 = tpu.vector_load %arg18[%get3A_817, %get3A_818] {strides = array<i32>} : memref<200x128xf32, #tpu.memory_space<vmem>>, vector<1x16xf32>,
          %get3A_820 = vector.shape_cast %get3A_819 : vector<1x16xf32> to vector<16xf32>
          %add3A_821 = arith.addf %add3A_741, %get3A_820 : vector<16xf32>
          %mul3A_822 = arith.constant 5 : i32
          %mul3A_823 = arith.muli %scan3A_573, %mul3A_822 : i32
          %add3A_824 = arith.addi %mul3A_470, %mul3A_823 : i32
          %add3A_825 = arith.constant 3 : i32
          %add3A_826 = arith.addi %add3A_824, %add3A_825 : i32
          %get3A_827 = arith.index_cast %add3A_826 : i32 to index
          %get3A_828 = arith.constant 0 : index
          %get3A_829 = tpu.vector_load %arg18[%get3A_827, %get3A_828] {strides = array<i32>} : memref<200x128xf32, #tpu.memory_space<vmem>>, vector<1x16xf32>,
          %get3A_830 = vector.shape_cast %get3A_829 : vector<1x16xf32> to vector<16xf32>
          %add3A_831 = arith.addf %add3A_751, %get3A_830 : vector<16xf32>
          %mul3A_832 = arith.constant 5 : i32
          %mul3A_833 = arith.muli %scan3A_573, %mul3A_832 : i32
          %add3A_834 = arith.addi %mul3A_470, %mul3A_833 : i32
          %add3A_835 = arith.constant 3 : i32
          %add3A_836 = arith.addi %add3A_834, %add3A_835 : i32
          %get3A_837 = arith.index_cast %add3A_836 : i32 to index
          %get3A_838 = arith.constant 16 : index
          %get3A_839 = tpu.vector_load %arg18[%get3A_837, %get3A_838] {strides = array<i32>} : memref<200x128xf32, #tpu.memory_space<vmem>>, vector<1x16xf32>,
          %get3A_840 = vector.shape_cast %get3A_839 : vector<1x16xf32> to vector<16xf32>
          %add3A_841 = arith.addf %add3A_761, %get3A_840 : vector<16xf32>
          %mul3A_842 = arith.constant 5 : i32
          %mul3A_843 = arith.muli %scan3A_573, %mul3A_842 : i32
          %add3A_844 = arith.addi %mul3A_470, %mul3A_843 : i32
          %add3A_845 = arith.constant 3 : i32
          %add3A_846 = arith.addi %add3A_844, %add3A_845 : i32
          %get3A_847 = arith.index_cast %add3A_846 : i32 to index
          %get3A_848 = arith.constant 32 : index
          %get3A_849 = tpu.vector_load %arg18[%get3A_847, %get3A_848] {strides = array<i32>} : memref<200x128xf32, #tpu.memory_space<vmem>>, vector<1x16xf32>,
          %get3A_850 = vector.shape_cast %get3A_849 : vector<1x16xf32> to vector<16xf32>
          %add3A_851 = arith.addf %add3A_771, %get3A_850 : vector<16xf32>
          %mul3A_852 = arith.constant 5 : i32
          %mul3A_853 = arith.muli %scan3A_573, %mul3A_852 : i32
          %add3A_854 = arith.addi %mul3A_470, %mul3A_853 : i32
          %add3A_855 = arith.constant 3 : i32
          %add3A_856 = arith.addi %add3A_854, %add3A_855 : i32
          %get3A_857 = arith.index_cast %add3A_856 : i32 to index
          %get3A_858 = arith.constant 48 : index
          %get3A_859 = tpu.vector_load %arg18[%get3A_857, %get3A_858] {strides = array<i32>} : memref<200x128xf32, #tpu.memory_space<vmem>>, vector<1x16xf32>,
          %get3A_860 = vector.shape_cast %get3A_859 : vector<1x16xf32> to vector<16xf32>
          %add3A_861 = arith.addf %add3A_781, %get3A_860 : vector<16xf32>
          %mul3A_862 = arith.constant 5 : i32
          %mul3A_863 = arith.muli %scan3A_573, %mul3A_862 : i32
          %add3A_864 = arith.addi %mul3A_470, %mul3A_863 : i32
          %add3A_865 = arith.constant 3 : i32
          %add3A_866 = arith.addi %add3A_864, %add3A_865 : i32
          %get3A_867 = arith.index_cast %add3A_866 : i32 to index
          %get3A_868 = arith.constant 64 : index
          %get3A_869 = tpu.vector_load %arg18[%get3A_867, %get3A_868] {strides = array<i32>} : memref<200x128xf32, #tpu.memory_space<vmem>>, vector<1x16xf32>,
          %get3A_870 = vector.shape_cast %get3A_869 : vector<1x16xf32> to vector<16xf32>
          %add3A_871 = arith.addf %add3A_791, %get3A_870 : vector<16xf32>
          %mul3A_872 = arith.constant 5 : i32
          %mul3A_873 = arith.muli %scan3A_573, %mul3A_872 : i32
          %add3A_874 = arith.addi %mul3A_470, %mul3A_873 : i32
          %add3A_875 = arith.constant 3 : i32
          %add3A_876 = arith.addi %add3A_874, %add3A_875 : i32
          %get3A_877 = arith.index_cast %add3A_876 : i32 to index
          %get3A_878 = arith.constant 80 : index
          %get3A_879 = tpu.vector_load %arg18[%get3A_877, %get3A_878] {strides = array<i32>} : memref<200x128xf32, #tpu.memory_space<vmem>>, vector<1x16xf32>,
          %get3A_880 = vector.shape_cast %get3A_879 : vector<1x16xf32> to vector<16xf32>
          %add3A_881 = arith.addf %add3A_801, %get3A_880 : vector<16xf32>
          %mul3A_882 = arith.constant 5 : i32
          %mul3A_883 = arith.muli %scan3A_573, %mul3A_882 : i32
          %add3A_884 = arith.addi %mul3A_470, %mul3A_883 : i32
          %add3A_885 = arith.constant 3 : i32
          %add3A_886 = arith.addi %add3A_884, %add3A_885 : i32
          %get3A_887 = arith.index_cast %add3A_886 : i32 to index
          %get3A_888 = arith.constant 96 : index
          %get3A_889 = tpu.vector_load %arg18[%get3A_887, %get3A_888] {strides = array<i32>} : memref<200x128xf32, #tpu.memory_space<vmem>>, vector<1x16xf32>,
          %get3A_890 = vector.shape_cast %get3A_889 : vector<1x16xf32> to vector<16xf32>
          %add3A_891 = arith.addf %add3A_811, %get3A_890 : vector<16xf32>
          %mul3A_892 = arith.constant 5 : i32
          %mul3A_893 = arith.muli %scan3A_573, %mul3A_892 : i32
          %add3A_894 = arith.addi %mul3A_470, %mul3A_893 : i32
          %add3A_895 = arith.constant 3 : i32
          %add3A_896 = arith.addi %add3A_894, %add3A_895 : i32
          %get3A_897 = arith.index_cast %add3A_896 : i32 to index
          %get3A_898 = arith.constant 112 : index
          %get3A_899 = tpu.vector_load %arg18[%get3A_897, %get3A_898] {strides = array<i32>} : memref<200x128xf32, #tpu.memory_space<vmem>>, vector<1x16xf32>,
          %get3A_900 = vector.shape_cast %get3A_899 : vector<1x16xf32> to vector<16xf32>
          %add3A_901 = arith.addf %add3A_821, %get3A_900 : vector<16xf32>
          %mul3A_902 = arith.constant 5 : i32
          %mul3A_903 = arith.muli %scan3A_573, %mul3A_902 : i32
          %add3A_904 = arith.addi %mul3A_470, %mul3A_903 : i32
          %add3A_905 = arith.constant 4 : i32
          %add3A_906 = arith.addi %add3A_904, %add3A_905 : i32
          %get3A_907 = arith.index_cast %add3A_906 : i32 to index
          %get3A_908 = arith.constant 0 : index
          %get3A_909 = tpu.vector_load %arg18[%get3A_907, %get3A_908] {strides = array<i32>} : memref<200x128xf32, #tpu.memory_space<vmem>>, vector<1x16xf32>,
          %get3A_910 = vector.shape_cast %get3A_909 : vector<1x16xf32> to vector<16xf32>
          %add3A_911 = arith.addf %add3A_831, %get3A_910 : vector<16xf32>
          %mul3A_912 = arith.constant 5 : i32
          %mul3A_913 = arith.muli %scan3A_573, %mul3A_912 : i32
          %add3A_914 = arith.addi %mul3A_470, %mul3A_913 : i32
          %add3A_915 = arith.constant 4 : i32
          %add3A_916 = arith.addi %add3A_914, %add3A_915 : i32
          %get3A_917 = arith.index_cast %add3A_916 : i32 to index
          %get3A_918 = arith.constant 16 : index
          %get3A_919 = tpu.vector_load %arg18[%get3A_917, %get3A_918] {strides = array<i32>} : memref<200x128xf32, #tpu.memory_space<vmem>>, vector<1x16xf32>,
          %get3A_920 = vector.shape_cast %get3A_919 : vector<1x16xf32> to vector<16xf32>
          %add3A_921 = arith.addf %add3A_841, %get3A_920 : vector<16xf32>
          %mul3A_922 = arith.constant 5 : i32
          %mul3A_923 = arith.muli %scan3A_573, %mul3A_922 : i32
          %add3A_924 = arith.addi %mul3A_470, %mul3A_923 : i32
          %add3A_925 = arith.constant 4 : i32
          %add3A_926 = arith.addi %add3A_924, %add3A_925 : i32
          %get3A_927 = arith.index_cast %add3A_926 : i32 to index
          %get3A_928 = arith.constant 32 : index
          %get3A_929 = tpu.vector_load %arg18[%get3A_927, %get3A_928] {strides = array<i32>} : memref<200x128xf32, #tpu.memory_space<vmem>>, vector<1x16xf32>,
          %get3A_930 = vector.shape_cast %get3A_929 : vector<1x16xf32> to vector<16xf32>
          %add3A_931 = arith.addf %add3A_851, %get3A_930 : vector<16xf32>
          %mul3A_932 = arith.constant 5 : i32
          %mul3A_933 = arith.muli %scan3A_573, %mul3A_932 : i32
          %add3A_934 = arith.addi %mul3A_470, %mul3A_933 : i32
          %add3A_935 = arith.constant 4 : i32
          %add3A_936 = arith.addi %add3A_934, %add3A_935 : i32
          %get3A_937 = arith.index_cast %add3A_936 : i32 to index
          %get3A_938 = arith.constant 48 : index
          %get3A_939 = tpu.vector_load %arg18[%get3A_937, %get3A_938] {strides = array<i32>} : memref<200x128xf32, #tpu.memory_space<vmem>>, vector<1x16xf32>,
          %get3A_940 = vector.shape_cast %get3A_939 : vector<1x16xf32> to vector<16xf32>
          %add3A_941 = arith.addf %add3A_861, %get3A_940 : vector<16xf32>
          %mul3A_942 = arith.constant 5 : i32
          %mul3A_943 = arith.muli %scan3A_573, %mul3A_942 : i32
          %add3A_944 = arith.addi %mul3A_470, %mul3A_943 : i32
          %add3A_945 = arith.constant 4 : i32
          %add3A_946 = arith.addi %add3A_944, %add3A_945 : i32
          %get3A_947 = arith.index_cast %add3A_946 : i32 to index
          %get3A_948 = arith.constant 64 : index
          %get3A_949 = tpu.vector_load %arg18[%get3A_947, %get3A_948] {strides = array<i32>} : memref<200x128xf32, #tpu.memory_space<vmem>>, vector<1x16xf32>,
          %get3A_950 = vector.shape_cast %get3A_949 : vector<1x16xf32> to vector<16xf32>
          %add3A_951 = arith.addf %add3A_871, %get3A_950 : vector<16xf32>
          %mul3A_952 = arith.constant 5 : i32
          %mul3A_953 = arith.muli %scan3A_573, %mul3A_952 : i32
          %add3A_954 = arith.addi %mul3A_470, %mul3A_953 : i32
          %add3A_955 = arith.constant 4 : i32
          %add3A_956 = arith.addi %add3A_954, %add3A_955 : i32
          %get3A_957 = arith.index_cast %add3A_956 : i32 to index
          %get3A_958 = arith.constant 80 : index
          %get3A_959 = tpu.vector_load %arg18[%get3A_957, %get3A_958] {strides = array<i32>} : memref<200x128xf32, #tpu.memory_space<vmem>>, vector<1x16xf32>,
          %get3A_960 = vector.shape_cast %get3A_959 : vector<1x16xf32> to vector<16xf32>
          %add3A_961 = arith.addf %add3A_881, %get3A_960 : vector<16xf32>
          %mul3A_962 = arith.constant 5 : i32
          %mul3A_963 = arith.muli %scan3A_573, %mul3A_962 : i32
          %add3A_964 = arith.addi %mul3A_470, %mul3A_963 : i32
          %add3A_965 = arith.constant 4 : i32
          %add3A_966 = arith.addi %add3A_964, %add3A_965 : i32
          %get3A_967 = arith.index_cast %add3A_966 : i32 to index
          %get3A_968 = arith.constant 96 : index
          %get3A_969 = tpu.vector_load %arg18[%get3A_967, %get3A_968] {strides = array<i32>} : memref<200x128xf32, #tpu.memory_space<vmem>>, vector<1x16xf32>,
          %get3A_970 = vector.shape_cast %get3A_969 : vector<1x16xf32> to vector<16xf32>
          %add3A_971 = arith.addf %add3A_891, %get3A_970 : vector<16xf32>
          %mul3A_972 = arith.constant 5 : i32
          %mul3A_973 = arith.muli %scan3A_573, %mul3A_972 : i32
          %add3A_974 = arith.addi %mul3A_470, %mul3A_973 : i32
          %add3A_975 = arith.constant 4 : i32
          %add3A_976 = arith.addi %add3A_974, %add3A_975 : i32
          %get3A_977 = arith.index_cast %add3A_976 : i32 to index
          %get3A_978 = arith.constant 112 : index
          %get3A_979 = tpu.vector_load %arg18[%get3A_977, %get3A_978] {strides = array<i32>} : memref<200x128xf32, #tpu.memory_space<vmem>>, vector<1x16xf32>,
          %get3A_980 = vector.shape_cast %get3A_979 : vector<1x16xf32> to vector<16xf32>
          %add3A_981 = arith.addf %add3A_901, %get3A_980 : vector<16xf32>
          scf.yield %add3A_911, %add3A_921, %add3A_931, %add3A_941, %add3A_951, %add3A_961, %add3A_971, %add3A_981 : vector<16xf32>, vector<16xf32>, vector<16xf32>, vector<16xf32>, vector<16xf32>, vector<16xf32>, vector<16xf32>, vector<16xf32>
        }
        %scan3A_492 = arith.constant 5 : i32
        %mul3A_493 = vector.broadcast %scan3A_389 : f32 to vector<16xf32>
        %mul3A_494 = arith.mulf %scan3A_491#0, %mul3A_493 : vector<16xf32>
        %mul3A_495 = arith.constant 8 : i32
        %mul3A_496 = arith.muli %add3A_461, %mul3A_495 : i32
        %add3A_497 = arith.addi %mul3A_496, %scan3A_468 : i32
        %swap3A_498 = arith.index_cast %add3A_497 : i32 to index
        %swap3A_499 = arith.constant 0 : index
        %swap3A_500 = tpu.vector_load %arg19[%swap3A_498, %swap3A_499] {strides = array<i32>} : memref<160x128xf32, #tpu.memory_space<vmem>>, vector<1x16xf32>,
        %swap3A_501 = vector.shape_cast %swap3A_500 : vector<1x16xf32> to vector<16xf32>
        %swap3A_502 = vector.shape_cast %mul3A_494 : vector<16xf32> to vector<1x16xf32>
        tpu.vector_store %arg19[%swap3A_498, %swap3A_499], %swap3A_502 {strides = array<i32>} : memref<160x128xf32, #tpu.memory_space<vmem>>, vector<1x16xf32>,
        %mul3A_503 = vector.broadcast %scan3A_389 : f32 to vector<16xf32>
        %mul3A_504 = arith.mulf %scan3A_491#1, %mul3A_503 : vector<16xf32>
        %mul3A_505 = arith.constant 8 : i32
        %mul3A_506 = arith.muli %add3A_461, %mul3A_505 : i32
        %add3A_507 = arith.addi %mul3A_506, %scan3A_468 : i32
        %swap3A_508 = arith.index_cast %add3A_507 : i32 to index
        %swap3A_509 = arith.constant 16 : index
        %swap3A_510 = tpu.vector_load %arg19[%swap3A_508, %swap3A_509] {strides = array<i32>} : memref<160x128xf32, #tpu.memory_space<vmem>>, vector<1x16xf32>,
        %swap3A_511 = vector.shape_cast %swap3A_510 : vector<1x16xf32> to vector<16xf32>
        %swap3A_512 = vector.shape_cast %mul3A_504 : vector<16xf32> to vector<1x16xf32>
        tpu.vector_store %arg19[%swap3A_508, %swap3A_509], %swap3A_512 {strides = array<i32>} : memref<160x128xf32, #tpu.memory_space<vmem>>, vector<1x16xf32>,
        %mul3A_513 = vector.broadcast %scan3A_389 : f32 to vector<16xf32>
        %mul3A_514 = arith.mulf %scan3A_491#2, %mul3A_513 : vector<16xf32>
        %mul3A_515 = arith.constant 8 : i32
        %mul3A_516 = arith.muli %add3A_461, %mul3A_515 : i32
        %add3A_517 = arith.addi %mul3A_516, %scan3A_468 : i32
        %swap3A_518 = arith.index_cast %add3A_517 : i32 to index
        %swap3A_519 = arith.constant 32 : index
        %swap3A_520 = tpu.vector_load %arg19[%swap3A_518, %swap3A_519] {strides = array<i32>} : memref<160x128xf32, #tpu.memory_space<vmem>>, vector<1x16xf32>,
        %swap3A_521 = vector.shape_cast %swap3A_520 : vector<1x16xf32> to vector<16xf32>
        %swap3A_522 = vector.shape_cast %mul3A_514 : vector<16xf32> to vector<1x16xf32>
        tpu.vector_store %arg19[%swap3A_518, %swap3A_519], %swap3A_522 {strides = array<i32>} : memref<160x128xf32, #tpu.memory_space<vmem>>, vector<1x16xf32>,
        %mul3A_523 = vector.broadcast %scan3A_389 : f32 to vector<16xf32>
        %mul3A_524 = arith.mulf %scan3A_491#3, %mul3A_523 : vector<16xf32>
        %mul3A_525 = arith.constant 8 : i32
        %mul3A_526 = arith.muli %add3A_461, %mul3A_525 : i32
        %add3A_527 = arith.addi %mul3A_526, %scan3A_468 : i32
        %swap3A_528 = arith.index_cast %add3A_527 : i32 to index
        %swap3A_529 = arith.constant 48 : index
        %swap3A_530 = tpu.vector_load %arg19[%swap3A_528, %swap3A_529] {strides = array<i32>} : memref<160x128xf32, #tpu.memory_space<vmem>>, vector<1x16xf32>,
        %swap3A_531 = vector.shape_cast %swap3A_530 : vector<1x16xf32> to vector<16xf32>
        %swap3A_532 = vector.shape_cast %mul3A_524 : vector<16xf32> to vector<1x16xf32>
        tpu.vector_store %arg19[%swap3A_528, %swap3A_529], %swap3A_532 {strides = array<i32>} : memref<160x128xf32, #tpu.memory_space<vmem>>, vector<1x16xf32>,
        %mul3A_533 = vector.broadcast %scan3A_389 : f32 to vector<16xf32>
        %mul3A_534 = arith.mulf %scan3A_491#4, %mul3A_533 : vector<16xf32>
        %mul3A_535 = arith.constant 8 : i32
        %mul3A_536 = arith.muli %add3A_461, %mul3A_535 : i32
        %add3A_537 = arith.addi %mul3A_536, %scan3A_468 : i32
        %swap3A_538 = arith.index_cast %add3A_537 : i32 to index
        %swap3A_539 = arith.constant 64 : index
        %swap3A_540 = tpu.vector_load %arg19[%swap3A_538, %swap3A_539] {strides = array<i32>} : memref<160x128xf32, #tpu.memory_space<vmem>>, vector<1x16xf32>,
        %swap3A_541 = vector.shape_cast %swap3A_540 : vector<1x16xf32> to vector<16xf32>
        %swap3A_542 = vector.shape_cast %mul3A_534 : vector<16xf32> to vector<1x16xf32>
        tpu.vector_store %arg19[%swap3A_538, %swap3A_539], %swap3A_542 {strides = array<i32>} : memref<160x128xf32, #tpu.memory_space<vmem>>, vector<1x16xf32>,
        %mul3A_543 = vector.broadcast %scan3A_389 : f32 to vector<16xf32>
        %mul3A_544 = arith.mulf %scan3A_491#5, %mul3A_543 : vector<16xf32>
        %mul3A_545 = arith.constant 8 : i32
        %mul3A_546 = arith.muli %add3A_461, %mul3A_545 : i32
        %add3A_547 = arith.addi %mul3A_546, %scan3A_468 : i32
        %swap3A_548 = arith.index_cast %add3A_547 : i32 to index
        %swap3A_549 = arith.constant 80 : index
        %swap3A_550 = tpu.vector_load %arg19[%swap3A_548, %swap3A_549] {strides = array<i32>} : memref<160x128xf32, #tpu.memory_space<vmem>>, vector<1x16xf32>,
        %swap3A_551 = vector.shape_cast %swap3A_550 : vector<1x16xf32> to vector<16xf32>
        %swap3A_552 = vector.shape_cast %mul3A_544 : vector<16xf32> to vector<1x16xf32>
        tpu.vector_store %arg19[%swap3A_548, %swap3A_549], %swap3A_552 {strides = array<i32>} : memref<160x128xf32, #tpu.memory_space<vmem>>, vector<1x16xf32>,
        %mul3A_553 = vector.broadcast %scan3A_389 : f32 to vector<16xf32>
        %mul3A_554 = arith.mulf %scan3A_491#6, %mul3A_553 : vector<16xf32>
        %mul3A_555 = arith.constant 8 : i32
        %mul3A_556 = arith.muli %add3A_461, %mul3A_555 : i32
        %add3A_557 = arith.addi %mul3A_556, %scan3A_468 : i32
        %swap3A_558 = arith.index_cast %add3A_557 : i32 to index
        %swap3A_559 = arith.constant 96 : index
        %swap3A_560 = tpu.vector_load %arg19[%swap3A_558, %swap3A_559] {strides = array<i32>} : memref<160x128xf32, #tpu.memory_space<vmem>>, vector<1x16xf32>,
        %swap3A_561 = vector.shape_cast %swap3A_560 : vector<1x16xf32> to vector<16xf32>
        %swap3A_562 = vector.shape_cast %mul3A_554 : vector<16xf32> to vector<1x16xf32>
        tpu.vector_store %arg19[%swap3A_558, %swap3A_559], %swap3A_562 {strides = array<i32>} : memref<160x128xf32, #tpu.memory_space<vmem>>, vector<1x16xf32>,
        %mul3A_563 = vector.broadcast %scan3A_389 : f32 to vector<16xf32>
        %mul3A_564 = arith.mulf %scan3A_491#7, %mul3A_563 : vector<16xf32>
        %mul3A_565 = arith.constant 8 : i32
        %mul3A_566 = arith.muli %add3A_461, %mul3A_565 : i32
        %add3A_567 = arith.addi %mul3A_566, %scan3A_468 : i32
        %swap3A_568 = arith.index_cast %add3A_567 : i32 to index
        %swap3A_569 = arith.constant 112 : index
        %swap3A_570 = tpu.vector_load %arg19[%swap3A_568, %swap3A_569] {strides = array<i32>} : memref<160x128xf32, #tpu.memory_space<vmem>>, vector<1x16xf32>,
        %swap3A_571 = vector.shape_cast %swap3A_570 : vector<1x16xf32> to vector<16xf32>
        %swap3A_572 = vector.shape_cast %mul3A_564 : vector<16xf32> to vector<1x16xf32>
        tpu.vector_store %arg19[%swap3A_568, %swap3A_569], %swap3A_572 {strides = array<i32>} : memref<160x128xf32, #tpu.memory_space<vmem>>, vector<1x16xf32>,
      }
      %scan3A_467 = arith.constant 8 : i32
    }
    %scan3A_394 = arith.constant 10 : i32
    "tpu.region"() ({
      %run_scoped3A = tpu.sem_alloc : memref<!tpu.dma_semaphore, #tpu.memory_space<semaphore_mem>>
      %dma_start3A_395 = arith.constant 0 : i32
      %dma_start3A_396 = tpu.memref_slice %arg9[%mul3A_4, %dma_start3A_395] : memref<5120x128xf32, #tpu.memory_space<hbm>> -> memref<160x128xf32, #tpu.memory_space<hbm>>
      %dma_start3A_397 = arith.constant 0 : i32
      %dma_start3A_398 = tpu.memref_slice %arg9[%mul3A_4, %dma_start3A_397] : memref<5120x128xf32, #tpu.memory_space<hbm>> -> memref<160x128xf32, #tpu.memory_space<hbm>>
      tpu.enqueue_dma source(%arg19 : memref<160x128xf32, #tpu.memory_space<vmem>>) target(%dma_start3A_398 : memref<160x128xf32, #tpu.memory_space<hbm>>) target_semaphore(%run_scoped3A : memref<!tpu.dma_semaphore, #tpu.memory_space<semaphore_mem>>)
      %dma_wait3A_399 = arith.constant 0 : i32
      %dma_wait3A_400 = tpu.memref_slice %arg9[%mul3A_4, %dma_wait3A_399] : memref<5120x128xf32, #tpu.memory_space<hbm>> -> memref<160x128xf32, #tpu.memory_space<hbm>>
      %dma_wait3A_401 = arith.constant 0 : i32
      %dma_wait3A_402 = tpu.memref_slice %arg9[%mul3A_4, %dma_wait3A_401] : memref<5120x128xf32, #tpu.memory_space<hbm>> -> memref<160x128xf32, #tpu.memory_space<hbm>>
      tpu.wait_dma2 semaphore(%run_scoped3A : memref<!tpu.dma_semaphore, #tpu.memory_space<semaphore_mem>>) src(%arg19 : memref<160x128xf32, #tpu.memory_space<vmem>>) dst(%dma_wait3A_402 : memref<160x128xf32, #tpu.memory_space<hbm>>)
      tpu.yield
    }) : () -> ()
    return
  }
}

module attributes {stable_mosaic.version = 14 : i64} {
  func.func @_tc_body(%arg0: memref<512x128xf32, #tpu.memory_space<vmem>>, %arg1: memref<5120x128xf32, #tpu.memory_space<vmem>>, %arg2: memref<5120x128xf32, #tpu.memory_space<vmem>>, %arg3: memref<128x128xf32, #tpu.memory_space<vmem>>, %arg4: memref<128x128xf32, #tpu.memory_space<vmem>>, %arg5: memref<256x128xf32, #tpu.memory_space<vmem>>, %arg6: memref<256x128xf32, #tpu.memory_space<vmem>>, %arg7: memref<256x50xf32, #tpu.memory_space<vmem>>, %arg8: memref<1x50xf32, #tpu.memory_space<vmem>>, %arg9: memref<512x50xf32, #tpu.memory_space<vmem>>) attributes {dimension_semantics = [], scalar_prefetch = 0 : i64, scratch_operands = 0 : i64, tpu.core_type = #tpu.core_type<tc>} {
    %get3A = arith.constant 0 : index
    %get3A_0 = arith.constant 0 : index
    %get3A_1 = vector.load %arg1[%get3A, %get3A_0] : memref<5120x128xf32, #tpu.memory_space<vmem>>, vector<5120x128xf32>
    %get3A_2 = arith.constant 0 : index
    %get3A_3 = arith.constant 0 : index
    %get3A_4 = vector.load %arg3[%get3A_2, %get3A_3] : memref<128x128xf32, #tpu.memory_space<vmem>>, vector<128x128xf32>
    %dot_general3A = arith.constant dense<0.000000e+00> : vector<5120x128xf32>
    %dot_general3A_5 = tpu.matmul %get3A_1, %get3A_4, %dot_general3A {dimension_numbers = #tpu.dot_dimension_numbers<[1], [0], [0], [1], [0, 0, 1, 1], [], []>, transpose_lhs_hint = false} : vector<5120x128xf32>, vector<128x128xf32>, vector<5120x128xf32> -> vector<5120x128xf32>
    %get3A_6 = arith.constant 0 : index
    %get3A_7 = arith.constant 0 : index
    %get3A_8 = vector.load %arg2[%get3A_6, %get3A_7] : memref<5120x128xf32, #tpu.memory_space<vmem>>, vector<5120x128xf32>
    %get3A_9 = arith.constant 0 : index
    %get3A_10 = arith.constant 0 : index
    %get3A_11 = vector.load %arg4[%get3A_9, %get3A_10] : memref<128x128xf32, #tpu.memory_space<vmem>>, vector<128x128xf32>
    %dot_general3A_12 = arith.constant dense<0.000000e+00> : vector<5120x128xf32>
    %dot_general3A_13 = tpu.matmul %get3A_8, %get3A_11, %dot_general3A_12 {dimension_numbers = #tpu.dot_dimension_numbers<[1], [0], [0], [1], [0, 0, 1, 1], [], []>, transpose_lhs_hint = false} : vector<5120x128xf32>, vector<128x128xf32>, vector<5120x128xf32> -> vector<5120x128xf32>
    %concatenate3A = tpu.concatenate %dot_general3A_5, %dot_general3A_13 in 1 : vector<5120x128xf32>, vector<5120x128xf32> -> vector<5120x256xf32>
    %max3A = arith.constant 0.000000e+00 : f32
    %max3A_14 = vector.broadcast %max3A : f32 to vector<5120x256xf32>
    %max3A_15 = arith.maximumf %concatenate3A, %max3A_14 : vector<5120x256xf32>
    %reshape3A = vector.shape_cast %get3A_1 : vector<5120x128xf32> to vector<512x10x128xf32>
    %reduce_sum3A = arith.constant dense<0.000000e+00> : vector<512x128xf32>
    %reduce_sum3A_16 = vector.multi_reduction <add>, %reshape3A, %reduce_sum3A [1] : vector<512x10x128xf32> to vector<512x128xf32>
    %div3A = arith.constant 1.000000e+01 : f32
    %div3A_17 = vector.broadcast %div3A : f32 to vector<512x128xf32>
    %div3A_18 = arith.divf %reduce_sum3A_16, %div3A_17 : vector<512x128xf32>
    %get3A_19 = arith.constant 0 : index
    %get3A_20 = arith.constant 0 : index
    %get3A_21 = vector.load %arg0[%get3A_19, %get3A_20] : memref<512x128xf32, #tpu.memory_space<vmem>>, vector<512x128xf32>
    %get3A_22 = arith.constant 0 : index
    %get3A_23 = arith.constant 0 : index
    %get3A_24 = vector.load %arg3[%get3A_22, %get3A_23] : memref<128x128xf32, #tpu.memory_space<vmem>>, vector<128x128xf32>
    %dot_general3A_25 = arith.constant dense<0.000000e+00> : vector<512x128xf32>
    %dot_general3A_26 = tpu.matmul %get3A_21, %get3A_24, %dot_general3A_25 {dimension_numbers = #tpu.dot_dimension_numbers<[1], [0], [0], [1], [0, 0, 1, 1], [], []>, transpose_lhs_hint = false} : vector<512x128xf32>, vector<128x128xf32>, vector<512x128xf32> -> vector<512x128xf32>
    %get3A_27 = arith.constant 0 : index
    %get3A_28 = arith.constant 0 : index
    %get3A_29 = vector.load %arg4[%get3A_27, %get3A_28] : memref<128x128xf32, #tpu.memory_space<vmem>>, vector<128x128xf32>
    %dot_general3A_30 = arith.constant dense<0.000000e+00> : vector<512x128xf32>
    %dot_general3A_31 = tpu.matmul %div3A_18, %get3A_29, %dot_general3A_30 {dimension_numbers = #tpu.dot_dimension_numbers<[1], [0], [0], [1], [0, 0, 1, 1], [], []>, transpose_lhs_hint = false} : vector<512x128xf32>, vector<128x128xf32>, vector<512x128xf32> -> vector<512x128xf32>
    %concatenate3A_32 = tpu.concatenate %dot_general3A_26, %dot_general3A_31 in 1 : vector<512x128xf32>, vector<512x128xf32> -> vector<512x256xf32>
    %max3A_33 = arith.constant 0.000000e+00 : f32
    %max3A_34 = vector.broadcast %max3A_33 : f32 to vector<512x256xf32>
    %max3A_35 = arith.maximumf %concatenate3A_32, %max3A_34 : vector<512x256xf32>
    %reshape3A_36 = vector.shape_cast %max3A_15 : vector<5120x256xf32> to vector<512x10x256xf32>
    %reduce_sum3A_37 = arith.constant dense<0.000000e+00> : vector<512x256xf32>
    %reduce_sum3A_38 = vector.multi_reduction <add>, %reshape3A_36, %reduce_sum3A_37 [1] : vector<512x10x256xf32> to vector<512x256xf32>
    %div3A_39 = arith.constant 1.000000e+01 : f32
    %div3A_40 = vector.broadcast %div3A_39 : f32 to vector<512x256xf32>
    %div3A_41 = arith.divf %reduce_sum3A_38, %div3A_40 : vector<512x256xf32>
    %get3A_42 = arith.constant 0 : index
    %get3A_43 = arith.constant 0 : index
    %get3A_44 = vector.load %arg5[%get3A_42, %get3A_43] : memref<256x128xf32, #tpu.memory_space<vmem>>, vector<256x128xf32>
    %dot_general3A_45 = arith.constant dense<0.000000e+00> : vector<512x128xf32>
    %dot_general3A_46 = tpu.matmul %max3A_35, %get3A_44, %dot_general3A_45 {dimension_numbers = #tpu.dot_dimension_numbers<[1], [0], [0], [1], [0, 0, 1, 1], [], []>, transpose_lhs_hint = false} : vector<512x256xf32>, vector<256x128xf32>, vector<512x128xf32> -> vector<512x128xf32>
    %get3A_47 = arith.constant 0 : index
    %get3A_48 = arith.constant 0 : index
    %get3A_49 = vector.load %arg6[%get3A_47, %get3A_48] : memref<256x128xf32, #tpu.memory_space<vmem>>, vector<256x128xf32>
    %dot_general3A_50 = arith.constant dense<0.000000e+00> : vector<512x128xf32>
    %dot_general3A_51 = tpu.matmul %div3A_41, %get3A_49, %dot_general3A_50 {dimension_numbers = #tpu.dot_dimension_numbers<[1], [0], [0], [1], [0, 0, 1, 1], [], []>, transpose_lhs_hint = false} : vector<512x256xf32>, vector<256x128xf32>, vector<512x128xf32> -> vector<512x128xf32>
    %concatenate3A_52 = tpu.concatenate %dot_general3A_46, %dot_general3A_51 in 1 : vector<512x128xf32>, vector<512x128xf32> -> vector<512x256xf32>
    %mul3A = arith.mulf %concatenate3A_52, %concatenate3A_52 : vector<512x256xf32>
    %reduce_sum3A_53 = arith.constant dense<0.000000e+00> : vector<512xf32>
    %reduce_sum3A_54 = vector.multi_reduction <add>, %mul3A, %reduce_sum3A_53 [1] : vector<512x256xf32> to vector<512xf32>
    %broadcast_in_dim3A = vector.shape_cast %reduce_sum3A_54 : vector<512xf32> to vector<512x1xf32>
    %max3A_55 = arith.constant 9.99999996E-13 : f32
    %max3A_56 = vector.broadcast %max3A_55 : f32 to vector<512x1xf32>
    %max3A_57 = arith.maximumf %broadcast_in_dim3A, %max3A_56 : vector<512x1xf32>
    %rsqrt3A = math.rsqrt %max3A_57 : vector<512x1xf32>
    %mul3A_58 = vector.broadcast %rsqrt3A : vector<512x1xf32> to vector<512x256xf32>
    %mul3A_59 = arith.mulf %concatenate3A_52, %mul3A_58 : vector<512x256xf32>
    %get3A_60 = arith.constant 0 : index
    %get3A_61 = arith.constant 0 : index
    %get3A_62 = vector.load %arg7[%get3A_60, %get3A_61] : memref<256x50xf32, #tpu.memory_space<vmem>>, vector<256x50xf32>
    %dot_general3A_63 = arith.constant dense<0.000000e+00> : vector<512x50xf32>
    %dot_general3A_64 = tpu.matmul %mul3A_59, %get3A_62, %dot_general3A_63 {dimension_numbers = #tpu.dot_dimension_numbers<[1], [0], [0], [1], [0, 0, 1, 1], [], []>, transpose_lhs_hint = false} : vector<512x256xf32>, vector<256x50xf32>, vector<512x50xf32> -> vector<512x50xf32>
    %get3A_65 = arith.constant 0 : index
    %get3A_66 = arith.constant 0 : index
    %get3A_67 = vector.load %arg8[%get3A_65, %get3A_66] : memref<1x50xf32, #tpu.memory_space<vmem>>, vector<1x50xf32>
    %add3A = vector.broadcast %get3A_67 : vector<1x50xf32> to vector<512x50xf32>
    %add3A_68 = arith.addf %dot_general3A_64, %add3A : vector<512x50xf32>
    %reduce_max3A = arith.constant dense<0xFF800000> : vector<512xf32>
    %reduce_max3A_69 = vector.multi_reduction <maximumf>, %add3A_68, %reduce_max3A [1] : vector<512x50xf32> to vector<512xf32>
    %max3A_70 = arith.constant 0xFF800000 : f32
    %max3A_71 = vector.broadcast %max3A_70 : f32 to vector<512xf32>
    %max3A_72 = arith.maximumf %max3A_71, %reduce_max3A_69 : vector<512xf32>
    %broadcast_in_dim3A_73 = vector.shape_cast %max3A_72 : vector<512xf32> to vector<512x1xf32>
    %sub3A = vector.broadcast %broadcast_in_dim3A_73 : vector<512x1xf32> to vector<512x50xf32>
    %sub3A_74 = arith.subf %add3A_68, %sub3A : vector<512x50xf32>
    %exp3A = math.exp %sub3A_74 : vector<512x50xf32>
    %reduce_sum3A_75 = arith.constant dense<0.000000e+00> : vector<512xf32>
    %reduce_sum3A_76 = vector.multi_reduction <add>, %exp3A, %reduce_sum3A_75 [1] : vector<512x50xf32> to vector<512xf32>
    %broadcast_in_dim3A_77 = vector.shape_cast %reduce_sum3A_76 : vector<512xf32> to vector<512x1xf32>
    %div3A_78 = vector.broadcast %broadcast_in_dim3A_77 : vector<512x1xf32> to vector<512x50xf32>
    %div3A_79 = arith.divf %exp3A, %div3A_78 : vector<512x50xf32>
    %swap3A = arith.constant 0 : index
    %swap3A_80 = arith.constant 0 : index
    %swap3A_81 = vector.load %arg9[%swap3A, %swap3A_80] : memref<512x50xf32, #tpu.memory_space<vmem>>, vector<512x50xf32>
    tpu.vector_store %arg9[%swap3A, %swap3A_80], %div3A_79 {strides = array<i32>} : memref<512x50xf32, #tpu.memory_space<vmem>>, vector<512x50xf32>,
    return
  }
}

</mosaic_0001>

<sc_bundles>
// kernel: kernel.4.cloned.1.call-start
scs
__scs_entry_jumppad:
0x0: {  	(pc) =	sbr.rel $0x88, $3  }
0x1: {  	(tag) =	ssettag $0x0;
	lr =	simm.s32 $0x1  }
0x2: {  	[smem:$0x3F98] =	sst lr;
	_ =	strace $0xD0000000  }
0x3: {  	_ = 	snop  }
0x4: {  	_ = 	snop  }
0x5: {  	_ = 	snop  }
0x6: {  	_ = 	snop  }
0x7: {  	_ = 	snop  }
__scs_overlays_trampoline_lowered:
0x8: {  	[smem:$0x3FA7] =	sst s0  }
0x9: {  	[smem:$0x3FA8] =	sst s1  }
0xa: {  	[smem:$0x3FA9] =	sst s2  }
0xb: {  	[smem:$0x3FAA] =	sst s3  }
0xc: {  	[smem:$0x3FAB] =	sst s4  }
0xd: {  	[smem:$0x3FAC] =	sst s5  }
0xe: {  	[smem:$0x3FAD] =	sst s6  }
0xf: {  	[smem:$0x3FAE] =	sst s7  }
0x10: {  	[smem:$0x3FAF] =	sst s8  }
0x11: {  	[smem:$0x3FB0] =	sst s9;
	s0 =	simm.s32 @!p0 $0x0  }
0x12: {  	s1 =	sld [smem:$0x3F96];
	s0 =	simm.s32 @p0 $0x1  }
0x13: {  	[smem:$0x3FB1] =	sst s0;
	s0 =	simm.s32 @!p1 $0x0  }
0x14: {  	s2 =	sld [smem:$0x3F95];
	s0 =	simm.s32 @p1 $0x1  }
0x15: {  	[smem:$0x3FB2] =	sst s0;
	s0 =	simm.s32 @!p2 $0x0  }
0x16: {  	s3 =	sld [smem:$0x3FDB];
	s0 =	simm.s32 @p2 $0x1  }
0x17: {  	s4 =	simm.s32 $0x1BF5;
	[smem:$0x3FB4] =	sst s0  }
0x18: {  	s0 =	sld [smem:$0x3F97];
	_ =	swait.ge [sflag:s4], $0x0  }
0x19: {  	s7 =	sld [smem:$0x3F98]  }
0x1a: {  	s8 =	sadd.s32 $0xFFFFE003, lr  }
0x1b: {  	s9 =	sadd.s32 $0xFFFFFEF7, lr;
	s5 =	simm.s32 $0xFFFFFFFF;
	p2 =	slt.u32 s8, $0xFFFFF086  }
0x1c: {  	p1 =	slt.u32 s9, $0xF7A;
	s5 =	simm.s32 @!p2 $0x0  }
0x1d: {  	s5 =	simm.s32 @p1 $0x1;
	p0 =	seq.s32 s7, s2  }
0x1e: {  	s7 =	smul.u32 @!p0 $0xF7A, s2;
	p2 =	seq.s32 @!p0 s5, $0x0  }
0x1f: {  	s9 =	smul.u32 $0xF7A, s1;
	s8 =	simm.s32 @!p0 $0x1BF5;
	p2 =	por !p2, p0  }
0x20: {  	[sflag:s8] =	ssyncset.s32 @!p0 $0xFFFFF086;
	s6 =	sadd.s32 @!p0 s3, s7;
	s7 =	simm.s32 @!p0 $0x108  }
0x21: {  	s3 =	sadd.s32 s3, s9;
	s6 =	sadd.s32 @!p0 $0x88, s6;
	s7 =	simm.s32 @p2 $0x1082  }
0x22: {  	[simem:s7], [sflag:s8] =	dma.local @!p0 [hbm:s6], $0xF7A  }
0x23: {  	s9 =	sor.u32 $0xD0000000, s2;
	s6 =	simm.s32 $0x108;
	_ =	swait.ge @!p0 [sflag:s8], $0x0  }
0x24: {  	s3 =	sadd.s32 $0x88, s3;
	s6 =	simm.s32 @!p1 $0x1082;
	[sflag:s4] =	ssyncset.s32 $0xFFFFF086  }
0x25: {  	[simem:s6], [sflag:s4] =	dma.local [hbm:s3], $0xF7A  }
0x26: {  	[smem:$0x3F98] =	sst s1;
	(tag) =	ssettag s2;
	_ =	strace s9  }
0x27: {  	s1 =	sld [smem:$0x3FA8]  }
0x28: {  	s2 =	sld [smem:$0x3FA9]  }
0x29: {  	s4 =	sld [smem:$0x3FAB]  }
0x2a: {  	p0 =	seq.s32 s5, $0x0;
	s5 =	sld [smem:$0x3FAC]  }
0x2b: {  	s6 =	sld [smem:$0x3FAD]  }
0x2c: {  	s7 =	sld [smem:$0x3FAE]  }
0x2d: {  	s3 =	simm.s32 $0x108;
	s8 =	sld [smem:$0x3FAF]  }
0x2e: {  	s3 =	simm.s32 @!p0 $0x1082;
	s9 =	sld [smem:$0x3FB0]  }
0x2f: {  	lr =	sadd.s32 s0, s3;
	s0 =	sld [smem:$0x3FA7]  }
0x30: {  	s3 =	sld [smem:$0x3FAA]  }
0x31: {  	[smem:$0x3FB3] =	sst s10  }
0x32: {  	s10 =	sld [smem:$0x3FB1];
	_ =	sdelay $0x3  }
0x33: {  	p0 =	seq.s32 s10, $0x1;
	s10 =	sld [smem:$0x3FB3];
	_ =	sdelay $0x3  }
0x34: {  	[smem:$0x3FB3] =	sst s10  }
0x35: {  	s10 =	sld [smem:$0x3FB2];
	_ =	sdelay $0x3  }
0x36: {  	p1 =	seq.s32 s10, $0x1;
	s10 =	sld [smem:$0x3FB3];
	_ =	sdelay $0x3  }
0x37: {  	[smem:$0x3FB3] =	sst s10  }
0x38: {  	s10 =	sld [smem:$0x3FB4]  }
0x39: {  	_ = 	snop;
	(pc) =	sbr.ind lr, $3  }
0x3a: {  	_ = 	snop  }
0x3b: {  	_ = 	snop  }
0x3c: {  	p2 =	seq.s32 s10, $0x1;
	s10 =	sld [smem:$0x3FB3]  }
0x3d: {  	_ =	shalt  }
0x3e: {  	_ =	shalt  }
0x3f: {  	_ =	shalt  }
0x40: {  	_ =	shalt  }
0x41: {  	_ =	shalt  }
0x42: {  	_ =	shalt  }
0x43: {  	_ =	shalt  }
0x44: {  	_ =	shalt  }
0x45: {  	_ =	shalt  }
0x46: {  	_ =	shalt  }
0x47: {  	_ =	shalt  }
0x48: {  	_ =	shalt  }
0x49: {  	_ =	shalt  }
0x4a: {  	_ =	shalt  }
0x4b: {  	_ =	shalt  }
0x4c: {  	_ =	shalt  }
0x4d: {  	_ =	shalt  }
0x4e: {  	_ =	shalt  }
0x4f: {  	_ =	shalt  }
0x50: {  	_ =	shalt  }
0x51: {  	_ =	shalt  }
0x52: {  	_ =	shalt  }
0x53: {  	_ =	shalt  }
0x54: {  	_ =	shalt  }
0x55: {  	_ =	shalt  }
0x56: {  	_ =	shalt  }
0x57: {  	_ =	shalt  }
0x58: {  	_ =	shalt  }
0x59: {  	_ =	shalt  }
0x5a: {  	_ =	shalt  }
0x5b: {  	_ =	shalt  }
0x5c: {  	_ =	shalt  }
0x5d: {  	_ =	shalt  }
0x5e: {  	_ =	shalt  }
0x5f: {  	_ =	shalt  }
0x60: {  	_ =	shalt  }
0x61: {  	_ =	shalt  }
0x62: {  	_ =	shalt  }
0x63: {  	_ =	shalt  }
0x64: {  	_ =	shalt  }
0x65: {  	_ =	shalt  }
0x66: {  	_ =	shalt  }
0x67: {  	_ =	shalt  }
0x68: {  	_ =	shalt  }
0x69: {  	_ =	shalt  }
0x6a: {  	_ =	shalt  }
0x6b: {  	_ =	shalt  }
0x6c: {  	_ =	shalt  }
0x6d: {  	_ =	shalt  }
0x6e: {  	_ =	shalt  }
0x6f: {  	_ =	shalt  }
0x70: {  	_ =	shalt  }
0x71: {  	_ =	shalt  }
0x72: {  	_ =	shalt  }
0x73: {  	_ =	shalt  }
0x74: {  	_ =	shalt  }
0x75: {  	_ =	shalt  }
0x76: {  	_ =	shalt  }
0x77: {  	_ =	shalt  }
0x78: {  	_ =	shalt  }
0x79: {  	_ =	shalt  }
0x7a: {  	_ =	shalt  }
0x7b: {  	_ =	shalt  }
0x7c: {  	_ =	shalt  }
0x7d: {  	_ =	shalt  }
0x7e: {  	_ =	shalt  }
0x7f: {  	_ =	shalt  }
0x80: {  	_ =	shalt  }
0x81: {  	_ =	shalt  }
0x82: {  	_ =	shalt  }
0x83: {  	_ =	shalt  }
0x84: {  	_ =	shalt  }
0x85: {  	_ =	shalt  }
0x86: {  	_ =	shalt  }
0x87: {  	_ =	shalt  }
.Lfunc_end0:
.L_simem_size_0:
called_computation_lowered:
.L_overlay_start_0:
0x88: {  	s2 =	sld [smem:$0x3FD9]  }
0x89: {  	s3 =	sld [smem:$0x3FFE];
	_ =	sdelay $0x1  }
0x8a: {  	s1 =	srdreg.scid  }
0x8b: {  	s0 =	sand.u32 $0x1, s1  }
0x8c: {  	s17 =	sshll.u32 s0, $0xA;
	s2 =	sadd.s32 s3, s2  }
0x8d: {  	s2 =	sadd.s32 s2, s17  }
0x8e: {  	[smem:$0x3FBF] =	sst s2  }
0x8f: {  	_ = 	snop  }
0x90: {  	s2 =	sld [smem:$0x3FC9]  }
0x91: {  	s18 =	sld [smem:$0x3FC8]  }
0x92: {  	s4 =	sld [smem:$0x3FC7]  }
0x93: {  	s5 =	sld [smem:$0x3FD0];
	(tm) =	ssettm $0x1  }
0x94: {  	s6 =	sld [smem:$0x3FFB];
	_ =	sdelay $0x3  }
0x95: {  	_ =	strace s6  }
0x96: {  	s6 =	sld [smem:$0x3FFC];
	_ =	sdelay $0x3  }
0x97: {  	_ =	strace s6  }
0x98: {  	s6 =	sld [smem:$0x3FFD];
	_ =	sdelay $0x3  }
0x99: {  	_ =	strace s6  }
0x9a: {  	_ =	strace $0x8FFFFFFF  }
0x9b: {  	s19 =	sld [smem:$0x3FDB];
	_ =	sdelay $0x1  }
0x9c: {  	s7 =	simm.s32 $_scs_section_size  }
0x9d: {  	s8 =	simm.s32 $_size__tile_overlayer_lowered;
	s9 =	simm.s32 $_tile_overlayer_lowered  }
0x9e: {  	s22 =	simm.s32 $0x1BFF;
	s21 =	sshll.u32 s9, $0x1;
	s6 =	sadd.s32 s7, s19  }
0x9f: {  	s10 =	simm.s32 $0x0;
	s20 =	sshll.u32 s8, $0x1;
	s8 =	sadd.s32 s21, s6  }
0xa0: {  	[timem:s10], [sflag:s22] =	dma.local [hbm:s8], s20  }
0xa1: {  	_ =	swait.ge [sflag:s22], s20  }
0xa2: {  	s7 =	ssub.s32 $0x0, s20;
	[sflag:s22] =	ssyncset.done $0x0  }
0xa3: {  	[sflag:s22] =	ssyncadd.s32 s7;
	_ =	sdelay $0x1  }
0xa4: {  	s23 =	simm.s32 $0x1B8B  }
0xa5: {  	_ =	swait.ge [sflag:s23], $0x1  }
0xa6: {  	[sflag:s23] =	ssyncset.done $0x0  }
0xa7: {  	s25 =	simm.s32 $0x1B8E;
	s24 =	sld [smem:$0x3FFE];
	[sflag:s23] =	ssyncadd.s32 $0xFFFFFFFF  }
0xa8: {  	s26 =	simm.s32 $execute0_lowered;
	[smem:$0x3FD2] =	sst s25  }
0xa9: {  	s8 =	sshll.u32 s26, $0x1;
	_ =	strace $0x80000046;
	[dreg:$0x1] =	wrdreg $0xFFFFFFFF  }
0xaa: {  	s28 =	simm.s32 $_size_execute0_lowered;
	s6 =	sadd.s32 s6, s8;
	[dreg:$0x0] =	wrdreg $0x0  }
0xab: {  	s8 =	sshll.u32 s28, $0x1;
	[dreg:$0x2] =	wrdreg s6  }
0xac: {  	[dreg:$0x3] =	wrdreg s8  }
0xad: {  	[dreg:$0x4] =	wrdreg $0xC0  }
0xae: {  	_ =	task [dreg:s10], $0x5FFFF  }
0xaf: {  	[dreg:$0x1] =	wrdreg $0xFFFFFFFF  }
0xb0: {  	[dreg:$0x0] =	wrdreg $0x60  }
0xb1: {  	[dreg:$0x2] =	wrdreg s2  }
0xb2: {  	[dreg:$0x3] =	wrdreg s5  }
0xb3: {  	[dreg:$0x4] =	wrdreg s24  }
0xb4: {  	[dreg:$0x5] =	wrdreg s4  }
0xb5: {  	[dreg:$0x6] =	wrdreg s18  }
0xb6: {  	[dreg:$0x7] =	wrdreg $0x9  }
0xb7: {  	_ =	task.clear_ibuf [dreg:s10], $0x8FFFF;
	_ =	strace $0x90000046  }
0xb8: {  	s29 =	simm.s32 $0x9;
	_ =	strace $0x80000048  }
0xb9: {  	_ =	swait.ge [sflag:s29], $0x1  }
0xba: {  	[sflag:s29] =	ssyncadd.s32 $0xFFFFFFFF  }
0xbb: {  	_ =	strace $0x90000048  }
0xbc: {  	_ =	sfence  }
0xbd: {  	s30 =	sld [smem:$0x0];
	_ =	sdelay $0x2  }
0xbe: {  	s31 =	sshll.u32 s1, $0xD;
	s1 =	sshrl.u32 s1, $0x2  }
0xbf: {  	s3 =	sand.u32 $0x4000, s31;
	s1 =	sadd.s32 s1, s30  }
0xc0: {  	s0 =	sor.u32 s3, s0;
	s1 =	sshll.u32 s1, $0x11  }
0xc1: {  	s0 =	sor.u32 s1, s0  }
0xc2: {  	s0 =	sadd.s32 $0x8F2B, s0  }
0xc3: {  	[sflag:s0] =	ssyncadd.remote.s32 $0x1  }
0xc4: {  	_ =	sfence.sel $0xFFFF  }
0xc5: {  	[dreg:$0x0] =	wrdreg $0xFFFFFFFF;
	(pc) =	sbr.abs _section_cstart, $3  }
0xc6: {  	[dreg:$0x1] =	wrdreg $0xFFFFFFFF  }
0xc7: {  	_ =	task.clear_ibuf [dreg:s10], $0x2FFFF;
	_ =	strace $0x9FFFFFFF  }
0xc8: {  	(tm) =	ssettm $0x7FFFFFFF  }
0xc9: {  	_ =	shalt  }
tec
execute0_lowered:
.L_overlay_start_1:
0x0: {  	(tag) =	ssettag $0x1  }
0x1: {  	s0 =	rddreg [dreg:$0x0]  }
0x2: {  	s1 =	rddreg [dreg:$0x1]  }
0x3: {  	s5 =	rddreg [dreg:$0x2]  }
0x4: {  	s3 =	srdreg.scid;
	s4 =	stileid.u32  }
0x5: {  	s2 =	rddreg [dreg:$0x3];
	s13 =	simm.s32 $0x80;
	s15 =	simm.s32 $0x50  }
0x6: {  	s19 =	simm.s32 $0x1;
	s21 =	simm.s32 $0x3380;
	s22 =	simm.s32 $0xFB80  }
0x7: {  	s24 =	simm.s32 $0x2;
	s25 =	simm.s32 $0x3;
	s17 =	simm.s32 $0x9780  }
0x8: {  	s20 =	simm.s32 $0xAF80;
	s23 =	simm.s32 $0xC780;
	s28 =	simm.s32 $0xDF80  }
0x9: {  	s29 =	simm.s32 $0x4;
	s30 =	simm.s32 $0x5;
	s31 =	simm.s32 $0x0  }
0xa: {  	s6 =	sand.u32 $0x1, s3;
	s4 =	sshll.u32 s4, $0x1;
	s3 =	rddreg [dreg:$0x4]  }
0xb: {  	s7 =	sor.u32 s6, s4;
	s4 =	simm.s32 $0x0;
	s6 =	ssub.s32 $0x2, s6  }
0xc: {  	s8 =	smul.u32 $0x1F4, s7;
	[smem:$0x7FF] =	sst s4;
	s9 =	sshll.u32 s7, $0x8  }
0xd: {  	s10 =	smul.u32 $0xA00, s7;
	s11 =	sshrl.u32 s6, $0x1;
	s12 =	sshll.u32 s7, $0x1  }
0xe: {  	vm0 =	vmmov $0x3ff;
	s7 =	smul.u32 $0x14, s7;
	_ =	strace $0x80000047;
	s9 =	sadd.s32 s9, s5  }
0xf: {  	vm1 =	vmmov $0xf;
	vm2 =	vmmov $0x3fff;
	vm3 =	vmmov $0xff;
	s6 =	ssub.s32 s6, s11;
	s0 =	sadd.s32 s0, s12;
	s12 =	simm.s32 $0x6  }
0x10: {  	vm4 =	vmmov $0x3;
	vm5 =	vmmov $0xfff;
	vm6 =	vmmov $0x3f;
	s8 =	sadd.s32 s8, s5;
	s5 =	sadd.s32 s10, s5;
	[dreg:$0x6] =	wrdreg s0  }
0x11: {  	vm7 =	vmmov $0x1ff;
	vm8 =	vmmov $0x7ff;
	vm9 =	vmmov $0x1fff;
	s26 =	sadd.s32 s1, s7;
	s11 =	smax.u32 s6, $0x1;
	s0 =	simm.s32 $0x38  }
0x12: {  	vm10 =	vmmov $0x7fff;
	vm11 =	vmmov $0x1;
	vm12 =	vmmov $0x7;
	[dreg:$0x7] =	wrdreg s26;
	s7 =	sadd.s32 $0x1A00, s8;
	s8 =	sadd.s32 $0x2DA00, s9  }
0x13: {  	vm13 =	vmmov $0x1f;
	vm14 =	vmmov $0x7f;
	v0 =	vimm.s32 $0x0;
	s9 =	sadd.s32 $0x5A00, s5;
	s10 =	sadd.s32 $0x19A00, s5;
	s26 =	simm.s32 $0x30  }
.LBB2_1:
0x14: {  	s1 =	rddreg [dreg:$0x6]  }
0x15: {  	[tilespmem:s4], [sflag:$0x6] =	stream.linear.gather [hbm4b:s1+s4], $0x10, $0x38;
	[tilespmem:$0x14B80] =	vst v63  }
0x16: {  	_ =	swait.ge [sflag:s12], $0x10  }
0x17: {  	[sflag:s12] =	ssyncset.done $0x0  }
0x18: {  	s5 =	rddreg [dreg:$0x7];
	[sflag:s12] =	ssyncadd.s32 $0xFFFFFFF0  }
0x19: {  	[tilespmem:s13], [sflag:$0x6] =	stream.linear.gather [hbm4b:s5+s4], $0xA0, $0x38;
	[tilespmem:$0x14B80] =	vst v63  }
0x1a: {  	_ =	swait.ge [sflag:s12], $0xA0  }
0x1b: {  	[sflag:s12] =	ssyncset.done $0x0  }
0x1c: {  	s6 =	simm.s32 $0x280;
	[sflag:s12] =	ssyncadd.s32 $0xFFFFFF60  }
0x1d: {  	[tilespmem:s6], [sflag:$0x6] =	stream.linear.gather [hbm4b:s7+s4], $0xFA0, $0x38;
	[tilespmem:$0x14B80] =	vst v63  }
0x1e: {  	_ =	swait.ge [sflag:s12], $0xFA0  }
0x1f: {  	[sflag:s12] =	ssyncset.done $0x0  }
0x20: {  	[sflag:s12] =	ssyncadd.s32 $0xFFFFF060  }
0x21: {  	v1 =	vld [tilespmem:$0x0];
	_ =	sdelay $0x4  }
0x22: {  	v3 =	vbroadcast v1, $0x0;
	v4 =	vbroadcast v1, $0x1  }
0x23: {  	v5 =	vbroadcast v1, $0x2;
	v7 =	vbroadcast v1, $0x3  }
0x24: {  	v33 =	vbroadcast v1, $0x4;
	v34 =	vbroadcast v1, $0x5  }
0x25: {  	v10 =	vbroadcast v1, $0x6;
	v37 =	vbroadcast v1, $0x7  }
0x26: {  	v38 =	vbroadcast v1, $0x8;
	v11 =	vbroadcast v1, $0x9  }
0x27: {  	v39 =	vbroadcast v1, $0xA;
	v41 =	vbroadcast v1, $0xB  }
0x28: {  	v2 =	vld [tilespmem:$0x80];
	v45 =	vbroadcast v1, $0xC;
	v46 =	vbroadcast v1, $0xD  }
0x29: {  	v50 =	vld [tilespmem:$0x110];
	v49 =	vbroadcast v1, $0xE;
	v1 =	vbroadcast v1, $0xF  }
0x2a: {  	v6 =	vld [tilespmem:$0x90];
	v3 =	vsel vm0, v3, v4  }
0x2b: {  	v8 =	vld [tilespmem:$0xA0];
	v4 =	vsel vm1, v4, v5;
	v40 =	vsel vm0, v38, v11;
	v1 =	vsel vm6, v49, v1  }
0x2c: {  	v9 =	vld [tilespmem:$0xB0];
	v43 =	vsel vm1, v11, v39;
	v3 =	vshll.u32 v3, $0x7;
	v1 =	vshll.u32 v1, $0x7  }
0x2d: {  	v36 =	vld [tilespmem:$0xC0];
	v2 =	vadd.s32 v2, v3;
	v3 =	vsel vm2, v4, v7;
	v7 =	vsel vm3, v7, v33  }
0x2e: {  	v12 =	vld [tilespmem:$0xD0];
	v4 =	vsel vm4, v33, v34;
	v1 =	vadd.s32 v1, v50;
	v3 =	vshll.u32 v3, $0x7;
	[tilespmem:$0x180] =	vst v2  }
0x2f: {  	v42 =	vld [tilespmem:$0xE0];
	v35 =	vshll.u32 v7, $0x7;
	v4 =	vsel vm5, v4, v10;
	[tilespmem:$0x210] =	vst v1;
	v3 =	vadd.s32 v6, v3  }
0x30: {  	v44 =	vld [tilespmem:$0xF0];
	v7 =	vsel vm6, v10, v37;
	v6 =	vadd.s32 v35, v8;
	v4 =	vshll.u32 v4, $0x7;
	[tilespmem:$0x190] =	vst v3  }
0x31: {  	v47 =	vld [tilespmem:$0x100];
	v5 =	vsel vm2, v43, v41;
	v2 =	vshll.u32 v7, $0x7;
	v4 =	vadd.s32 v4, v9;
	[tilespmem:$0x1A0] =	vst v6  }
0x32: {  	v48 =	vshll.u32 v5, $0x7;
	v2 =	vadd.s32 v2, v36;
	v3 =	vshll.u32 v40, $0x7;
	[tilespmem:$0x1B0] =	vst v4  }
0x33: {  	v6 =	vsel vm4, v45, v46;
	v3 =	vadd.s32 v3, v12;
	[tilespmem:$0x1C0] =	vst v2;
	v2 =	vsel vm3, v41, v45  }
0x34: {  	v51 =	vsel vm5, v6, v49;
	[tilespmem:$0x1D0] =	vst v3;
	v3 =	vadd.s32 v48, v42;
	v2 =	vshll.u32 v2, $0x7  }
0x35: {  	[tilespmem:$0x1E0] =	vst v3;
	v2 =	vadd.s32 v2, v44;
	v3 =	vshll.u32 v51, $0x7  }
0x36: {  	[tilespmem:$0x1F0] =	vst v2;
	v2 =	vadd.s32 v3, v47  }
0x37: {  	s1 =	simm.s32 $0x1280;
	s5 =	simm.s32 $0x180;
	[tilespmem:$0x200] =	vst v2  }
0x38: {  	[tilespmem:s1], [sflag:$0x1] =	stream.indirect.gather [hbm4b:s2+s15], $0x1, s5, s15, $0xb8;
	[tilespmem:$0x14B80] =	vst v63  }
0x39: {  	s14 =	simm.s32 $0x1D0;
	s6 =	simm.s32 $0x12D0  }
0x3a: {  	[tilespmem:s6], [sflag:$0x1] =	stream.indirect.gather [hbm4b:s2+s15], $0x1, s14, s15, $0xb8;
	[tilespmem:$0x14B80] =	vst v63  }
0x3b: {  	_ =	swait.ge [sflag:s19], $0x50  }
0x3c: {  	[sflag:s19] =	ssyncset.done $0x0  }
0x3d: {  	[sflag:s19] =	ssyncadd.s32 $0xFFFFFFB0  }
0x3e: {  	_ =	swait.ge [sflag:s19], $0x50  }
0x3f: {  	[sflag:s19] =	ssyncset.done $0x0  }
0x40: {  	s16 =	simm.s32 $0x10;
	[sflag:s19] =	ssyncadd.s32 $0xFFFFFFB0  }
0x41: {  	[tilespmem:s21], [sflag:$0x2] =	stream.indirect.gather [hbm4b:s3+s16], $0x80, s4, s16, $0xb8;
	[tilespmem:$0x14B80] =	vst v63  }
0x42: {  	_ = 	snop  }
0x43: {  	[tilespmem:s22], [sflag:$0x3] =	stream.indirect.gather [hbm4b:s3+s15], $0x80, s1, s15, $0xb8;
	[tilespmem:$0x14B80] =	vst v63  }
0x44: {  	s18 =	simm.s32 $0x12380  }
0x45: {  	[tilespmem:s18], [sflag:$0x3] =	stream.indirect.gather [hbm4b:s3+s15], $0x80, s6, s15, $0xb8;
	[tilespmem:$0x14B80] =	vst v63  }
0x46: {  	v1 =	vld [tilespmem:s1+$0x0];
	_ =	sdelay $0x1  }
0x47: {  	s14 =	simm.s32 $0x340  }
0x48: {  	v2 =	vld [tilespmem:s14+$0xFFFFFF40];
	_ =	sdelay $0x1  }
0x49: {  	v3 =	vbroadcast v1, $0x0;
	_ =	sdelay $0x1  }
0x4a: {  	v52 =	vshll.u32 v3, $0x7  }
0x4b: {  	s16 =	simm.s32 $0x1440;
	v2 =	vadd.s32 v2, v52  }
0x4c: {  	[tilespmem:s16+$0xFFFFFF40] =	vst v2  }
0x4d: {  	v2 =	vld [tilespmem:s14+$0xFFFFFF50]  }
0x4e: {  	v53 =	vbroadcast v1, $0x1;
	_ =	sdelay $0x1  }
0x4f: {  	v3 =	vsel vm7, v3, v53  }
0x50: {  	v3 =	vshll.u32 v3, $0x7  }
0x51: {  	v2 =	vadd.s32 v2, v3  }
0x52: {  	[tilespmem:s16+$0xFFFFFF50] =	vst v2  }
0x53: {  	v2 =	vld [tilespmem:s14+$0xFFFFFF60];
	_ =	sdelay $0x3  }
0x54: {  	v3 =	vshll.u32 v53, $0x7  }
0x55: {  	v2 =	vadd.s32 v3, v2  }
0x56: {  	[tilespmem:s16+$0xFFFFFF60] =	vst v2  }
0x57: {  	v2 =	vld [tilespmem:s14+$0xFFFFFF70]  }
0x58: {  	v3 =	vbroadcast v1, $0x2;
	_ =	sdelay $0x1  }
0x59: {  	v4 =	vsel vm4, v53, v3  }
0x5a: {  	v4 =	vshll.u32 v4, $0x7  }
0x5b: {  	v2 =	vadd.s32 v4, v2  }
0x5c: {  	[tilespmem:s16+$0xFFFFFF70] =	vst v2  }
0x5d: {  	v2 =	vld [tilespmem:s14+$0xFFFFFF80]  }
0x5e: {  	v54 =	vbroadcast v1, $0x3;
	_ =	sdelay $0x1  }
0x5f: {  	v3 =	vsel vm8, v3, v54  }
0x60: {  	v3 =	vshll.u32 v3, $0x7  }
0x61: {  	v2 =	vadd.s32 v3, v2  }
0x62: {  	[tilespmem:s16+$0xFFFFFF80] =	vst v2  }
0x63: {  	v2 =	vld [tilespmem:s14+$0xFFFFFF90];
	_ =	sdelay $0x3  }
0x64: {  	v3 =	vshll.u32 v54, $0x7  }
0x65: {  	v2 =	vadd.s32 v3, v2  }
0x66: {  	[tilespmem:s16+$0xFFFFFF90] =	vst v2  }
0x67: {  	v2 =	vld [tilespmem:s14+$0xFFFFFFA0]  }
0x68: {  	v3 =	vbroadcast v1, $0x4;
	_ =	sdelay $0x1  }
0x69: {  	v4 =	vsel vm1, v54, v3  }
0x6a: {  	v4 =	vshll.u32 v4, $0x7  }
0x6b: {  	v2 =	vadd.s32 v4, v2  }
0x6c: {  	[tilespmem:s16+$0xFFFFFFA0] =	vst v2  }
0x6d: {  	v2 =	vld [tilespmem:s14+$0xFFFFFFB0]  }
0x6e: {  	v55 =	vbroadcast v1, $0x5;
	_ =	sdelay $0x1  }
0x6f: {  	v3 =	vsel vm9, v3, v55  }
0x70: {  	v3 =	vshll.u32 v3, $0x7  }
0x71: {  	v2 =	vadd.s32 v3, v2  }
0x72: {  	s5 =	sand.u32 $0x1FF0, s4;
	[tilespmem:s16+$0xFFFFFFB0] =	vst v2  }
0x73: {  	v2 =	vld [tilespmem:s5+$0x300];
	_ =	sdelay $0x3  }
0x74: {  	v3 =	vshll.u32 v55, $0x7  }
0x75: {  	v2 =	vadd.s32 v3, v2  }
0x76: {  	[tilespmem:s5+$0x1400] =	vst v2  }
0x77: {  	v2 =	vld [tilespmem:s14+$0xFFFFFFD0]  }
0x78: {  	v3 =	vbroadcast v1, $0x6;
	_ =	sdelay $0x1  }
0x79: {  	v4 =	vsel vm6, v55, v3  }
0x7a: {  	v4 =	vshll.u32 v4, $0x7  }
0x7b: {  	v2 =	vadd.s32 v4, v2  }
0x7c: {  	[tilespmem:s16+$0xFFFFFFD0] =	vst v2  }
0x7d: {  	v2 =	vld [tilespmem:s14+$0xFFFFFFE0]  }
0x7e: {  	v56 =	vbroadcast v1, $0x7;
	_ =	sdelay $0x1  }
0x7f: {  	v3 =	vsel vm10, v3, v56  }
0x80: {  	v3 =	vshll.u32 v3, $0x7  }
0x81: {  	v2 =	vadd.s32 v3, v2  }
0x82: {  	[tilespmem:s16+$0xFFFFFFE0] =	vst v2  }
0x83: {  	v2 =	vld [tilespmem:s14+$0xFFFFFFF0];
	_ =	sdelay $0x3  }
0x84: {  	v3 =	vshll.u32 v56, $0x7  }
0x85: {  	v2 =	vadd.s32 v3, v2  }
0x86: {  	[tilespmem:s16+$0xFFFFFFF0] =	vst v2  }
0x87: {  	v2 =	vld [tilespmem:s14+$0x0]  }
0x88: {  	v3 =	vbroadcast v1, $0x8;
	_ =	sdelay $0x1  }
0x89: {  	v4 =	vsel vm3, v56, v3  }
0x8a: {  	v4 =	vshll.u32 v4, $0x7  }
0x8b: {  	v2 =	vadd.s32 v4, v2  }
0x8c: {  	[tilespmem:s16+$0x0] =	vst v2  }
0x8d: {  	v2 =	vld [tilespmem:s14+$0x10];
	_ =	sdelay $0x3  }
0x8e: {  	v57 =	vshll.u32 v3, $0x7  }
0x8f: {  	v2 =	vadd.s32 v57, v2  }
0x90: {  	[tilespmem:s16+$0x10] =	vst v2  }
0x91: {  	v2 =	vld [tilespmem:s14+$0x20]  }
0x92: {  	v58 =	vbroadcast v1, $0x9;
	_ =	sdelay $0x1  }
0x93: {  	v3 =	vsel vm11, v3, v58  }
0x94: {  	v3 =	vshll.u32 v3, $0x7  }
0x95: {  	v2 =	vadd.s32 v3, v2  }
0x96: {  	[tilespmem:s16+$0x20] =	vst v2  }
0x97: {  	v2 =	vld [tilespmem:s14+$0x30]  }
0x98: {  	v3 =	vbroadcast v1, $0xA;
	_ =	sdelay $0x1  }
0x99: {  	v4 =	vsel vm0, v58, v3  }
0x9a: {  	v4 =	vshll.u32 v4, $0x7  }
0x9b: {  	v2 =	vadd.s32 v4, v2  }
0x9c: {  	[tilespmem:s16+$0x30] =	vst v2  }
0x9d: {  	v2 =	vld [tilespmem:s5+$0x380];
	_ =	sdelay $0x3  }
0x9e: {  	v59 =	vshll.u32 v3, $0x7  }
0x9f: {  	v2 =	vadd.s32 v59, v2  }
0xa0: {  	[tilespmem:s5+$0x1480] =	vst v2  }
0xa1: {  	v2 =	vld [tilespmem:s14+$0x50]  }
0xa2: {  	v60 =	vbroadcast v1, $0xB;
	_ =	sdelay $0x1  }
0xa3: {  	v3 =	vsel vm12, v3, v60  }
0xa4: {  	v3 =	vshll.u32 v3, $0x7  }
0xa5: {  	v2 =	vadd.s32 v3, v2  }
0xa6: {  	[tilespmem:s16+$0x50] =	vst v2  }
0xa7: {  	v2 =	vld [tilespmem:s14+$0x60]  }
0xa8: {  	v3 =	vbroadcast v1, $0xC;
	_ =	sdelay $0x1  }
0xa9: {  	v4 =	vsel vm5, v60, v3  }
0xaa: {  	v4 =	vshll.u32 v4, $0x7  }
0xab: {  	v2 =	vadd.s32 v4, v2  }
0xac: {  	[tilespmem:s16+$0x60] =	vst v2  }
0xad: {  	v2 =	vld [tilespmem:s14+$0x70];
	_ =	sdelay $0x3  }
0xae: {  	v61 =	vshll.u32 v3, $0x7  }
0xaf: {  	v2 =	vadd.s32 v61, v2  }
0xb0: {  	[tilespmem:s16+$0x70] =	vst v2  }
0xb1: {  	v2 =	vld [tilespmem:s14+$0x80]  }
0xb2: {  	v62 =	vbroadcast v1, $0xD;
	_ =	sdelay $0x1  }
0xb3: {  	v3 =	vsel vm13, v3, v62  }
0xb4: {  	v3 =	vshll.u32 v3, $0x7  }
0xb5: {  	v2 =	vadd.s32 v3, v2  }
0xb6: {  	[tilespmem:s16+$0x80] =	vst v2  }
0xb7: {  	v2 =	vld [tilespmem:s14+$0x90]  }
0xb8: {  	v3 =	vbroadcast v1, $0xE;
	_ =	sdelay $0x1  }
0xb9: {  	v4 =	vsel vm2, v62, v3  }
0xba: {  	v4 =	vshll.u32 v4, $0x7  }
0xbb: {  	v2 =	vadd.s32 v4, v2  }
0xbc: {  	[tilespmem:s16+$0x90] =	vst v2  }
0xbd: {  	v2 =	vld [tilespmem:s14+$0xA0];
	_ =	sdelay $0x3  }
0xbe: {  	v63 =	vshll.u32 v3, $0x7  }
0xbf: {  	v2 =	vadd.s32 v63, v2  }
0xc0: {  	[tilespmem:s16+$0xA0] =	vst v2  }
0xc1: {  	v2 =	vld [tilespmem:s14+$0xB0]  }
0xc2: {  	v1 =	vbroadcast v1, $0xF;
	_ =	sdelay $0x1  }
0xc3: {  	v3 =	vsel vm14, v3, v1  }
0xc4: {  	v3 =	vshll.u32 v3, $0x7  }
0xc5: {  	v2 =	vadd.s32 v3, v2  }
0xc6: {  	[tilespmem:s16+$0xB0] =	vst v2  }
0xc7: {  	v2 =	vld [tilespmem:s5+$0x400];
	_ =	sdelay $0x3  }
0xc8: {  	v1 =	vshll.u32 v1, $0x7  }
0xc9: {  	s18 =	simm.s32 $0x190;
	v1 =	vadd.s32 v1, v2  }
.LBB2_2:
0xca: {  	[tilespmem:s5+$0x1500] =	vst v1;
	s1 =	sadd.s32 $0x10, s1;
	s16 =	sadd.s32 $0x190, s16;
	s14 =	sadd.s32 $0x190, s14  }
0xcb: {  	p0 =	sne.s32 s18, $0xE10;
	s5 =	smov.u32 s18;
	s18 =	sadd.s32 $0x190, s18;
	v2 =	vld [tilespmem:s1+$0x0]  }
0xcc: {  	_ =	sdelay $0x1  }
0xcd: {  	v3 =	vld [tilespmem:s14+$0xFFFFFF40];
	_ =	sdelay $0x1  }
0xce: {  	v4 =	vbroadcast v2, $0x0;
	v5 =	vbroadcast v2, $0xA  }
0xcf: {  	v6 =	vbroadcast v2, $0x2;
	v1 =	vbroadcast v2, $0xF  }
0xd0: {  	v15 =	vbroadcast v2, $0x3;
	v16 =	vbroadcast v2, $0x4;
	v7 =	vshll.u32 v4, $0x7  }
0xd1: {  	v17 =	vbroadcast v2, $0x1;
	v3 =	vadd.s32 v3, v7;
	v7 =	vbroadcast v2, $0x9  }
0xd2: {  	v19 =	vbroadcast v2, $0x5;
	v18 =	vsel vm8, v6, v15;
	[tilespmem:s16+$0xFFFFFF40] =	vst v3;
	v3 =	vbroadcast v2, $0x6  }
0xd3: {  	v14 =	vbroadcast v2, $0x7;
	v12 =	vbroadcast v2, $0x8;
	v4 =	vsel vm7, v4, v17;
	v8 =	vld [tilespmem:s14+$0xFFFFFF50]  }
0xd4: {  	v20 =	vsel vm4, v17, v6;
	v21 =	vsel vm9, v16, v19;
	v22 =	vsel vm6, v19, v3  }
0xd5: {  	v13 =	vsel vm3, v14, v12;
	v11 =	vsel vm11, v12, v7;
	v23 =	vsel vm10, v3, v14  }
0xd6: {  	v6 =	vbroadcast v2, $0xC;
	v10 =	vsel vm0, v7, v5;
	v7 =	vbroadcast v2, $0xB  }
0xd7: {  	v24 =	vbroadcast v2, $0xD;
	v4 =	vshll.u32 v4, $0x7;
	v3 =	vbroadcast v2, $0xE  }
0xd8: {  	v9 =	vsel vm12, v5, v7;
	v2 =	vadd.s32 v8, v4;
	v8 =	vsel vm5, v7, v6  }
0xd9: {  	v7 =	vsel vm13, v6, v24;
	v4 =	vsel vm2, v24, v3;
	[tilespmem:s16+$0xFFFFFF50] =	vst v2;
	v2 =	vsel vm14, v3, v1  }
0xda: {  	v16 =	vsel vm1, v15, v16;
	v24 =	vld [tilespmem:s14+$0xFFFFFF60];
	_ =	sdelay $0x3  }
0xdb: {  	v17 =	vshll.u32 v17, $0x7  }
0xdc: {  	v17 =	vadd.s32 v17, v24  }
0xdd: {  	[tilespmem:s16+$0xFFFFFF60] =	vst v17  }
0xde: {  	v17 =	vld [tilespmem:s14+$0xFFFFFF70];
	_ =	sdelay $0x3  }
0xdf: {  	v20 =	vshll.u32 v20, $0x7  }
0xe0: {  	v17 =	vadd.s32 v20, v17  }
0xe1: {  	[tilespmem:s16+$0xFFFFFF70] =	vst v17  }
0xe2: {  	v17 =	vld [tilespmem:s14+$0xFFFFFF80];
	_ =	sdelay $0x3  }
0xe3: {  	v18 =	vshll.u32 v18, $0x7  }
0xe4: {  	v17 =	vadd.s32 v18, v17  }
0xe5: {  	[tilespmem:s16+$0xFFFFFF80] =	vst v17  }
0xe6: {  	v17 =	vld [tilespmem:s14+$0xFFFFFF90];
	_ =	sdelay $0x3  }
0xe7: {  	v15 =	vshll.u32 v15, $0x7  }
0xe8: {  	v15 =	vadd.s32 v15, v17  }
0xe9: {  	[tilespmem:s16+$0xFFFFFF90] =	vst v15  }
0xea: {  	v15 =	vld [tilespmem:s14+$0xFFFFFFA0];
	_ =	sdelay $0x3  }
0xeb: {  	v16 =	vshll.u32 v16, $0x7  }
0xec: {  	v15 =	vadd.s32 v16, v15  }
0xed: {  	[tilespmem:s16+$0xFFFFFFA0] =	vst v15  }
0xee: {  	v15 =	vld [tilespmem:s14+$0xFFFFFFB0];
	_ =	sdelay $0x3  }
0xef: {  	v16 =	vshll.u32 v21, $0x7  }
0xf0: {  	v15 =	vadd.s32 v16, v15  }
0xf1: {  	s5 =	sand.u32 $0x1FF0, s5;
	[tilespmem:s16+$0xFFFFFFB0] =	vst v15  }
0xf2: {  	v15 =	vld [tilespmem:s5+$0x300];
	_ =	sdelay $0x3  }
0xf3: {  	v16 =	vshll.u32 v19, $0x7  }
0xf4: {  	v15 =	vadd.s32 v16, v15  }
0xf5: {  	[tilespmem:s5+$0x1400] =	vst v15  }
0xf6: {  	v15 =	vld [tilespmem:s14+$0xFFFFFFD0];
	_ =	sdelay $0x3  }
0xf7: {  	v16 =	vshll.u32 v22, $0x7  }
0xf8: {  	v15 =	vadd.s32 v16, v15  }
0xf9: {  	[tilespmem:s16+$0xFFFFFFD0] =	vst v15  }
0xfa: {  	v15 =	vld [tilespmem:s14+$0xFFFFFFE0];
	_ =	sdelay $0x3  }
0xfb: {  	v16 =	vshll.u32 v23, $0x7  }
0xfc: {  	v15 =	vadd.s32 v16, v15  }
0xfd: {  	[tilespmem:s16+$0xFFFFFFE0] =	vst v15  }
0xfe: {  	v15 =	vld [tilespmem:s14+$0xFFFFFFF0];
	_ =	sdelay $0x3  }
0xff: {  	v14 =	vshll.u32 v14, $0x7  }
0x100: {  	v14 =	vadd.s32 v14, v15  }
0x101: {  	[tilespmem:s16+$0xFFFFFFF0] =	vst v14  }
0x102: {  	v14 =	vld [tilespmem:s14+$0x0];
	_ =	sdelay $0x3  }
0x103: {  	v13 =	vshll.u32 v13, $0x7  }
0x104: {  	v13 =	vadd.s32 v13, v14  }
0x105: {  	[tilespmem:s16+$0x0] =	vst v13  }
0x106: {  	v13 =	vld [tilespmem:s14+$0x10];
	_ =	sdelay $0x3  }
0x107: {  	v12 =	vshll.u32 v12, $0x7  }
0x108: {  	v12 =	vadd.s32 v12, v13  }
0x109: {  	[tilespmem:s16+$0x10] =	vst v12  }
0x10a: {  	v12 =	vld [tilespmem:s14+$0x20];
	_ =	sdelay $0x3  }
0x10b: {  	v11 =	vshll.u32 v11, $0x7  }
0x10c: {  	v11 =	vadd.s32 v11, v12  }
0x10d: {  	[tilespmem:s16+$0x20] =	vst v11  }
0x10e: {  	v11 =	vld [tilespmem:s14+$0x30];
	_ =	sdelay $0x3  }
0x10f: {  	v10 =	vshll.u32 v10, $0x7  }
0x110: {  	v10 =	vadd.s32 v10, v11  }
0x111: {  	[tilespmem:s16+$0x30] =	vst v10  }
0x112: {  	v10 =	vld [tilespmem:s5+$0x380];
	_ =	sdelay $0x3  }
0x113: {  	v5 =	vshll.u32 v5, $0x7  }
0x114: {  	v5 =	vadd.s32 v5, v10  }
0x115: {  	[tilespmem:s5+$0x1480] =	vst v5  }
0x116: {  	v5 =	vld [tilespmem:s14+$0x50];
	_ =	sdelay $0x3  }
0x117: {  	v9 =	vshll.u32 v9, $0x7  }
0x118: {  	v5 =	vadd.s32 v9, v5  }
0x119: {  	[tilespmem:s16+$0x50] =	vst v5  }
0x11a: {  	v5 =	vld [tilespmem:s14+$0x60];
	_ =	sdelay $0x3  }
0x11b: {  	v8 =	vshll.u32 v8, $0x7  }
0x11c: {  	v5 =	vadd.s32 v8, v5  }
0x11d: {  	[tilespmem:s16+$0x60] =	vst v5  }
0x11e: {  	v5 =	vld [tilespmem:s14+$0x70];
	_ =	sdelay $0x3  }
0x11f: {  	v6 =	vshll.u32 v6, $0x7  }
0x120: {  	v5 =	vadd.s32 v6, v5  }
0x121: {  	[tilespmem:s16+$0x70] =	vst v5  }
0x122: {  	v5 =	vld [tilespmem:s14+$0x80];
	_ =	sdelay $0x3  }
0x123: {  	v6 =	vshll.u32 v7, $0x7  }
0x124: {  	v5 =	vadd.s32 v6, v5  }
0x125: {  	[tilespmem:s16+$0x80] =	vst v5  }
0x126: {  	v5 =	vld [tilespmem:s14+$0x90];
	_ =	sdelay $0x3  }
0x127: {  	v4 =	vshll.u32 v4, $0x7  }
0x128: {  	v4 =	vadd.s32 v4, v5  }
0x129: {  	[tilespmem:s16+$0x90] =	vst v4  }
0x12a: {  	v4 =	vld [tilespmem:s14+$0xA0];
	_ =	sdelay $0x3  }
0x12b: {  	v3 =	vshll.u32 v3, $0x7  }
0x12c: {  	v3 =	vadd.s32 v3, v4  }
0x12d: {  	[tilespmem:s16+$0xA0] =	vst v3  }
0x12e: {  	v3 =	vld [tilespmem:s14+$0xB0];
	_ =	sdelay $0x3  }
0x12f: {  	v2 =	vshll.u32 v2, $0x7  }
0x130: {  	v2 =	vadd.s32 v2, v3  }
0x131: {  	[tilespmem:s16+$0xB0] =	vst v2  }
0x132: {  	v2 =	vld [tilespmem:s5+$0x400]  }
.Ltmp0:
0x133: {  	(pc) =	sbr.rel @p0 .LBB2_2-.Ltmp0, $3  }
0x134: {  	_ =	sdelay $0x1  }
0x135: {  	v1 =	vshll.u32 v1, $0x7  }
0x136: {  	v1 =	vadd.s32 v1, v2  }
0x137: {  	[tilespmem:s5+$0x1500] =	vst v1  }
0x138: {  	[tilespmem:$0x2320] =	vst v0  }
0x139: {  	[tilespmem:$0x2330] =	vst v0  }
0x13a: {  	[tilespmem:$0x2340] =	vst v0  }
0x13b: {  	[tilespmem:$0x2350] =	vst v0  }
0x13c: {  	[tilespmem:$0x2360] =	vst v0  }
0x13d: {  	s1 =	simm.s32 $0x200;
	s5 =	simm.s32 $0x2380;
	s6 =	simm.s32 $0x1380;
	[tilespmem:$0x2370] =	vst v0  }
.LBB2_4:
0x13e: {  	[tilespmem:s5], [sflag:$0x1] =	stream.indirect.gather [hbm4b:s2+s13], $0x1, s6, s13, $0xb8;
	[tilespmem:$0x14B80] =	vst v63  }
0x13f: {  	s5 =	smov.u32 s1;
	p0 =	sne.s32 s1, $0x3E00  }
.Ltmp1:
0x140: {  	s1 =	sadd.s32 $0x200, s1;
	(pc) =	sbr.rel @p0 .LBB2_4-.Ltmp1, $3  }
0x141: {  	_ =	sdelay $0x1  }
0x142: {  	s6 =	sshra.s32 s5, $0x2  }
0x143: {  	s5 =	sadd.s32 $0x2380, s6;
	s6 =	sadd.s32 $0x1380, s6  }
0x144: {  	[tilespmem:s5], [sflag:$0x1] =	stream.indirect.gather [hbm4b:s2+s13], $0x1, s6, s13, $0xb8;
	[tilespmem:$0x14B80] =	vst v63  }
0x145: {  	_ =	swait.ge [sflag:s19], $0x1000  }
0x146: {  	[sflag:s19] =	ssyncset.done $0x0  }
0x147: {  	[sflag:s19] =	ssyncadd.s32 $0xFFFFF000  }
0x148: {  	_ =	swait.ge [sflag:s24], $0x800  }
0x149: {  	[sflag:s24] =	ssyncset.done $0x0  }
0x14a: {  	s1 =	simm.s32 $0x0;
	[sflag:s24] =	ssyncadd.s32 $0xFFFFF800  }
0x14b: {  	[hbm4b:s8+s1] =	stream.linear.scatter [tilespmem:s21], [sflag:$0x6], $0x800, $0x38;
	[tilespmem:$0x14B80] =	vst v63  }
0x14c: {  	_ =	swait.ge [sflag:s12], $0x800  }
0x14d: {  	[sflag:s12] =	ssyncset.done $0x0  }
0x14e: {  	[sflag:s12] =	ssyncadd.s32 $0xFFFFF800  }
0x14f: {  	_ =	swait.ge [sflag:s25], $0x2800  }
0x150: {  	[sflag:s25] =	ssyncset.done $0x0  }
0x151: {  	[sflag:s25] =	ssyncadd.s32 $0xFFFFD800  }
0x152: {  	_ =	swait.ge [sflag:s25], $0x2800  }
0x153: {  	[sflag:s25] =	ssyncset.done $0x0  }
0x154: {  	[sflag:s25] =	ssyncadd.s32 $0xFFFFD800  }
0x155: {  	[hbm4b:s9+s1] =	stream.linear.scatter [tilespmem:s22], [sflag:$0x6], $0x5000, $0x38;
	[tilespmem:$0x14B80] =	vst v63  }
0x156: {  	_ =	swait.ge [sflag:s12], $0x5000  }
0x157: {  	[sflag:s12] =	ssyncset.done $0x0  }
0x158: {  	s14 =	simm.s32 $0x2380;
	[sflag:s12] =	ssyncadd.s32 $0xFFFFB000  }
0x159: {  	[tilespmem:s21], [sflag:$0x4] =	stream.indirect.gather [hbm4b:s3+s26], $0x80, s14, s26, $0xb8;
	[tilespmem:$0x14B80] =	vst v63  }
0x15a: {  	s16 =	simm.s32 $0x23B0;
	s18 =	simm.s32 $0x4B80  }
0x15b: {  	[tilespmem:s18], [sflag:$0x4] =	stream.indirect.gather [hbm4b:s3+s26], $0x80, s16, s26, $0xb8;
	[tilespmem:$0x14B80] =	vst v63  }
0x15c: {  	s6 =	simm.s32 $0x23E0;
	s14 =	simm.s32 $0x6380  }
0x15d: {  	[tilespmem:s14], [sflag:$0x4] =	stream.indirect.gather [hbm4b:s3+s26], $0x80, s6, s26, $0xb8;
	[tilespmem:$0x14B80] =	vst v63  }
0x15e: {  	s16 =	simm.s32 $0x2410;
	s18 =	simm.s32 $0x7B80  }
0x15f: {  	[tilespmem:s18], [sflag:$0x4] =	stream.indirect.gather [hbm4b:s3+s0], $0x80, s16, s0, $0xb8;
	[tilespmem:$0x14B80] =	vst v63  }
.LBB2_6:
0x160: {  	s5 =	sshllo.u32 s1, $0x1  }
0x161: {  	s6 =	smul.u32 $0x320, s5;
	_ =	sdelay $0x1  }
0x162: {  	s6 =	sshra.s32 s6, $0x2  }
0x163: {  	s14 =	sadd.s32 $0x2380, s6  }
0x164: {  	[tilespmem:s17], [sflag:$0x5] =	stream.indirect.gather [hbm4b:s3+s26], $0x80, s14, s26, $0xb8;
	[tilespmem:$0x14B80] =	vst v63  }
0x165: {  	s18 =	sadd.s32 $0x23B0, s6  }
0x166: {  	[tilespmem:s20], [sflag:$0x5] =	stream.indirect.gather [hbm4b:s3+s26], $0x80, s18, s26, $0xb8;
	[tilespmem:$0x14B80] =	vst v63  }
0x167: {  	s16 =	sadd.s32 $0x23E0, s6  }
0x168: {  	[tilespmem:s23], [sflag:$0x5] =	stream.indirect.gather [hbm4b:s3+s26], $0x80, s16, s26, $0xb8;
	[tilespmem:$0x14B80] =	vst v63  }
0x169: {  	s6 =	sadd.s32 $0x2410, s6;
	s18 =	sshll.u32 s1, $0xB  }
0x16a: {  	[tilespmem:s28], [sflag:$0x5] =	stream.indirect.gather [hbm4b:s3+s0], $0x80, s6, s0, $0xb8;
	[tilespmem:$0x14B80] =	vst v63  }
0x16b: {  	s6 =	sand.u32 $0x3FFFF800, s18;
	_ =	swait.ge [sflag:s29], $0x6400  }
0x16c: {  	s6 =	sadd.s32 $0xFB80, s6;
	[sflag:s29] =	ssyncset.done $0x0  }
0x16d: {  	s14 =	simm.s32 $0x34C0;
	s16 =	simm.s32 $0x0;
	v1 =	vmov s6;
	[sflag:s29] =	ssyncadd.s32 $0xFFFF9C00  }
.LBB2_7:
0x16e: {  	v4 =	vmov s14;
	_ =	sdelay $0x3  }
0x16f: {  	s18 =	simm.s32 $0x0  }
0x170: {  	v7 =	vld.idx.msk [tilespmem:v4+s18+$0xC0 ss:$0x1], $0xffff  }
0x171: {  	v8 =	vld.idx.msk [tilespmem:v4+s18+$0xD0 ss:$0x1], $0xffff  }
0x172: {  	v9 =	vld.idx.msk [tilespmem:v4+s18+$0xE0 ss:$0x1], $0xffff  }
0x173: {  	v10 =	vld.idx.msk [tilespmem:v4+s18+$0xF0 ss:$0x1], $0xffff  }
0x174: {  	v3 =	vld.idx.msk [tilespmem:v4+s18+$0x100 ss:$0x1], $0xffff  }
0x175: {  	v2 =	vld.idx.msk [tilespmem:v4+s18+$0x110 ss:$0x1], $0xffff  }
0x176: {  	v15 =	vld.idx.msk [tilespmem:v4+s18+$0x40 ss:$0x1], $0xffff  }
0x177: {  	v18 =	vld.idx.msk [tilespmem:v4+s18+$0x50 ss:$0x1], $0xffff  }
0x178: {  	v12 =	vld.idx.msk [tilespmem:v4+s18+$0x60 ss:$0x1], $0xffff  }
0x179: {  	v16 =	vld.idx.msk [tilespmem:v4+s18+$0x70 ss:$0x1], $0xffff  }
0x17a: {  	v6 =	vld.idx.msk [tilespmem:v4+s18+$0x80 ss:$0x1], $0xffff  }
0x17b: {  	v5 =	vld.idx.msk [tilespmem:v4+s18+$0x90 ss:$0x1], $0xffff  }
0x17c: {  	v13 =	vld.idx.msk [tilespmem:v4+s18+$0xFFFFFFC0 ss:$0x1], $0xffff  }
0x17d: {  	v19 =	vld.idx.msk [tilespmem:v4+s18+$0xFFFFFFD0 ss:$0x1], $0xffff  }
0x17e: {  	v23 =	vld.idx.msk [tilespmem:v4+s18+$0xFFFFFFE0 ss:$0x1], $0xffff  }
0x17f: {  	v24 =	vld.idx.msk [tilespmem:v4+s18+$0xFFFFFFF0 ss:$0x1], $0xffff  }
0x180: {  	v20 =	vld.idx.msk [tilespmem:v4+s18+$0xFFFFFF40 ss:$0x1], $0xffff  }
0x181: {  	v25 =	vld.idx.msk [tilespmem:v4+s18+$0xFFFFFF50 ss:$0x1], $0xffff  }
0x182: {  	v21 =	vld.idx.msk [tilespmem:v4+s18+$0xFFFFFEC0 ss:$0x1], $0xffff  }
0x183: {  	v22 =	vld.idx.msk [tilespmem:v4+s18+$0xFFFFFED0 ss:$0x1], $0xffff  }
0x184: {  	v26 =	vld.idx.msk [tilespmem:v4+s18+$0xFFFFFEE0 ss:$0x1], $0xffff  }
0x185: {  	v27 =	vld.idx.msk [tilespmem:v4+s18+$0xFFFFFEF0 ss:$0x1], $0xffff  }
0x186: {  	v28 =	vld.idx.msk [tilespmem:v4+s18+$0xFFFFFF60 ss:$0x1], $0xffff  }
0x187: {  	v29 =	vld.idx.msk [tilespmem:v4+s18+$0xFFFFFF70 ss:$0x1], $0xffff  }
0x188: {  	v11 =	vimm.f32 $0.0e+00;
	v17 =	vld.idx.msk [tilespmem:v4+s18+$0x0 ss:$0x1], $0xffff  }
0x189: {  	v14 =	vld.idx.msk [tilespmem:v4+s18+$0x10 ss:$0x1], $0xffff;
	v30 =	vadd.f32 v21, v11;
	v31 =	vadd.f32 v22, v11  }
0x18a: {  	v21 =	vld.idx.msk [tilespmem:v4+s18+$0xFFFFFF80 ss:$0x1], $0xffff;
	v26 =	vadd.f32 v26, v11;
	v27 =	vadd.f32 v27, v11  }
0x18b: {  	v22 =	vld.idx.msk [tilespmem:v4+s18+$0xFFFFFF90 ss:$0x1], $0xffff;
	v20 =	vadd.f32 v20, v30;
	v31 =	vadd.f32 v25, v31  }
0x18c: {  	v25 =	vld.idx.msk [tilespmem:v4+s18+$0xFFFFFF00 ss:$0x1], $0xffff;
	v28 =	vadd.f32 v28, v26;
	v29 =	vadd.f32 v29, v27  }
0x18d: {  	v26 =	vld.idx.msk [tilespmem:v4+s18+$0xFFFFFF10 ss:$0x1], $0xffff;
	v30 =	vadd.f32 v13, v20;
	v31 =	vadd.f32 v19, v31  }
0x18e: {  	s6 =	simm.s32 $0xA00;
	v27 =	vld.idx.msk [tilespmem:v4+s18+$0xFFFFFF20 ss:$0x1], $0xffff;
	v20 =	vimm.f32 $0.0e+00;
	v19 =	vimm.f32 $0.0e+00;
	v13 =	vimm.f32 $0.0e+00  }
.LBB2_8:
0x18f: {  	p0 =	sne.s32 s6, $0x2800;
	v32 =	vld.idx.msk [tilespmem:v4+s18+$0xFFFFFF30 ss:$0x1], $0xffff;
	v23 =	vadd.f32 v23, v28;
	v24 =	vadd.f32 v24, v29  }
0x190: {  	v28 =	vld.idx.msk [tilespmem:v4+s18+$0xFFFFFFA0 ss:$0x1], $0xffff;
	v15 =	vadd.f32 v15, v30;
	v18 =	vadd.f32 v18, v31  }
0x191: {  	v29 =	vld.idx.msk [tilespmem:v4+s18+$0xFFFFFFB0 ss:$0x1], $0xffff;
	v12 =	vadd.f32 v12, v23;
	v16 =	vadd.f32 v16, v24  }
0x192: {  	v23 =	vld.idx.msk [tilespmem:v4+s18+$0x20 ss:$0x1], $0xffff;
	v30 =	vadd.f32 v7, v15;
	v31 =	vadd.f32 v8, v18  }
0x193: {  	v15 =	vld.idx.msk [tilespmem:v4+s18+$0x30 ss:$0x1], $0xffff;
	v33 =	vadd.f32 v9, v12;
	v34 =	vadd.f32 v10, v16  }
0x194: {  	v7 =	vadd.f32 v25, v11;
	v8 =	vadd.f32 v26, v20;
	v11 =	vld.idx.msk [tilespmem:v4+s18+$0xA0 ss:$0x1], $0xffff  }
0x195: {  	v9 =	vadd.f32 v27, v19;
	v10 =	vadd.f32 v32, v13;
	v12 =	vld.idx.msk [tilespmem:v4+s18+$0xB0 ss:$0x1], $0xffff  }
0x196: {  	v13 =	vadd.f32 v21, v7;
	v8 =	vadd.f32 v22, v8;
	v16 =	vld.idx.msk [tilespmem:v4+s18+$0x120 ss:$0x1], $0xffff  }
0x197: {  	v9 =	vadd.f32 v28, v9;
	v10 =	vadd.f32 v29, v10;
	v18 =	vld.idx.msk [tilespmem:v4+s18+$0x130 ss:$0x1], $0xffff;
	s18 =	sshra.s32 s6, $0x2  }
0x198: {  	v13 =	vadd.f32 v17, v13;
	v14 =	vadd.f32 v14, v8;
	v7 =	vld.idx.msk [tilespmem:v4+s18+$0xC0 ss:$0x1], $0xffff  }
0x199: {  	v17 =	vadd.f32 v23, v9;
	v15 =	vadd.f32 v15, v10;
	v8 =	vld.idx.msk [tilespmem:v4+s18+$0xD0 ss:$0x1], $0xffff  }
0x19a: {  	v6 =	vadd.f32 v6, v13;
	v5 =	vadd.f32 v5, v14;
	v9 =	vld.idx.msk [tilespmem:v4+s18+$0xE0 ss:$0x1], $0xffff  }
0x19b: {  	v13 =	vadd.f32 v11, v17;
	v12 =	vadd.f32 v12, v15;
	v10 =	vld.idx.msk [tilespmem:v4+s18+$0xF0 ss:$0x1], $0xffff  }
0x19c: {  	v11 =	vadd.f32 v3, v6;
	v20 =	vadd.f32 v2, v5;
	v3 =	vld.idx.msk [tilespmem:v4+s18+$0x100 ss:$0x1], $0xffff  }
0x19d: {  	v19 =	vadd.f32 v16, v13;
	v13 =	vadd.f32 v18, v12;
	v2 =	vld.idx.msk [tilespmem:v4+s18+$0x110 ss:$0x1], $0xffff  }
0x19e: {  	v15 =	vld.idx.msk [tilespmem:v4+s18+$0x40 ss:$0x1], $0xffff  }
0x19f: {  	v18 =	vld.idx.msk [tilespmem:v4+s18+$0x50 ss:$0x1], $0xffff  }
0x1a0: {  	v12 =	vld.idx.msk [tilespmem:v4+s18+$0x60 ss:$0x1], $0xffff  }
0x1a1: {  	v16 =	vld.idx.msk [tilespmem:v4+s18+$0x70 ss:$0x1], $0xffff  }
0x1a2: {  	v6 =	vld.idx.msk [tilespmem:v4+s18+$0x80 ss:$0x1], $0xffff  }
0x1a3: {  	v5 =	vld.idx.msk [tilespmem:v4+s18+$0x90 ss:$0x1], $0xffff  }
0x1a4: {  	v32 =	vld.idx.msk [tilespmem:v4+s18+$0xFFFFFFC0 ss:$0x1], $0xffff  }
0x1a5: {  	v35 =	vld.idx.msk [tilespmem:v4+s18+$0xFFFFFFD0 ss:$0x1], $0xffff  }
0x1a6: {  	v23 =	vld.idx.msk [tilespmem:v4+s18+$0xFFFFFFE0 ss:$0x1], $0xffff  }
0x1a7: {  	v24 =	vld.idx.msk [tilespmem:v4+s18+$0xFFFFFFF0 ss:$0x1], $0xffff  }
0x1a8: {  	v26 =	vld.idx.msk [tilespmem:v4+s18+$0xFFFFFF40 ss:$0x1], $0xffff  }
0x1a9: {  	v27 =	vld.idx.msk [tilespmem:v4+s18+$0xFFFFFF50 ss:$0x1], $0xffff  }
0x1aa: {  	v21 =	vld.idx.msk [tilespmem:v4+s18+$0xFFFFFEC0 ss:$0x1], $0xffff  }
0x1ab: {  	v22 =	vld.idx.msk [tilespmem:v4+s18+$0xFFFFFED0 ss:$0x1], $0xffff  }
0x1ac: {  	v25 =	vld.idx.msk [tilespmem:v4+s18+$0xFFFFFEE0 ss:$0x1], $0xffff  }
0x1ad: {  	v28 =	vld.idx.msk [tilespmem:v4+s18+$0xFFFFFEF0 ss:$0x1], $0xffff  }
0x1ae: {  	v29 =	vld.idx.msk [tilespmem:v4+s18+$0xFFFFFF60 ss:$0x1], $0xffff  }
0x1af: {  	v36 =	vld.idx.msk [tilespmem:v4+s18+$0xFFFFFF70 ss:$0x1], $0xffff  }
0x1b0: {  	v17 =	vld.idx.msk [tilespmem:v4+s18+$0x0 ss:$0x1], $0xffff  }
0x1b1: {  	v14 =	vld.idx.msk [tilespmem:v4+s18+$0x10 ss:$0x1], $0xffff  }
.Ltmp2:
0x1b2: {  	v30 =	vadd.f32 v21, v30;
	v31 =	vadd.f32 v22, v31;
	v21 =	vld.idx.msk [tilespmem:v4+s18+$0xFFFFFF80 ss:$0x1], $0xffff;
	(pc) =	sbr.rel @p0 .LBB2_8-.Ltmp2, $4  }
0x1b3: {  	v33 =	vadd.f32 v25, v33;
	v34 =	vadd.f32 v28, v34;
	v22 =	vld.idx.msk [tilespmem:v4+s18+$0xFFFFFF90 ss:$0x1], $0xffff  }
0x1b4: {  	v30 =	vadd.f32 v26, v30;
	v31 =	vadd.f32 v27, v31;
	v25 =	vld.idx.msk [tilespmem:v4+s18+$0xFFFFFF00 ss:$0x1], $0xffff  }
0x1b5: {  	v28 =	vadd.f32 v29, v33;
	v29 =	vadd.f32 v36, v34;
	v26 =	vld.idx.msk [tilespmem:v4+s18+$0xFFFFFF10 ss:$0x1], $0xffff  }
0x1b6: {  	s6 =	sadd.s32 $0xA00, s6;
	v30 =	vadd.f32 v32, v30;
	v31 =	vadd.f32 v35, v31;
	v27 =	vld.idx.msk [tilespmem:v4+s18+$0xFFFFFF20 ss:$0x1], $0xffff  }
0x1b7: {  	_ =	sdelay $0x1  }
0x1b8: {  	v23 =	vadd.f32 v23, v28;
	v24 =	vadd.f32 v24, v29  }
0x1b9: {  	v15 =	vadd.f32 v15, v30;
	v18 =	vadd.f32 v18, v31  }
0x1ba: {  	v49 =	vld.idx.msk [tilespmem:v4+s18+$0xFFFFFF30 ss:$0x1], $0xffff;
	v12 =	vadd.f32 v12, v23;
	v16 =	vadd.f32 v16, v24  }
0x1bb: {  	v50 =	vld.idx.msk [tilespmem:v4+s18+$0xFFFFFFA0 ss:$0x1], $0xffff;
	v11 =	vadd.f32 v25, v11;
	v7 =	vadd.f32 v7, v15  }
0x1bc: {  	v51 =	vld.idx.msk [tilespmem:v4+s18+$0xFFFFFFB0 ss:$0x1], $0xffff;
	v8 =	vadd.f32 v8, v18;
	v53 =	vadd.f32 v26, v20  }
0x1bd: {  	v52 =	vld.idx.msk [tilespmem:v4+s18+$0x20 ss:$0x1], $0xffff;
	v9 =	vadd.f32 v9, v12;
	v10 =	vadd.f32 v10, v16  }
0x1be: {  	v54 =	vld.idx.msk [tilespmem:v4+s18+$0x30 ss:$0x1], $0xffff;
	v19 =	vadd.f32 v27, v19;
	v11 =	vadd.f32 v21, v11  }
0x1bf: {  	v55 =	vld.idx.msk [tilespmem:v4+s18+$0xA0 ss:$0x1], $0xffff;
	v13 =	vadd.f32 v49, v13;
	v16 =	vadd.f32 v22, v53  }
0x1c0: {  	v56 =	vld.idx.msk [tilespmem:v4+s18+$0xB0 ss:$0x1], $0xffff;
	v19 =	vadd.f32 v50, v19;
	v11 =	vadd.f32 v17, v11  }
0x1c1: {  	v57 =	vld.idx.msk [tilespmem:v4+s18+$0x120 ss:$0x1], $0xffff;
	v13 =	vadd.f32 v51, v13;
	v14 =	vadd.f32 v14, v16  }
0x1c2: {  	v58 =	vld.idx.msk [tilespmem:v4+s18+$0x130 ss:$0x1], $0xffff;
	s6 =	sshll.u32 s16, $0x7;
	v7 =	vmul.f32 $3.999999910e-02, v7;
	v12 =	vadd.f32 v52, v19;
	v6 =	vadd.f32 v6, v11  }
0x1c3: {  	s6 =	sand.u32 $0x3FFFFF80, s6;
	v8 =	vmul.f32 $3.999999910e-02, v8;
	v59 =	vadd.f32 v54, v13;
	v5 =	vadd.f32 v5, v14  }
0x1c4: {  	v60 =	vmul.f32 $3.999999910e-02, v9;
	[tilespmem:v1+s6+$0x0 ss:$0x1] =	vst.idx.msk $0xffff, v7;
	v12 =	vadd.f32 v55, v12;
	v3 =	vadd.f32 v3, v6  }
0x1c5: {  	s16 =	sadd.s32 $0x1, s16;
	v62 =	vmul.f32 $3.999999910e-02, v10;
	[tilespmem:v1+s6+$0x10 ss:$0x1] =	vst.idx.msk $0xffff, v8;
	v61 =	vadd.f32 v56, v59;
	v2 =	vadd.f32 v2, v5  }
0x1c6: {  	p0 =	sne.s32 s16, $0x8;
	[tilespmem:v1+s6+$0x20 ss:$0x1] =	vst.idx.msk $0xffff, v60;
	v63 =	vadd.f32 v57, v12;
	v3 =	vmul.f32 $3.999999910e-02, v3  }
.Ltmp3:
0x1c7: {  	[tilespmem:v1+s6+$0x30 ss:$0x1] =	vst.idx.msk $0xffff, v62;
	v4 =	vadd.f32 v58, v61;
	v2 =	vmul.f32 $3.999999910e-02, v2;
	(pc) =	sbr.rel @p0 .LBB2_7-.Ltmp3, $4  }
0x1c8: {  	[tilespmem:v1+s6+$0x40 ss:$0x1] =	vst.idx.msk $0xffff, v3;
	v3 =	vmul.f32 $3.999999910e-02, v63  }
0x1c9: {  	[tilespmem:v1+s6+$0x50 ss:$0x1] =	vst.idx.msk $0xffff, v2;
	v2 =	vmul.f32 $3.999999910e-02, v4  }
0x1ca: {  	[tilespmem:v1+s6+$0x60 ss:$0x1] =	vst.idx.msk $0xffff, v3  }
0x1cb: {  	s14 =	sadd.s32 $0xC80, s14;
	[tilespmem:v1+s6+$0x70 ss:$0x1] =	vst.idx.msk $0xffff, v2  }
0x1cc: {  	p0 =	seq.s32 s1, $0x9  }
0x1cd: {  	s6 =	smul.u32 @!p0 $0x640, s1;
	_ =	sdelay $0x1  }
0x1ce: {  	s6 =	sshra.s32 @!p0 s6, $0x2  }
0x1cf: {  	s16 =	simm.s32 @!p0 $0x30;
	s18 =	simm.s32 @!p0 $0x3380;
	s14 =	sadd.s32 @!p0 $0x2510, s6  }
0x1d0: {  	[tilespmem:s18], [sflag:$0x4] =	stream.indirect.gather @!p0 [hbm4b:s3+s16], $0x80, s14, s16, $0xb8;
	[tilespmem:$0x14B80] =	vst v63  }
0x1d1: {  	s14 =	sadd.s32 @!p0 $0x2540, s6;
	s18 =	simm.s32 @!p0 $0x4B80  }
0x1d2: {  	[tilespmem:s18], [sflag:$0x4] =	stream.indirect.gather @!p0 [hbm4b:s3+s16], $0x80, s14, s16, $0xb8;
	[tilespmem:$0x14B80] =	vst v63  }
0x1d3: {  	s5 =	sshll.u32 s5, $0xA;
	s14 =	sadd.s32 @!p0 $0x2570, s6;
	s18 =	simm.s32 @!p0 $0x6380  }
0x1d4: {  	[tilespmem:s18], [sflag:$0x4] =	stream.indirect.gather @!p0 [hbm4b:s3+s16], $0x80, s14, s16, $0xb8;
	[tilespmem:$0x14B80] =	vst v63  }
0x1d5: {  	s6 =	sadd.s32 @!p0 $0x25A0, s6;
	s14 =	simm.s32 @!p0 $0x38;
	s16 =	simm.s32 @!p0 $0x7B80  }
0x1d6: {  	[tilespmem:s16], [sflag:$0x4] =	stream.indirect.gather @!p0 [hbm4b:s3+s14], $0x80, s6, s14, $0xb8;
	[tilespmem:$0x14B80] =	vst v63  }
0x1d7: {  	s5 =	sand.u32 $0x3FFFFC00, s5;
	_ =	swait.ge [sflag:s30], $0x6400  }
0x1d8: {  	s18 =	sadd.s32 $0xFB80, s5;
	[sflag:s30] =	ssyncset.done $0x0  }
0x1d9: {  	s5 =	simm.s32 $0x0;
	v1 =	vmov s18;
	s14 =	simm.s32 $0x98C0;
	[sflag:s30] =	ssyncadd.s32 $0xFFFF9C00  }
.LBB2_11:
0x1da: {  	v4 =	vmov s14;
	_ =	sdelay $0x3  }
0x1db: {  	s16 =	simm.s32 $0x0  }
0x1dc: {  	v7 =	vld.idx.msk [tilespmem:v4+s16+$0xC0 ss:$0x1], $0xffff  }
0x1dd: {  	v8 =	vld.idx.msk [tilespmem:v4+s16+$0xD0 ss:$0x1], $0xffff  }
0x1de: {  	v9 =	vld.idx.msk [tilespmem:v4+s16+$0xE0 ss:$0x1], $0xffff  }
0x1df: {  	v10 =	vld.idx.msk [tilespmem:v4+s16+$0xF0 ss:$0x1], $0xffff  }
0x1e0: {  	v3 =	vld.idx.msk [tilespmem:v4+s16+$0x100 ss:$0x1], $0xffff  }
0x1e1: {  	v2 =	vld.idx.msk [tilespmem:v4+s16+$0x110 ss:$0x1], $0xffff  }
0x1e2: {  	v15 =	vld.idx.msk [tilespmem:v4+s16+$0x40 ss:$0x1], $0xffff  }
0x1e3: {  	v18 =	vld.idx.msk [tilespmem:v4+s16+$0x50 ss:$0x1], $0xffff  }
0x1e4: {  	v12 =	vld.idx.msk [tilespmem:v4+s16+$0x60 ss:$0x1], $0xffff  }
0x1e5: {  	v16 =	vld.idx.msk [tilespmem:v4+s16+$0x70 ss:$0x1], $0xffff  }
0x1e6: {  	v6 =	vld.idx.msk [tilespmem:v4+s16+$0x80 ss:$0x1], $0xffff  }
0x1e7: {  	v5 =	vld.idx.msk [tilespmem:v4+s16+$0x90 ss:$0x1], $0xffff  }
0x1e8: {  	v13 =	vld.idx.msk [tilespmem:v4+s16+$0xFFFFFFC0 ss:$0x1], $0xffff  }
0x1e9: {  	v19 =	vld.idx.msk [tilespmem:v4+s16+$0xFFFFFFD0 ss:$0x1], $0xffff  }
0x1ea: {  	v23 =	vld.idx.msk [tilespmem:v4+s16+$0xFFFFFFE0 ss:$0x1], $0xffff  }
0x1eb: {  	v24 =	vld.idx.msk [tilespmem:v4+s16+$0xFFFFFFF0 ss:$0x1], $0xffff  }
0x1ec: {  	v20 =	vld.idx.msk [tilespmem:v4+s16+$0xFFFFFF40 ss:$0x1], $0xffff  }
0x1ed: {  	v25 =	vld.idx.msk [tilespmem:v4+s16+$0xFFFFFF50 ss:$0x1], $0xffff  }
0x1ee: {  	v21 =	vld.idx.msk [tilespmem:v4+s16+$0xFFFFFEC0 ss:$0x1], $0xffff  }
0x1ef: {  	v22 =	vld.idx.msk [tilespmem:v4+s16+$0xFFFFFED0 ss:$0x1], $0xffff  }
0x1f0: {  	v26 =	vld.idx.msk [tilespmem:v4+s16+$0xFFFFFEE0 ss:$0x1], $0xffff  }
0x1f1: {  	v27 =	vld.idx.msk [tilespmem:v4+s16+$0xFFFFFEF0 ss:$0x1], $0xffff  }
0x1f2: {  	v28 =	vld.idx.msk [tilespmem:v4+s16+$0xFFFFFF60 ss:$0x1], $0xffff  }
0x1f3: {  	v29 =	vld.idx.msk [tilespmem:v4+s16+$0xFFFFFF70 ss:$0x1], $0xffff  }
0x1f4: {  	v11 =	vimm.f32 $0.0e+00;
	v17 =	vld.idx.msk [tilespmem:v4+s16+$0x0 ss:$0x1], $0xffff  }
0x1f5: {  	v14 =	vld.idx.msk [tilespmem:v4+s16+$0x10 ss:$0x1], $0xffff;
	v30 =	vadd.f32 v21, v11;
	v31 =	vadd.f32 v22, v11  }
0x1f6: {  	v21 =	vld.idx.msk [tilespmem:v4+s16+$0xFFFFFF80 ss:$0x1], $0xffff;
	v26 =	vadd.f32 v26, v11;
	v27 =	vadd.f32 v27, v11  }
0x1f7: {  	v22 =	vld.idx.msk [tilespmem:v4+s16+$0xFFFFFF90 ss:$0x1], $0xffff;
	v20 =	vadd.f32 v20, v30;
	v31 =	vadd.f32 v25, v31  }
0x1f8: {  	v25 =	vld.idx.msk [tilespmem:v4+s16+$0xFFFFFF00 ss:$0x1], $0xffff;
	v28 =	vadd.f32 v28, v26;
	v29 =	vadd.f32 v29, v27  }
0x1f9: {  	v26 =	vld.idx.msk [tilespmem:v4+s16+$0xFFFFFF10 ss:$0x1], $0xffff;
	v30 =	vadd.f32 v13, v20;
	v31 =	vadd.f32 v19, v31  }
0x1fa: {  	s6 =	simm.s32 $0xA00;
	v27 =	vld.idx.msk [tilespmem:v4+s16+$0xFFFFFF20 ss:$0x1], $0xffff;
	v20 =	vimm.f32 $0.0e+00;
	v19 =	vimm.f32 $0.0e+00;
	v13 =	vimm.f32 $0.0e+00  }
.LBB2_12:
0x1fb: {  	p0 =	sne.s32 s6, $0x2800;
	v32 =	vld.idx.msk [tilespmem:v4+s16+$0xFFFFFF30 ss:$0x1], $0xffff;
	v23 =	vadd.f32 v23, v28;
	v24 =	vadd.f32 v24, v29  }
0x1fc: {  	v28 =	vld.idx.msk [tilespmem:v4+s16+$0xFFFFFFA0 ss:$0x1], $0xffff;
	v15 =	vadd.f32 v15, v30;
	v18 =	vadd.f32 v18, v31  }
0x1fd: {  	v29 =	vld.idx.msk [tilespmem:v4+s16+$0xFFFFFFB0 ss:$0x1], $0xffff;
	v12 =	vadd.f32 v12, v23;
	v16 =	vadd.f32 v16, v24  }
0x1fe: {  	v23 =	vld.idx.msk [tilespmem:v4+s16+$0x20 ss:$0x1], $0xffff;
	v30 =	vadd.f32 v7, v15;
	v31 =	vadd.f32 v8, v18  }
0x1ff: {  	v15 =	vld.idx.msk [tilespmem:v4+s16+$0x30 ss:$0x1], $0xffff;
	v33 =	vadd.f32 v9, v12;
	v34 =	vadd.f32 v10, v16  }
0x200: {  	v7 =	vadd.f32 v25, v11;
	v8 =	vadd.f32 v26, v20;
	v11 =	vld.idx.msk [tilespmem:v4+s16+$0xA0 ss:$0x1], $0xffff  }
0x201: {  	v9 =	vadd.f32 v27, v19;
	v10 =	vadd.f32 v32, v13;
	v12 =	vld.idx.msk [tilespmem:v4+s16+$0xB0 ss:$0x1], $0xffff  }
0x202: {  	v13 =	vadd.f32 v21, v7;
	v8 =	vadd.f32 v22, v8;
	v16 =	vld.idx.msk [tilespmem:v4+s16+$0x120 ss:$0x1], $0xffff  }
0x203: {  	v9 =	vadd.f32 v28, v9;
	v10 =	vadd.f32 v29, v10;
	v18 =	vld.idx.msk [tilespmem:v4+s16+$0x130 ss:$0x1], $0xffff;
	s16 =	sshra.s32 s6, $0x2  }
0x204: {  	v13 =	vadd.f32 v17, v13;
	v14 =	vadd.f32 v14, v8;
	v7 =	vld.idx.msk [tilespmem:v4+s16+$0xC0 ss:$0x1], $0xffff  }
0x205: {  	v17 =	vadd.f32 v23, v9;
	v15 =	vadd.f32 v15, v10;
	v8 =	vld.idx.msk [tilespmem:v4+s16+$0xD0 ss:$0x1], $0xffff  }
0x206: {  	v6 =	vadd.f32 v6, v13;
	v5 =	vadd.f32 v5, v14;
	v9 =	vld.idx.msk [tilespmem:v4+s16+$0xE0 ss:$0x1], $0xffff  }
0x207: {  	v13 =	vadd.f32 v11, v17;
	v12 =	vadd.f32 v12, v15;
	v10 =	vld.idx.msk [tilespmem:v4+s16+$0xF0 ss:$0x1], $0xffff  }
0x208: {  	v11 =	vadd.f32 v3, v6;
	v20 =	vadd.f32 v2, v5;
	v3 =	vld.idx.msk [tilespmem:v4+s16+$0x100 ss:$0x1], $0xffff  }
0x209: {  	v19 =	vadd.f32 v16, v13;
	v13 =	vadd.f32 v18, v12;
	v2 =	vld.idx.msk [tilespmem:v4+s16+$0x110 ss:$0x1], $0xffff  }
0x20a: {  	v15 =	vld.idx.msk [tilespmem:v4+s16+$0x40 ss:$0x1], $0xffff  }
0x20b: {  	v18 =	vld.idx.msk [tilespmem:v4+s16+$0x50 ss:$0x1], $0xffff  }
0x20c: {  	v12 =	vld.idx.msk [tilespmem:v4+s16+$0x60 ss:$0x1], $0xffff  }
0x20d: {  	v16 =	vld.idx.msk [tilespmem:v4+s16+$0x70 ss:$0x1], $0xffff  }
0x20e: {  	v6 =	vld.idx.msk [tilespmem:v4+s16+$0x80 ss:$0x1], $0xffff  }
0x20f: {  	v5 =	vld.idx.msk [tilespmem:v4+s16+$0x90 ss:$0x1], $0xffff  }
0x210: {  	v32 =	vld.idx.msk [tilespmem:v4+s16+$0xFFFFFFC0 ss:$0x1], $0xffff  }
0x211: {  	v35 =	vld.idx.msk [tilespmem:v4+s16+$0xFFFFFFD0 ss:$0x1], $0xffff  }
0x212: {  	v23 =	vld.idx.msk [tilespmem:v4+s16+$0xFFFFFFE0 ss:$0x1], $0xffff  }
0x213: {  	v24 =	vld.idx.msk [tilespmem:v4+s16+$0xFFFFFFF0 ss:$0x1], $0xffff  }
0x214: {  	v26 =	vld.idx.msk [tilespmem:v4+s16+$0xFFFFFF40 ss:$0x1], $0xffff  }
0x215: {  	v27 =	vld.idx.msk [tilespmem:v4+s16+$0xFFFFFF50 ss:$0x1], $0xffff  }
0x216: {  	v21 =	vld.idx.msk [tilespmem:v4+s16+$0xFFFFFEC0 ss:$0x1], $0xffff  }
0x217: {  	v22 =	vld.idx.msk [tilespmem:v4+s16+$0xFFFFFED0 ss:$0x1], $0xffff  }
0x218: {  	v25 =	vld.idx.msk [tilespmem:v4+s16+$0xFFFFFEE0 ss:$0x1], $0xffff  }
0x219: {  	v28 =	vld.idx.msk [tilespmem:v4+s16+$0xFFFFFEF0 ss:$0x1], $0xffff  }
0x21a: {  	v29 =	vld.idx.msk [tilespmem:v4+s16+$0xFFFFFF60 ss:$0x1], $0xffff  }
0x21b: {  	v36 =	vld.idx.msk [tilespmem:v4+s16+$0xFFFFFF70 ss:$0x1], $0xffff  }
0x21c: {  	v17 =	vld.idx.msk [tilespmem:v4+s16+$0x0 ss:$0x1], $0xffff  }
0x21d: {  	v14 =	vld.idx.msk [tilespmem:v4+s16+$0x10 ss:$0x1], $0xffff  }
.Ltmp4:
0x21e: {  	v30 =	vadd.f32 v21, v30;
	v31 =	vadd.f32 v22, v31;
	v21 =	vld.idx.msk [tilespmem:v4+s16+$0xFFFFFF80 ss:$0x1], $0xffff;
	(pc) =	sbr.rel @p0 .LBB2_12-.Ltmp4, $4  }
0x21f: {  	v33 =	vadd.f32 v25, v33;
	v34 =	vadd.f32 v28, v34;
	v22 =	vld.idx.msk [tilespmem:v4+s16+$0xFFFFFF90 ss:$0x1], $0xffff  }
0x220: {  	v30 =	vadd.f32 v26, v30;
	v31 =	vadd.f32 v27, v31;
	v25 =	vld.idx.msk [tilespmem:v4+s16+$0xFFFFFF00 ss:$0x1], $0xffff  }
0x221: {  	v28 =	vadd.f32 v29, v33;
	v29 =	vadd.f32 v36, v34;
	v26 =	vld.idx.msk [tilespmem:v4+s16+$0xFFFFFF10 ss:$0x1], $0xffff  }
0x222: {  	s6 =	sadd.s32 $0xA00, s6;
	v30 =	vadd.f32 v32, v30;
	v31 =	vadd.f32 v35, v31;
	v27 =	vld.idx.msk [tilespmem:v4+s16+$0xFFFFFF20 ss:$0x1], $0xffff  }
0x223: {  	_ =	sdelay $0x1  }
0x224: {  	v23 =	vadd.f32 v23, v28;
	v24 =	vadd.f32 v24, v29  }
0x225: {  	v15 =	vadd.f32 v15, v30;
	v18 =	vadd.f32 v18, v31  }
0x226: {  	v49 =	vld.idx.msk [tilespmem:v4+s16+$0xFFFFFF30 ss:$0x1], $0xffff;
	v12 =	vadd.f32 v12, v23;
	v16 =	vadd.f32 v16, v24  }
0x227: {  	v50 =	vld.idx.msk [tilespmem:v4+s16+$0xFFFFFFA0 ss:$0x1], $0xffff;
	v11 =	vadd.f32 v25, v11;
	v7 =	vadd.f32 v7, v15  }
0x228: {  	v51 =	vld.idx.msk [tilespmem:v4+s16+$0xFFFFFFB0 ss:$0x1], $0xffff;
	v8 =	vadd.f32 v8, v18;
	v53 =	vadd.f32 v26, v20  }
0x229: {  	v52 =	vld.idx.msk [tilespmem:v4+s16+$0x20 ss:$0x1], $0xffff;
	v9 =	vadd.f32 v9, v12;
	v10 =	vadd.f32 v10, v16  }
0x22a: {  	v54 =	vld.idx.msk [tilespmem:v4+s16+$0x30 ss:$0x1], $0xffff;
	v19 =	vadd.f32 v27, v19;
	v11 =	vadd.f32 v21, v11  }
0x22b: {  	v55 =	vld.idx.msk [tilespmem:v4+s16+$0xA0 ss:$0x1], $0xffff;
	v13 =	vadd.f32 v49, v13;
	v16 =	vadd.f32 v22, v53  }
0x22c: {  	v56 =	vld.idx.msk [tilespmem:v4+s16+$0xB0 ss:$0x1], $0xffff;
	v19 =	vadd.f32 v50, v19;
	v11 =	vadd.f32 v17, v11  }
0x22d: {  	v57 =	vld.idx.msk [tilespmem:v4+s16+$0x120 ss:$0x1], $0xffff;
	v13 =	vadd.f32 v51, v13;
	v14 =	vadd.f32 v14, v16  }
0x22e: {  	v58 =	vld.idx.msk [tilespmem:v4+s16+$0x130 ss:$0x1], $0xffff;
	s6 =	sshll.u32 s5, $0x7;
	v7 =	vmul.f32 $3.999999910e-02, v7;
	v12 =	vadd.f32 v52, v19;
	v6 =	vadd.f32 v6, v11  }
0x22f: {  	s6 =	sand.u32 $0x3FFFFF80, s6;
	v8 =	vmul.f32 $3.999999910e-02, v8;
	v59 =	vadd.f32 v54, v13;
	v5 =	vadd.f32 v5, v14  }
0x230: {  	v60 =	vmul.f32 $3.999999910e-02, v9;
	[tilespmem:v1+s6+$0x0 ss:$0x1] =	vst.idx.msk $0xffff, v7;
	v12 =	vadd.f32 v55, v12;
	v3 =	vadd.f32 v3, v6  }
0x231: {  	s5 =	sadd.s32 $0x1, s5;
	v62 =	vmul.f32 $3.999999910e-02, v10;
	[tilespmem:v1+s6+$0x10 ss:$0x1] =	vst.idx.msk $0xffff, v8;
	v61 =	vadd.f32 v56, v59;
	v2 =	vadd.f32 v2, v5  }
0x232: {  	p0 =	sne.s32 s5, $0x8;
	[tilespmem:v1+s6+$0x20 ss:$0x1] =	vst.idx.msk $0xffff, v60;
	v63 =	vadd.f32 v57, v12;
	v3 =	vmul.f32 $3.999999910e-02, v3  }
.Ltmp5:
0x233: {  	[tilespmem:v1+s6+$0x30 ss:$0x1] =	vst.idx.msk $0xffff, v62;
	v4 =	vadd.f32 v58, v61;
	v2 =	vmul.f32 $3.999999910e-02, v2;
	(pc) =	sbr.rel @p0 .LBB2_11-.Ltmp5, $4  }
0x234: {  	[tilespmem:v1+s6+$0x40 ss:$0x1] =	vst.idx.msk $0xffff, v3;
	v3 =	vmul.f32 $3.999999910e-02, v63  }
0x235: {  	[tilespmem:v1+s6+$0x50 ss:$0x1] =	vst.idx.msk $0xffff, v2;
	v2 =	vmul.f32 $3.999999910e-02, v4  }
0x236: {  	[tilespmem:v1+s6+$0x60 ss:$0x1] =	vst.idx.msk $0xffff, v3  }
0x237: {  	s14 =	sadd.s32 $0xC80, s14;
	[tilespmem:v1+s6+$0x70 ss:$0x1] =	vst.idx.msk $0xffff, v2  }
0x238: {  	s1 =	sadd.s32 $0x1, s1  }
0x239: {  	p0 =	sne.s32 s1, $0xA  }
.Ltmp6:
0x23a: {  	_ = 	snop;
	(pc) =	sbr.rel @p0 .LBB2_6-.Ltmp6, $1  }
0x23b: {  	_ =	sdelay $0x3  }
0x23c: {  	s31 =	sadd.s32 $0x1, s31  }
0x23d: {  	p0 =	sne.s32 s31, s11  }
.Ltmp7:
0x23e: {  	_ = 	snop;
	(pc) =	sbr.rel @p0 .LBB2_1-.Ltmp7, $4  }
0x23f: {  	[hbm4b:s10+s4] =	stream.linear.scatter [tilespmem:s22], [sflag:$0x6], $0x5000, $0x38;
	[tilespmem:$0x14B80] =	vst v63  }
0x240: {  	_ =	swait.ge [sflag:s12], $0x5000  }
0x241: {  	[sflag:s12] =	ssyncset.done $0x0  }
0x242: {  	[sflag:s12] =	ssyncadd.s32 $0xFFFFB000  }
0x243: {  	_ =	sfence.sel $0x180000  }
0x244: {  	[bflag:$0x0] =	sbarrier.arrive $0xFFFF  }
0x245: {  	_ =	strace $0x90000047  }
0x246: {  	s0 =	stileid.u32;
	[bflag:$0x2] =	sbarrier.arrive $0xFFFF  }
0x247: {  	p0 =	sne.s32 s0, $0x0;
	s0 =	rddreg [dreg:$0x5]  }
0x248: {  	s0 =	sadd.s32 @!p0 $0x100000, s0  }
0x249: {  	[sflag:s0] =	ssyncadd.tile.s32 @!p0 $0x1;
	_ =	shalt  }
.Lfunc_end2:
_tile_overlayer_lowered:
.L_overlay_start_2:
0x24a: {  	(tag) =	ssettag $0x2  }
0x24b: {  	s0 =	rddreg [dreg:$0x0];
	s2 =	stileid.u32  }
0x24c: {  	s1 =	rddreg [dreg:$0x1];
	p0 =	sne.s32 s2, $0x0  }
0x24d: {  	s3 =	rddreg [dreg:$0x2];
	[bflag:$0x3] =	sbarrier.arrive $0xFFFF;
	s2 =	simm.s32 @!p0 $0x1C06  }
0x24e: {  	[timem:s3], [sflag:s2] =	dma.local @!p0 [hbm:s0], s1  }
0x24f: {  	s0 =	simm.s32 @!p0 $0x6  }
0x250: {  	_ =	swait.ge @!p0 [sflag:s0], s1  }
0x251: {  	s1 =	ssub.s32 @!p0 $0x0, s1;
	[sflag:s0] =	ssyncset.done @!p0 $0x0  }
0x252: {  	[sflag:s0] =	ssyncadd.s32 @!p0 s1  }
0x253: {  	[bflag:$0x3] =	sbarrier.arrive $0xFFFF  }
0x254: {  	_ =	shalt  }

</sc_bundles>
